<compile_context>
chip_gen: v7x
topology: tpu7x:2x2x1
jax: 0.10.2.dev20260603
libtpu: 0.0.44.dev20260713+nightly
codegen_flags: <defaults>
</compile_context>

<pallas_src>
import jax
import jax.numpy as jnp
from jax import lax
from jax.experimental import pallas as pl
from jax.experimental.pallas import tpu as pltpu
from jax.experimental.pallas import tpu_sc as plsc

NC = 2
NS = 16
L = 16

CH = 80
NBUF = 4
PF = 2
SD = 3

_ZR = 1000


def _sc_aggregate(n_nodes, d, n_edges, with_counts):
    nw = NC * NS
    ept = n_edges // nw
    assert ept * nw == n_edges and ept % CH == 0
    n_chunks = ept // CH
    assert PF < SD < NBUF
    assert n_nodes % _ZR == 0

    mesh = plsc.VectorSubcoreMesh(core_axis_name="c", subcore_axis_name="s")

    out_type = [jax.ShapeDtypeStruct((NC, n_nodes, d), jnp.float32)]
    if with_counts:
        out_type.append(jax.ShapeDtypeStruct((NC, n_nodes), jnp.float32))

    scratch = [
        pltpu.VMEM_SHARED((n_nodes, d), jnp.float32),
    ]
    scratch += [pltpu.SemaphoreType.DMA for _ in range(3 * NBUF)]
    scratch += [pltpu.VMEM((CH, d), jnp.float32) for _ in range(NBUF)]
    scratch += [pltpu.VMEM((CH,), jnp.int32) for _ in range(NBUF)]
    scratch += [pltpu.VMEM((CH,), jnp.int32) for _ in range(NBUF)]
    if with_counts:
        scratch += [
            pltpu.VMEM_SHARED((n_nodes,), jnp.float32),
            pltpu.VMEM((CH,), jnp.float32),
        ]

    def body(feat, src, dst, zf, z1, *rest):
        k = 1 + (1 if with_counts else 0)
        parts = rest[0]
        cnts = rest[1] if with_counts else None
        agg_sh = rest[k]
        p = k + 1
        gsem = list(rest[p:p + NBUF])
        dsem = list(rest[p + NBUF:p + 2 * NBUF])
        ssem = list(rest[p + 2 * NBUF:p + 3 * NBUF])
        p += 3 * NBUF
        rows = list(rest[p:p + NBUF])
        dring = list(rest[p + NBUF:p + 2 * NBUF])
        sring = list(rest[p + 2 * NBUF:p + 3 * NBUF])
        if with_counts:
            cnt_sh, ones_v = rest[p + 3 * NBUF:]
        else:
            cnt_sh = ones_v = None
        cid = lax.axis_index("c")
        sid = lax.axis_index("s")
        wid = cid * NS + sid
        base = wid * ept

        def issue_idx(c, slot):
            pltpu.async_copy(src.at[pl.ds(base + c * CH, CH)], sring[slot],
                             ssem[slot])
            pltpu.async_copy(dst.at[pl.ds(base + c * CH, CH)], dring[slot],
                             dsem[slot])

        def issue_gather(c, slot):
            pltpu.make_async_copy(src.at[pl.ds(base + c * CH, CH)],
                                  sring[slot], ssem[slot]).wait()
            pltpu.async_copy(feat.at[sring[slot]], rows[slot],
                             gsem[slot])

        for c0 in range(SD):
            issue_idx(c0, c0)
        for c0 in range(PF):
            issue_gather(c0, c0)

        r_lo = n_nodes // NS // 8 * 8
        r_hi = n_nodes - r_lo * (NS - 1)
        row0 = sid * r_lo

        @pl.when(sid < NS - 1)
        def _():
            pltpu.sync_copy(zf.at[pl.ds(0, r_lo)],
                            agg_sh.at[pl.ds(row0, r_lo)])

        @pl.when(sid == NS - 1)
        def _():
            pltpu.sync_copy(zf.at[pl.ds(0, r_hi)],
                            agg_sh.at[pl.ds(row0, r_hi)])
        if with_counts:
            @pl.when(sid == 0)
            def _():
                pltpu.sync_copy(z1, cnt_sh)
        if with_counts:
            for q in range(CH // L):
                ones_v[pl.ds(q * L, L)] = jnp.ones((L,), jnp.float32)
        plsc.subcore_barrier()

        def turn(c, j):
            ij = (j + SD) % NBUF
            gj = (j + PF) % NBUF

            @pl.when(c + SD < n_chunks)
            def _():
                issue_idx(c + SD, ij)

            @pl.when(c + PF < n_chunks)
            def _():
                issue_gather(c + PF, gj)
            pltpu.make_async_copy(feat.at[sring[j]], rows[j],
                                  gsem[j]).wait()
            pltpu.make_async_copy(dst.at[pl.ds(base + c * CH, CH)], dring[j],
                                  dsem[j]).wait()
            pltpu.sync_copy(rows[j], agg_sh.at[dring[j]], add=True)
            if with_counts:
                pltpu.sync_copy(ones_v, cnt_sh.at[dring[j]], add=True)

        def super_turn(t, _):
            for j in range(NBUF):
                turn(t * NBUF + j, j)
            return 0

        n_full = n_chunks // NBUF
        lax.fori_loop(0, n_full, super_turn, 0)
        for jj in range(n_chunks % NBUF):
            turn(n_full * NBUF + jj, jj)

        plsc.subcore_barrier()

        @pl.when(sid < NS - 1)
        def _():
            pltpu.sync_copy(agg_sh.at[pl.ds(row0, r_lo)],
                            parts.at[cid, pl.ds(row0, r_lo)])

        @pl.when(sid == NS - 1)
        def _():
            pltpu.sync_copy(agg_sh.at[pl.ds(row0, r_hi)],
                            parts.at[cid, pl.ds(row0, r_hi)])
        if with_counts:
            @pl.when(sid == 0)
            def _():
                pltpu.sync_copy(cnt_sh, cnts.at[cid])

    kern = pl.kernel(body, out_type=tuple(out_type), mesh=mesh,
                     scratch_types=scratch)
    return kern


_BLK = 1000


def _tc_split(ei, d):
    e = ei.shape[1]

    def body(ei_r, s_r, d_r, zf_r):
        s_r[...] = ei_r[0]
        d_r[...] = ei_r[1]
        zf_r[...] = jnp.zeros_like(zf_r)

    return pl.pallas_call(
        body,
        out_shape=[
            jax.ShapeDtypeStruct((e,), jnp.int32),
            jax.ShapeDtypeStruct((e,), jnp.int32),
            jax.ShapeDtypeStruct((_ZR, d), jnp.float32),
        ],
    )(ei)


def _tc_self(x_self, W_r, b):
    n, d = x_self.shape
    h = W_r.shape[1]

    def body(x_r, wr_r, b_r, o_r):
        o_r[...] = (jnp.dot(x_r[...], wr_r[...],
                            preferred_element_type=jnp.float32) + b_r[...])

    grid = (n // _BLK,)
    row_spec = pl.BlockSpec((_BLK, d), lambda i: (i, 0))
    w_spec = pl.BlockSpec((d, h), lambda i: (0, 0))
    b_spec = pl.BlockSpec((1, h), lambda i: (0, 0))
    return pl.pallas_call(
        body,
        grid=grid,
        in_specs=[row_spec, w_spec, b_spec],
        out_specs=pl.BlockSpec((_BLK, h), lambda i: (i, 0)),
        out_shape=jax.ShapeDtypeStruct((n, h), jnp.float32),
    )(x_self, W_r, b.reshape(1, h))


def _tc_combine(parts, cnts, t_self, W_l, relu):
    n, h = t_self.shape
    d = parts.shape[2]
    blk = _BLK
    assert n % blk == 0

    def body(p_r, c_r, t_r, wl_r, o_r):
        agg = p_r[0] + p_r[1]
        cnt = c_r[0] + c_r[1]
        recip = (1.0 / jnp.maximum(cnt, 1.0))[:, None]
        mean = agg * recip
        out = (jnp.dot(mean, wl_r[...], preferred_element_type=jnp.float32)
               + t_r[...])
        if relu:
            out = jnp.maximum(out, 0.0)
        o_r[...] = out

    return pl.pallas_call(
        body,
        out_shape=jax.ShapeDtypeStruct((n, h), jnp.float32),
    )(parts, cnts, t_self, W_l)


def kernel(x, edge_index, W1_l, b1, W1_r, W2_l, b2, W2_r):
    n, d = x.shape
    e = edge_index.shape[1]
    ei = edge_index.astype(jnp.int32)
    src, dst, zf = _tc_split(ei, d)
    z1 = jnp.zeros((n,), jnp.float32)

    t1 = _tc_self(x, W1_r, b1)
    sc1 = _sc_aggregate(n, d, e, with_counts=True)
    parts1, cnts = sc1(x, src, dst, zf, z1)

    h = _tc_combine(parts1, cnts, t1, W1_l, relu=True)

    t2 = _tc_self(h, W2_r, b2)
    sc2 = _sc_aggregate(n, d, e, with_counts=False)
    (parts2,) = sc2(h, src, dst, zf, z1)

    out = _tc_combine(parts2, cnts, t2, W2_l, relu=False)
    return out

# --- scband reference (transcript-rebuilt; emitter-appended) ---
"""Pipeline reference for scband-simple-gnn-53850299957912 (READ-ONLY COPY).

The authoritative reference and input builder live on the scoring server;
editing this copy changes nothing except your own understanding.
"""

import jax, jax.numpy as jnp
import numpy as np

N_NODES = 10000
D_FEAT = 128
HIDDEN = 128
N_EDGES = 320000

def setup_inputs(seed: int = 0) -> dict:
    key = jax.random.key(seed)
    ks = jax.random.split(key, 8)
    x = jax.random.normal(ks[0], (N_NODES, D_FEAT), dtype=jnp.float32)
    edge_index = jax.random.randint(ks[1], (2, N_EDGES), 0, N_NODES, dtype=jnp.int64)
    s1 = 1.0 / np.sqrt(D_FEAT)
    s2 = 1.0 / np.sqrt(HIDDEN)
    W1_l = jax.random.uniform(ks[2], (D_FEAT, HIDDEN), jnp.float32, -s1, s1)
    b1 = jnp.zeros((HIDDEN,), dtype=jnp.float32)
    W1_r = jax.random.uniform(ks[3], (D_FEAT, HIDDEN), jnp.float32, -s1, s1)
    W2_l = jax.random.uniform(ks[4], (HIDDEN, HIDDEN), jnp.float32, -s2, s2)
    b2 = jnp.zeros((HIDDEN,), dtype=jnp.float32)
    W2_r = jax.random.uniform(ks[5], (HIDDEN, HIDDEN), jnp.float32, -s2, s2)
    return {"x": x, "edge_index": edge_index, "W1_l": W1_l, "b1": b1, "W1_r": W1_r, "W2_l": W2_l, "b2": b2, "W2_r": W2_r}


def _sage_conv(x, src, dst, W_l, b_l, W_r, num_nodes):
    # mean aggregation of neighbor features x_j onto dst nodes
    msgs = jnp.take(x, src, axis=0)
    agg = jax.ops.segment_sum(msgs, dst, num_segments=num_nodes)
    cnt = jax.ops.segment_sum(jnp.ones((src.shape[0],), dtype=x.dtype), dst, num_segments=num_nodes)
    mean = agg / jnp.maximum(cnt, 1.0)[:, None]
    # SAGEConv: lin_l(aggr) + lin_r(x_self); bias lives in lin_l
    return mean @ W_l + b_l + x @ W_r


def reference(x, edge_index, W1_l, b1, W1_r, W2_l, b2, W2_r):
    src = edge_index[0]
    dst = edge_index[1]
    n = x.shape[0]
    h = _sage_conv(x, src, dst, W1_l, b1, W1_r, n)
    h = jax.nn.relu(h)
    out = _sage_conv(h, src, dst, W2_l, b2, W2_r, n)
    return out

if __name__ == "__main__":
    import jax
    _d = setup_inputs()
    print(jax.jit(kernel)(*tuple(_d.values())))

</pallas_src>

<mosaic_0001>
#map = affine_map<(d0, d1) -> (0, 0)>
#map1 = affine_map<(d0, d1) -> (0)>
#map2 = affine_map<(d0, d1) -> (0, 0, 0)>
module attributes {stable_mosaic.version = 14 : i64} {
  func.func @body(%arg0: i32, %arg1: i32, %arg2: memref<10000x128xf32, #tpu.memory_space<hbm>>, %arg3: memref<320000xi32, #tpu.memory_space<hbm>>, %arg4: memref<320000xi32, #tpu.memory_space<hbm>>, %arg5: memref<1000x128xf32, #tpu.memory_space<hbm>>, %arg6: memref<10000xf32, #tpu.memory_space<hbm>>, %arg7: memref<2x10000x128xf32, #tpu.memory_space<hbm>>, %arg8: memref<2x10000xf32, #tpu.memory_space<hbm>>, %arg9: memref<10000x128xf32, #tpu.memory_space<vmem_shared>>, %arg10: memref<!tpu.dma_semaphore, #tpu.memory_space<semaphore_mem>>, %arg11: memref<!tpu.dma_semaphore, #tpu.memory_space<semaphore_mem>>, %arg12: memref<!tpu.dma_semaphore, #tpu.memory_space<semaphore_mem>>, %arg13: memref<!tpu.dma_semaphore, #tpu.memory_space<semaphore_mem>>, %arg14: memref<!tpu.dma_semaphore, #tpu.memory_space<semaphore_mem>>, %arg15: memref<!tpu.dma_semaphore, #tpu.memory_space<semaphore_mem>>, %arg16: memref<!tpu.dma_semaphore, #tpu.memory_space<semaphore_mem>>, %arg17: memref<!tpu.dma_semaphore, #tpu.memory_space<semaphore_mem>>, %arg18: memref<!tpu.dma_semaphore, #tpu.memory_space<semaphore_mem>>, %arg19: memref<!tpu.dma_semaphore, #tpu.memory_space<semaphore_mem>>, %arg20: memref<!tpu.dma_semaphore, #tpu.memory_space<semaphore_mem>>, %arg21: memref<!tpu.dma_semaphore, #tpu.memory_space<semaphore_mem>>, %arg22: memref<80x128xf32, #tpu.memory_space<vmem>>, %arg23: memref<80x128xf32, #tpu.memory_space<vmem>>, %arg24: memref<80x128xf32, #tpu.memory_space<vmem>>, %arg25: memref<80x128xf32, #tpu.memory_space<vmem>>, %arg26: memref<80xi32, #tpu.memory_space<vmem>>, %arg27: memref<80xi32, #tpu.memory_space<vmem>>, %arg28: memref<80xi32, #tpu.memory_space<vmem>>, %arg29: memref<80xi32, #tpu.memory_space<vmem>>, %arg30: memref<80xi32, #tpu.memory_space<vmem>>, %arg31: memref<80xi32, #tpu.memory_space<vmem>>, %arg32: memref<80xi32, #tpu.memory_space<vmem>>, %arg33: memref<80xi32, #tpu.memory_space<vmem>>, %arg34: memref<10000xf32, #tpu.memory_space<vmem_shared>>, %arg35: memref<80xf32, #tpu.memory_space<vmem>>) attributes {dimension_semantics = [#tpu.dimension_semantics<core_parallel>, #tpu.dimension_semantics<subcore_parallel>], iteration_bounds = array<i64: 2, 16>, scalar_prefetch = 0 : i64, scratch_operands = 27 : i64, tpu.core_type = #tpu.core_type<sc_vector_subcore>, window_params = [{transform_indices = #map}, {transform_indices = #map1}, {transform_indices = #map1}, {transform_indices = #map}, {transform_indices = #map1}, {transform_indices = #map2}, {transform_indices = #map}]} {
    %mul3A = arith.constant 16 : i32
    %mul3A_0 = arith.muli %arg0, %mul3A : i32
    %add3A = arith.addi %mul3A_0, %arg1 : i32
    %mul3A_1 = arith.constant 10000 : i32
    %mul3A_2 = arith.muli %add3A, %mul3A_1 : i32
    %add3A_3 = arith.constant 0 : i32
    %add3A_4 = arith.addi %mul3A_2, %add3A_3 : i32
    %dma_start3A = tpu.memref_slice %arg3[%add3A_4] : memref<320000xi32, #tpu.memory_space<hbm>> -> memref<80xi32, #tpu.memory_space<hbm>>
    %dma_start3A_5 = tpu.memref_slice %arg3[%add3A_4] : memref<320000xi32, #tpu.memory_space<hbm>> -> memref<80xi32, #tpu.memory_space<hbm>>
    tpu.enqueue_dma source(%dma_start3A_5 : memref<80xi32, #tpu.memory_space<hbm>>) target(%arg30 : memref<80xi32, #tpu.memory_space<vmem>>) target_semaphore(%arg18 : memref<!tpu.dma_semaphore, #tpu.memory_space<semaphore_mem>>)
    %add3A_6 = arith.constant 0 : i32
    %add3A_7 = arith.addi %mul3A_2, %add3A_6 : i32
    %dma_start3A_8 = tpu.memref_slice %arg4[%add3A_7] : memref<320000xi32, #tpu.memory_space<hbm>> -> memref<80xi32, #tpu.memory_space<hbm>>
    %dma_start3A_9 = tpu.memref_slice %arg4[%add3A_7] : memref<320000xi32, #tpu.memory_space<hbm>> -> memref<80xi32, #tpu.memory_space<hbm>>
    tpu.enqueue_dma source(%dma_start3A_9 : memref<80xi32, #tpu.memory_space<hbm>>) target(%arg26 : memref<80xi32, #tpu.memory_space<vmem>>) target_semaphore(%arg14 : memref<!tpu.dma_semaphore, #tpu.memory_space<semaphore_mem>>)
    %add3A_10 = arith.constant 80 : i32
    %add3A_11 = arith.addi %mul3A_2, %add3A_10 : i32
    %dma_start3A_12 = tpu.memref_slice %arg3[%add3A_11] : memref<320000xi32, #tpu.memory_space<hbm>> -> memref<80xi32, #tpu.memory_space<hbm>>
    %dma_start3A_13 = tpu.memref_slice %arg3[%add3A_11] : memref<320000xi32, #tpu.memory_space<hbm>> -> memref<80xi32, #tpu.memory_space<hbm>>
    tpu.enqueue_dma source(%dma_start3A_13 : memref<80xi32, #tpu.memory_space<hbm>>) target(%arg31 : memref<80xi32, #tpu.memory_space<vmem>>) target_semaphore(%arg19 : memref<!tpu.dma_semaphore, #tpu.memory_space<semaphore_mem>>)
    %add3A_14 = arith.constant 80 : i32
    %add3A_15 = arith.addi %mul3A_2, %add3A_14 : i32
    %dma_start3A_16 = tpu.memref_slice %arg4[%add3A_15] : memref<320000xi32, #tpu.memory_space<hbm>> -> memref<80xi32, #tpu.memory_space<hbm>>
    %dma_start3A_17 = tpu.memref_slice %arg4[%add3A_15] : memref<320000xi32, #tpu.memory_space<hbm>> -> memref<80xi32, #tpu.memory_space<hbm>>
    tpu.enqueue_dma source(%dma_start3A_17 : memref<80xi32, #tpu.memory_space<hbm>>) target(%arg27 : memref<80xi32, #tpu.memory_space<vmem>>) target_semaphore(%arg15 : memref<!tpu.dma_semaphore, #tpu.memory_space<semaphore_mem>>)
    %add3A_18 = arith.constant 160 : i32
    %add3A_19 = arith.addi %mul3A_2, %add3A_18 : i32
    %dma_start3A_20 = tpu.memref_slice %arg3[%add3A_19] : memref<320000xi32, #tpu.memory_space<hbm>> -> memref<80xi32, #tpu.memory_space<hbm>>
    %dma_start3A_21 = tpu.memref_slice %arg3[%add3A_19] : memref<320000xi32, #tpu.memory_space<hbm>> -> memref<80xi32, #tpu.memory_space<hbm>>
    tpu.enqueue_dma source(%dma_start3A_21 : memref<80xi32, #tpu.memory_space<hbm>>) target(%arg32 : memref<80xi32, #tpu.memory_space<vmem>>) target_semaphore(%arg20 : memref<!tpu.dma_semaphore, #tpu.memory_space<semaphore_mem>>)
    %add3A_22 = arith.constant 160 : i32
    %add3A_23 = arith.addi %mul3A_2, %add3A_22 : i32
    %dma_start3A_24 = tpu.memref_slice %arg4[%add3A_23] : memref<320000xi32, #tpu.memory_space<hbm>> -> memref<80xi32, #tpu.memory_space<hbm>>
    %dma_start3A_25 = tpu.memref_slice %arg4[%add3A_23] : memref<320000xi32, #tpu.memory_space<hbm>> -> memref<80xi32, #tpu.memory_space<hbm>>
    tpu.enqueue_dma source(%dma_start3A_25 : memref<80xi32, #tpu.memory_space<hbm>>) target(%arg28 : memref<80xi32, #tpu.memory_space<vmem>>) target_semaphore(%arg16 : memref<!tpu.dma_semaphore, #tpu.memory_space<semaphore_mem>>)
    %add3A_26 = arith.constant 0 : i32
    %add3A_27 = arith.addi %mul3A_2, %add3A_26 : i32
    %dma_wait3A = tpu.memref_slice %arg3[%add3A_27] : memref<320000xi32, #tpu.memory_space<hbm>> -> memref<80xi32, #tpu.memory_space<hbm>>
    %dma_wait3A_28 = tpu.memref_slice %arg3[%add3A_27] : memref<320000xi32, #tpu.memory_space<hbm>> -> memref<80xi32, #tpu.memory_space<hbm>>
    tpu.wait_dma2 semaphore(%arg18 : memref<!tpu.dma_semaphore, #tpu.memory_space<semaphore_mem>>) src(%dma_wait3A_28 : memref<80xi32, #tpu.memory_space<hbm>>) dst(%arg30 : memref<80xi32, #tpu.memory_space<vmem>>)
    %dma_start3A_29 = arith.constant 0 : i32
    %dma_start3A_30 = arith.constant 0 : i32
    %dma_start3A_31 = tpu.memref_slice %arg2[%dma_start3A_29, %dma_start3A_30] : memref<10000x128xf32, #tpu.memory_space<hbm>> -> memref<10000x128xf32, #tpu.memory_space<hbm>>
    tpu.enqueue_indirect_dma source(%dma_start3A_31 : memref<10000x128xf32, #tpu.memory_space<hbm>>) target(%arg22 : memref<80x128xf32, #tpu.memory_space<vmem>>) offsets(%arg30 : memref<80xi32, #tpu.memory_space<vmem>>) semaphore(%arg10 : memref<!tpu.dma_semaphore, #tpu.memory_space<semaphore_mem>>)
    %add3A_32 = arith.constant 80 : i32
    %add3A_33 = arith.addi %mul3A_2, %add3A_32 : i32
    %dma_wait3A_34 = tpu.memref_slice %arg3[%add3A_33] : memref<320000xi32, #tpu.memory_space<hbm>> -> memref<80xi32, #tpu.memory_space<hbm>>
    %dma_wait3A_35 = tpu.memref_slice %arg3[%add3A_33] : memref<320000xi32, #tpu.memory_space<hbm>> -> memref<80xi32, #tpu.memory_space<hbm>>
    tpu.wait_dma2 semaphore(%arg19 : memref<!tpu.dma_semaphore, #tpu.memory_space<semaphore_mem>>) src(%dma_wait3A_35 : memref<80xi32, #tpu.memory_space<hbm>>) dst(%arg31 : memref<80xi32, #tpu.memory_space<vmem>>)
    %dma_start3A_36 = arith.constant 0 : i32
    %dma_start3A_37 = arith.constant 0 : i32
    %dma_start3A_38 = tpu.memref_slice %arg2[%dma_start3A_36, %dma_start3A_37] : memref<10000x128xf32, #tpu.memory_space<hbm>> -> memref<10000x128xf32, #tpu.memory_space<hbm>>
    tpu.enqueue_indirect_dma source(%dma_start3A_38 : memref<10000x128xf32, #tpu.memory_space<hbm>>) target(%arg23 : memref<80x128xf32, #tpu.memory_space<vmem>>) offsets(%arg31 : memref<80xi32, #tpu.memory_space<vmem>>) semaphore(%arg11 : memref<!tpu.dma_semaphore, #tpu.memory_space<semaphore_mem>>)
    %mul3A_39 = arith.constant 624 : i32
    %mul3A_40 = arith.muli %arg1, %mul3A_39 : i32
    %lt3A = arith.constant 15 : i32
    %lt3A_41 = arith.cmpi slt, %arg1, %lt3A : i32
    %convert_element_type3A = arith.extui %lt3A_41 : i1 to i32
    %cond3A = arith.constant 0 : i32
    %cond3A_42 = arith.cmpi ne, %convert_element_type3A, %cond3A : i32
    scf.if %cond3A_42 {
      "tpu.region"() ({
        %run_scoped3A = tpu.sem_alloc : memref<!tpu.dma_semaphore, #tpu.memory_space<semaphore_mem>>
        %dma_start3A_109 = arith.constant 0 : i32
        %dma_start3A_110 = tpu.memref_slice %arg9[%mul3A_40, %dma_start3A_109] : memref<10000x128xf32, #tpu.memory_space<vmem_shared>> -> memref<624x128xf32, #tpu.memory_space<vmem_shared>>
        %dma_start3A_111 = arith.constant 0 : i32
        %dma_start3A_112 = arith.constant 0 : i32
        %dma_start3A_113 = tpu.memref_slice %arg5[%dma_start3A_111, %dma_start3A_112] : memref<1000x128xf32, #tpu.memory_space<hbm>> -> memref<624x128xf32, #tpu.memory_space<hbm>>
        tpu.enqueue_dma source(%dma_start3A_113 : memref<624x128xf32, #tpu.memory_space<hbm>>) target(%dma_start3A_110 : memref<624x128xf32, #tpu.memory_space<vmem_shared>>) target_semaphore(%run_scoped3A : memref<!tpu.dma_semaphore, #tpu.memory_space<semaphore_mem>>)
        %dma_wait3A_114 = arith.constant 0 : i32
        %dma_wait3A_115 = tpu.memref_slice %arg9[%mul3A_40, %dma_wait3A_114] : memref<10000x128xf32, #tpu.memory_space<vmem_shared>> -> memref<624x128xf32, #tpu.memory_space<vmem_shared>>
        %dma_wait3A_116 = arith.constant 0 : i32
        %dma_wait3A_117 = arith.constant 0 : i32
        %dma_wait3A_118 = tpu.memref_slice %arg5[%dma_wait3A_116, %dma_wait3A_117] : memref<1000x128xf32, #tpu.memory_space<hbm>> -> memref<624x128xf32, #tpu.memory_space<hbm>>
        tpu.wait_dma2 semaphore(%run_scoped3A : memref<!tpu.dma_semaphore, #tpu.memory_space<semaphore_mem>>) src(%dma_wait3A_118 : memref<624x128xf32, #tpu.memory_space<hbm>>) dst(%dma_wait3A_115 : memref<624x128xf32, #tpu.memory_space<vmem_shared>>)
        tpu.yield
      }) : () -> ()
    } else {
    }
    %eq3A = arith.constant 15 : i32
    %eq3A_43 = arith.cmpi eq, %arg1, %eq3A : i32
    %convert_element_type3A_44 = arith.extui %eq3A_43 : i1 to i32
    %cond3A_45 = arith.constant 0 : i32
    %cond3A_46 = arith.cmpi ne, %convert_element_type3A_44, %cond3A_45 : i32
    scf.if %cond3A_46 {
      "tpu.region"() ({
        %run_scoped3A = tpu.sem_alloc : memref<!tpu.dma_semaphore, #tpu.memory_space<semaphore_mem>>
        %dma_start3A_109 = arith.constant 0 : i32
        %dma_start3A_110 = tpu.memref_slice %arg9[%mul3A_40, %dma_start3A_109] : memref<10000x128xf32, #tpu.memory_space<vmem_shared>> -> memref<640x128xf32, #tpu.memory_space<vmem_shared>>
        %dma_start3A_111 = arith.constant 0 : i32
        %dma_start3A_112 = arith.constant 0 : i32
        %dma_start3A_113 = tpu.memref_slice %arg5[%dma_start3A_111, %dma_start3A_112] : memref<1000x128xf32, #tpu.memory_space<hbm>> -> memref<640x128xf32, #tpu.memory_space<hbm>>
        tpu.enqueue_dma source(%dma_start3A_113 : memref<640x128xf32, #tpu.memory_space<hbm>>) target(%dma_start3A_110 : memref<640x128xf32, #tpu.memory_space<vmem_shared>>) target_semaphore(%run_scoped3A : memref<!tpu.dma_semaphore, #tpu.memory_space<semaphore_mem>>)
        %dma_wait3A_114 = arith.constant 0 : i32
        %dma_wait3A_115 = tpu.memref_slice %arg9[%mul3A_40, %dma_wait3A_114] : memref<10000x128xf32, #tpu.memory_space<vmem_shared>> -> memref<640x128xf32, #tpu.memory_space<vmem_shared>>
        %dma_wait3A_116 = arith.constant 0 : i32
        %dma_wait3A_117 = arith.constant 0 : i32
        %dma_wait3A_118 = tpu.memref_slice %arg5[%dma_wait3A_116, %dma_wait3A_117] : memref<1000x128xf32, #tpu.memory_space<hbm>> -> memref<640x128xf32, #tpu.memory_space<hbm>>
        tpu.wait_dma2 semaphore(%run_scoped3A : memref<!tpu.dma_semaphore, #tpu.memory_space<semaphore_mem>>) src(%dma_wait3A_118 : memref<640x128xf32, #tpu.memory_space<hbm>>) dst(%dma_wait3A_115 : memref<640x128xf32, #tpu.memory_space<vmem_shared>>)
        tpu.yield
      }) : () -> ()
    } else {
    }
    %eq3A_47 = arith.constant 0 : i32
    %eq3A_48 = arith.cmpi eq, %arg1, %eq3A_47 : i32
    %convert_element_type3A_49 = arith.extui %eq3A_48 : i1 to i32
    %cond3A_50 = arith.constant 0 : i32
    %cond3A_51 = arith.cmpi ne, %convert_element_type3A_49, %cond3A_50 : i32
    scf.if %cond3A_51 {
      "tpu.region"() ({
        %run_scoped3A = tpu.sem_alloc : memref<!tpu.dma_semaphore, #tpu.memory_space<semaphore_mem>>
        tpu.enqueue_dma source(%arg6 : memref<10000xf32, #tpu.memory_space<hbm>>) target(%arg34 : memref<10000xf32, #tpu.memory_space<vmem_shared>>) target_semaphore(%run_scoped3A : memref<!tpu.dma_semaphore, #tpu.memory_space<semaphore_mem>>)
        tpu.wait_dma2 semaphore(%run_scoped3A : memref<!tpu.dma_semaphore, #tpu.memory_space<semaphore_mem>>) src(%arg6 : memref<10000xf32, #tpu.memory_space<hbm>>) dst(%arg34 : memref<10000xf32, #tpu.memory_space<vmem_shared>>)
        tpu.yield
      }) : () -> ()
    } else {
    }
    %broadcast_in_dim3A = arith.constant 1.000000e+00 : f32
    %broadcast_in_dim3A_52 = vector.broadcast %broadcast_in_dim3A : f32 to vector<16xf32>
    %swap3A = arith.constant 0 : index
    %swap3A_53 = tpu.vector_load %arg35[%swap3A] {strides = array<i32>} : memref<80xf32, #tpu.memory_space<vmem>>, vector<16xf32>,
    %swap3A_54 = vector.shape_cast %swap3A_53 : vector<16xf32> to vector<16xf32>
    %swap3A_55 = vector.shape_cast %broadcast_in_dim3A_52 : vector<16xf32> to vector<16xf32>
    tpu.vector_store %arg35[%swap3A], %swap3A_55 {strides = array<i32>} : memref<80xf32, #tpu.memory_space<vmem>>, vector<16xf32>,
    %broadcast_in_dim3A_56 = arith.constant 1.000000e+00 : f32
    %broadcast_in_dim3A_57 = vector.broadcast %broadcast_in_dim3A_56 : f32 to vector<16xf32>
    %swap3A_58 = arith.constant 16 : index
    %swap3A_59 = tpu.vector_load %arg35[%swap3A_58] {strides = array<i32>} : memref<80xf32, #tpu.memory_space<vmem>>, vector<16xf32>,
    %swap3A_60 = vector.shape_cast %swap3A_59 : vector<16xf32> to vector<16xf32>
    %swap3A_61 = vector.shape_cast %broadcast_in_dim3A_57 : vector<16xf32> to vector<16xf32>
    tpu.vector_store %arg35[%swap3A_58], %swap3A_61 {strides = array<i32>} : memref<80xf32, #tpu.memory_space<vmem>>, vector<16xf32>,
    %broadcast_in_dim3A_62 = arith.constant 1.000000e+00 : f32
    %broadcast_in_dim3A_63 = vector.broadcast %broadcast_in_dim3A_62 : f32 to vector<16xf32>
    %swap3A_64 = arith.constant 32 : index
    %swap3A_65 = tpu.vector_load %arg35[%swap3A_64] {strides = array<i32>} : memref<80xf32, #tpu.memory_space<vmem>>, vector<16xf32>,
    %swap3A_66 = vector.shape_cast %swap3A_65 : vector<16xf32> to vector<16xf32>
    %swap3A_67 = vector.shape_cast %broadcast_in_dim3A_63 : vector<16xf32> to vector<16xf32>
    tpu.vector_store %arg35[%swap3A_64], %swap3A_67 {strides = array<i32>} : memref<80xf32, #tpu.memory_space<vmem>>, vector<16xf32>,
    %broadcast_in_dim3A_68 = arith.constant 1.000000e+00 : f32
    %broadcast_in_dim3A_69 = vector.broadcast %broadcast_in_dim3A_68 : f32 to vector<16xf32>
    %swap3A_70 = arith.constant 48 : index
    %swap3A_71 = tpu.vector_load %arg35[%swap3A_70] {strides = array<i32>} : memref<80xf32, #tpu.memory_space<vmem>>, vector<16xf32>,
    %swap3A_72 = vector.shape_cast %swap3A_71 : vector<16xf32> to vector<16xf32>
    %swap3A_73 = vector.shape_cast %broadcast_in_dim3A_69 : vector<16xf32> to vector<16xf32>
    tpu.vector_store %arg35[%swap3A_70], %swap3A_73 {strides = array<i32>} : memref<80xf32, #tpu.memory_space<vmem>>, vector<16xf32>,
    %broadcast_in_dim3A_74 = arith.constant 1.000000e+00 : f32
    %broadcast_in_dim3A_75 = vector.broadcast %broadcast_in_dim3A_74 : f32 to vector<16xf32>
    %swap3A_76 = arith.constant 64 : index
    %swap3A_77 = tpu.vector_load %arg35[%swap3A_76] {strides = array<i32>} : memref<80xf32, #tpu.memory_space<vmem>>, vector<16xf32>,
    %swap3A_78 = vector.shape_cast %swap3A_77 : vector<16xf32> to vector<16xf32>
    %swap3A_79 = vector.shape_cast %broadcast_in_dim3A_75 : vector<16xf32> to vector<16xf32>
    tpu.vector_store %arg35[%swap3A_76], %swap3A_79 {strides = array<i32>} : memref<80xf32, #tpu.memory_space<vmem>>, vector<16xf32>,
    %barrier3A = arith.constant 0 : index
    tpu.barrier barrier_id(%barrier3A)
    %scan3A = arith.constant 0 : i32
    %scan3A_80 = arith.constant 0 : i32
    %scan3A_81 = arith.constant 31 : i32
    %scan3A_82 = arith.addi %scan3A_80, %scan3A_81 : i32
    %scan3A_83 = arith.constant 1 : i32
    %scan3A_84 = scf.for %scan3A_109 = %scan3A_80 to %scan3A_82 step %scan3A_83 iter_args(%scan3A_110 = %scan3A) -> (i32)  : i32 {
      %mul3A_111 = arith.constant 4 : i32
      %mul3A_112 = arith.muli %scan3A_109, %mul3A_111 : i32
      %add3A_113 = arith.constant 0 : i32
      %add3A_114 = arith.addi %mul3A_112, %add3A_113 : i32
      %add3A_115 = arith.constant 3 : i32
      %add3A_116 = arith.addi %add3A_114, %add3A_115 : i32
      %lt3A_117 = arith.constant 125 : i32
      %lt3A_118 = arith.cmpi slt, %add3A_116, %lt3A_117 : i32
      %convert_element_type3A_119 = arith.extui %lt3A_118 : i1 to i32
      %cond3A_120 = arith.constant 0 : i32
      %cond3A_121 = arith.cmpi ne, %convert_element_type3A_119, %cond3A_120 : i32
      scf.if %cond3A_121 {
        %add3A_216 = arith.constant 3 : i32
        %add3A_217 = arith.addi %add3A_114, %add3A_216 : i32
        %mul3A_218 = arith.constant 80 : i32
        %mul3A_219 = arith.muli %add3A_217, %mul3A_218 : i32
        %add3A_220 = arith.addi %mul3A_2, %mul3A_219 : i32
        %dma_start3A_221 = tpu.memref_slice %arg3[%add3A_220] : memref<320000xi32, #tpu.memory_space<hbm>> -> memref<80xi32, #tpu.memory_space<hbm>>
        %dma_start3A_222 = tpu.memref_slice %arg3[%add3A_220] : memref<320000xi32, #tpu.memory_space<hbm>> -> memref<80xi32, #tpu.memory_space<hbm>>
        tpu.enqueue_dma source(%dma_start3A_222 : memref<80xi32, #tpu.memory_space<hbm>>) target(%arg33 : memref<80xi32, #tpu.memory_space<vmem>>) target_semaphore(%arg21 : memref<!tpu.dma_semaphore, #tpu.memory_space<semaphore_mem>>)
        %mul3A_223 = arith.constant 80 : i32
        %mul3A_224 = arith.muli %add3A_217, %mul3A_223 : i32
        %add3A_225 = arith.addi %mul3A_2, %mul3A_224 : i32
        %dma_start3A_226 = tpu.memref_slice %arg4[%add3A_225] : memref<320000xi32, #tpu.memory_space<hbm>> -> memref<80xi32, #tpu.memory_space<hbm>>
        %dma_start3A_227 = tpu.memref_slice %arg4[%add3A_225] : memref<320000xi32, #tpu.memory_space<hbm>> -> memref<80xi32, #tpu.memory_space<hbm>>
        tpu.enqueue_dma source(%dma_start3A_227 : memref<80xi32, #tpu.memory_space<hbm>>) target(%arg29 : memref<80xi32, #tpu.memory_space<vmem>>) target_semaphore(%arg17 : memref<!tpu.dma_semaphore, #tpu.memory_space<semaphore_mem>>)
      } else {
      }
      %add3A_122 = arith.constant 2 : i32
      %add3A_123 = arith.addi %add3A_114, %add3A_122 : i32
      %lt3A_124 = arith.constant 125 : i32
      %lt3A_125 = arith.cmpi slt, %add3A_123, %lt3A_124 : i32
      %convert_element_type3A_126 = arith.extui %lt3A_125 : i1 to i32
      %cond3A_127 = arith.constant 0 : i32
      %cond3A_128 = arith.cmpi ne, %convert_element_type3A_126, %cond3A_127 : i32
      scf.if %cond3A_128 {
        %add3A_216 = arith.constant 2 : i32
        %add3A_217 = arith.addi %add3A_114, %add3A_216 : i32
        %mul3A_218 = arith.constant 80 : i32
        %mul3A_219 = arith.muli %add3A_217, %mul3A_218 : i32
        %add3A_220 = arith.addi %mul3A_2, %mul3A_219 : i32
        %dma_wait3A_221 = tpu.memref_slice %arg3[%add3A_220] : memref<320000xi32, #tpu.memory_space<hbm>> -> memref<80xi32, #tpu.memory_space<hbm>>
        %dma_wait3A_222 = tpu.memref_slice %arg3[%add3A_220] : memref<320000xi32, #tpu.memory_space<hbm>> -> memref<80xi32, #tpu.memory_space<hbm>>
        tpu.wait_dma2 semaphore(%arg20 : memref<!tpu.dma_semaphore, #tpu.memory_space<semaphore_mem>>) src(%dma_wait3A_222 : memref<80xi32, #tpu.memory_space<hbm>>) dst(%arg32 : memref<80xi32, #tpu.memory_space<vmem>>)
        %dma_start3A_223 = arith.constant 0 : i32
        %dma_start3A_224 = arith.constant 0 : i32
        %dma_start3A_225 = tpu.memref_slice %arg2[%dma_start3A_223, %dma_start3A_224] : memref<10000x128xf32, #tpu.memory_space<hbm>> -> memref<10000x128xf32, #tpu.memory_space<hbm>>
        tpu.enqueue_indirect_dma source(%dma_start3A_225 : memref<10000x128xf32, #tpu.memory_space<hbm>>) target(%arg24 : memref<80x128xf32, #tpu.memory_space<vmem>>) offsets(%arg32 : memref<80xi32, #tpu.memory_space<vmem>>) semaphore(%arg12 : memref<!tpu.dma_semaphore, #tpu.memory_space<semaphore_mem>>)
      } else {
      }
      %dma_wait3A_129 = arith.constant 0 : i32
      %dma_wait3A_130 = arith.constant 0 : i32
      %dma_wait3A_131 = tpu.memref_slice %arg2[%dma_wait3A_129, %dma_wait3A_130] : memref<10000x128xf32, #tpu.memory_space<hbm>> -> memref<10000x128xf32, #tpu.memory_space<hbm>>
      tpu.wait_indirect_dma semaphore(%arg10 : memref<!tpu.dma_semaphore, #tpu.memory_space<semaphore_mem>>) src(%dma_wait3A_131 : memref<10000x128xf32, #tpu.memory_space<hbm>>) dst(%arg22 : memref<80x128xf32, #tpu.memory_space<vmem>>)
      %mul3A_132 = arith.constant 80 : i32
      %mul3A_133 = arith.muli %add3A_114, %mul3A_132 : i32
      %add3A_134 = arith.addi %mul3A_2, %mul3A_133 : i32
      %dma_wait3A_135 = tpu.memref_slice %arg4[%add3A_134] : memref<320000xi32, #tpu.memory_space<hbm>> -> memref<80xi32, #tpu.memory_space<hbm>>
      %dma_wait3A_136 = tpu.memref_slice %arg4[%add3A_134] : memref<320000xi32, #tpu.memory_space<hbm>> -> memref<80xi32, #tpu.memory_space<hbm>>
      tpu.wait_dma2 semaphore(%arg14 : memref<!tpu.dma_semaphore, #tpu.memory_space<semaphore_mem>>) src(%dma_wait3A_136 : memref<80xi32, #tpu.memory_space<hbm>>) dst(%arg26 : memref<80xi32, #tpu.memory_space<vmem>>)
      "tpu.region"() ({
        %run_scoped3A = tpu.sem_alloc : memref<!tpu.dma_semaphore, #tpu.memory_space<semaphore_mem>>
        %dma_start3A_216 = arith.constant 0 : i32
        %dma_start3A_217 = arith.constant 0 : i32
        %dma_start3A_218 = tpu.memref_slice %arg9[%dma_start3A_216, %dma_start3A_217] : memref<10000x128xf32, #tpu.memory_space<vmem_shared>> -> memref<10000x128xf32, #tpu.memory_space<vmem_shared>>
        tpu.enqueue_indirect_dma source(%arg22 : memref<80x128xf32, #tpu.memory_space<vmem>>) target(%dma_start3A_218 : memref<10000x128xf32, #tpu.memory_space<vmem_shared>>) offsets(%arg26 : memref<80xi32, #tpu.memory_space<vmem>>) semaphore(%run_scoped3A : memref<!tpu.dma_semaphore, #tpu.memory_space<semaphore_mem>>) {add = true}
        %dma_wait3A_219 = arith.constant 0 : i32
        %dma_wait3A_220 = arith.constant 0 : i32
        %dma_wait3A_221 = tpu.memref_slice %arg9[%dma_wait3A_219, %dma_wait3A_220] : memref<10000x128xf32, #tpu.memory_space<vmem_shared>> -> memref<10000x128xf32, #tpu.memory_space<vmem_shared>>
        tpu.wait_indirect_dma semaphore(%run_scoped3A : memref<!tpu.dma_semaphore, #tpu.memory_space<semaphore_mem>>) src(%arg22 : memref<80x128xf32, #tpu.memory_space<vmem>>) dst(%dma_wait3A_221 : memref<10000x128xf32, #tpu.memory_space<vmem_shared>>)
        tpu.yield
      }) : () -> ()
      "tpu.region"() ({
        %run_scoped3A = tpu.sem_alloc : memref<!tpu.dma_semaphore, #tpu.memory_space<semaphore_mem>>
        %dma_start3A_216 = arith.constant 0 : i32
        %dma_start3A_217 = tpu.memref_slice %arg34[%dma_start3A_216] : memref<10000xf32, #tpu.memory_space<vmem_shared>> -> memref<10000xf32, #tpu.memory_space<vmem_shared>>
        tpu.enqueue_indirect_dma source(%arg35 : memref<80xf32, #tpu.memory_space<vmem>>) target(%dma_start3A_217 : memref<10000xf32, #tpu.memory_space<vmem_shared>>) offsets(%arg26 : memref<80xi32, #tpu.memory_space<vmem>>) semaphore(%run_scoped3A : memref<!tpu.dma_semaphore, #tpu.memory_space<semaphore_mem>>) {add = true}
        %dma_wait3A_218 = arith.constant 0 : i32
        %dma_wait3A_219 = tpu.memref_slice %arg34[%dma_wait3A_218] : memref<10000xf32, #tpu.memory_space<vmem_shared>> -> memref<10000xf32, #tpu.memory_space<vmem_shared>>
        tpu.wait_indirect_dma semaphore(%run_scoped3A : memref<!tpu.dma_semaphore, #tpu.memory_space<semaphore_mem>>) src(%arg35 : memref<80xf32, #tpu.memory_space<vmem>>) dst(%dma_wait3A_219 : memref<10000xf32, #tpu.memory_space<vmem_shared>>)
        tpu.yield
      }) : () -> ()
      %mul3A_137 = arith.constant 4 : i32
      %mul3A_138 = arith.muli %scan3A_109, %mul3A_137 : i32
      %add3A_139 = arith.constant 1 : i32
      %add3A_140 = arith.addi %mul3A_138, %add3A_139 : i32
      %add3A_141 = arith.constant 3 : i32
      %add3A_142 = arith.addi %add3A_140, %add3A_141 : i32
      %lt3A_143 = arith.constant 125 : i32
      %lt3A_144 = arith.cmpi slt, %add3A_142, %lt3A_143 : i32
      %convert_element_type3A_145 = arith.extui %lt3A_144 : i1 to i32
      %cond3A_146 = arith.constant 0 : i32
      %cond3A_147 = arith.cmpi ne, %convert_element_type3A_145, %cond3A_146 : i32
      scf.if %cond3A_147 {
        %add3A_216 = arith.constant 3 : i32
        %add3A_217 = arith.addi %add3A_140, %add3A_216 : i32
        %mul3A_218 = arith.constant 80 : i32
        %mul3A_219 = arith.muli %add3A_217, %mul3A_218 : i32
        %add3A_220 = arith.addi %mul3A_2, %mul3A_219 : i32
        %dma_start3A_221 = tpu.memref_slice %arg3[%add3A_220] : memref<320000xi32, #tpu.memory_space<hbm>> -> memref<80xi32, #tpu.memory_space<hbm>>
        %dma_start3A_222 = tpu.memref_slice %arg3[%add3A_220] : memref<320000xi32, #tpu.memory_space<hbm>> -> memref<80xi32, #tpu.memory_space<hbm>>
        tpu.enqueue_dma source(%dma_start3A_222 : memref<80xi32, #tpu.memory_space<hbm>>) target(%arg30 : memref<80xi32, #tpu.memory_space<vmem>>) target_semaphore(%arg18 : memref<!tpu.dma_semaphore, #tpu.memory_space<semaphore_mem>>)
        %mul3A_223 = arith.constant 80 : i32
        %mul3A_224 = arith.muli %add3A_217, %mul3A_223 : i32
        %add3A_225 = arith.addi %mul3A_2, %mul3A_224 : i32
        %dma_start3A_226 = tpu.memref_slice %arg4[%add3A_225] : memref<320000xi32, #tpu.memory_space<hbm>> -> memref<80xi32, #tpu.memory_space<hbm>>
        %dma_start3A_227 = tpu.memref_slice %arg4[%add3A_225] : memref<320000xi32, #tpu.memory_space<hbm>> -> memref<80xi32, #tpu.memory_space<hbm>>
        tpu.enqueue_dma source(%dma_start3A_227 : memref<80xi32, #tpu.memory_space<hbm>>) target(%arg26 : memref<80xi32, #tpu.memory_space<vmem>>) target_semaphore(%arg14 : memref<!tpu.dma_semaphore, #tpu.memory_space<semaphore_mem>>)
      } else {
      }
      %add3A_148 = arith.constant 2 : i32
      %add3A_149 = arith.addi %add3A_140, %add3A_148 : i32
      %lt3A_150 = arith.constant 125 : i32
      %lt3A_151 = arith.cmpi slt, %add3A_149, %lt3A_150 : i32
      %convert_element_type3A_152 = arith.extui %lt3A_151 : i1 to i32
      %cond3A_153 = arith.constant 0 : i32
      %cond3A_154 = arith.cmpi ne, %convert_element_type3A_152, %cond3A_153 : i32
      scf.if %cond3A_154 {
        %add3A_216 = arith.constant 2 : i32
        %add3A_217 = arith.addi %add3A_140, %add3A_216 : i32
        %mul3A_218 = arith.constant 80 : i32
        %mul3A_219 = arith.muli %add3A_217, %mul3A_218 : i32
        %add3A_220 = arith.addi %mul3A_2, %mul3A_219 : i32
        %dma_wait3A_221 = tpu.memref_slice %arg3[%add3A_220] : memref<320000xi32, #tpu.memory_space<hbm>> -> memref<80xi32, #tpu.memory_space<hbm>>
        %dma_wait3A_222 = tpu.memref_slice %arg3[%add3A_220] : memref<320000xi32, #tpu.memory_space<hbm>> -> memref<80xi32, #tpu.memory_space<hbm>>
        tpu.wait_dma2 semaphore(%arg21 : memref<!tpu.dma_semaphore, #tpu.memory_space<semaphore_mem>>) src(%dma_wait3A_222 : memref<80xi32, #tpu.memory_space<hbm>>) dst(%arg33 : memref<80xi32, #tpu.memory_space<vmem>>)
        %dma_start3A_223 = arith.constant 0 : i32
        %dma_start3A_224 = arith.constant 0 : i32
        %dma_start3A_225 = tpu.memref_slice %arg2[%dma_start3A_223, %dma_start3A_224] : memref<10000x128xf32, #tpu.memory_space<hbm>> -> memref<10000x128xf32, #tpu.memory_space<hbm>>
        tpu.enqueue_indirect_dma source(%dma_start3A_225 : memref<10000x128xf32, #tpu.memory_space<hbm>>) target(%arg25 : memref<80x128xf32, #tpu.memory_space<vmem>>) offsets(%arg33 : memref<80xi32, #tpu.memory_space<vmem>>) semaphore(%arg13 : memref<!tpu.dma_semaphore, #tpu.memory_space<semaphore_mem>>)
      } else {
      }
      %dma_wait3A_155 = arith.constant 0 : i32
      %dma_wait3A_156 = arith.constant 0 : i32
      %dma_wait3A_157 = tpu.memref_slice %arg2[%dma_wait3A_155, %dma_wait3A_156] : memref<10000x128xf32, #tpu.memory_space<hbm>> -> memref<10000x128xf32, #tpu.memory_space<hbm>>
      tpu.wait_indirect_dma semaphore(%arg11 : memref<!tpu.dma_semaphore, #tpu.memory_space<semaphore_mem>>) src(%dma_wait3A_157 : memref<10000x128xf32, #tpu.memory_space<hbm>>) dst(%arg23 : memref<80x128xf32, #tpu.memory_space<vmem>>)
      %mul3A_158 = arith.constant 80 : i32
      %mul3A_159 = arith.muli %add3A_140, %mul3A_158 : i32
      %add3A_160 = arith.addi %mul3A_2, %mul3A_159 : i32
      %dma_wait3A_161 = tpu.memref_slice %arg4[%add3A_160] : memref<320000xi32, #tpu.memory_space<hbm>> -> memref<80xi32, #tpu.memory_space<hbm>>
      %dma_wait3A_162 = tpu.memref_slice %arg4[%add3A_160] : memref<320000xi32, #tpu.memory_space<hbm>> -> memref<80xi32, #tpu.memory_space<hbm>>
      tpu.wait_dma2 semaphore(%arg15 : memref<!tpu.dma_semaphore, #tpu.memory_space<semaphore_mem>>) src(%dma_wait3A_162 : memref<80xi32, #tpu.memory_space<hbm>>) dst(%arg27 : memref<80xi32, #tpu.memory_space<vmem>>)
      "tpu.region"() ({
        %run_scoped3A = tpu.sem_alloc : memref<!tpu.dma_semaphore, #tpu.memory_space<semaphore_mem>>
        %dma_start3A_216 = arith.constant 0 : i32
        %dma_start3A_217 = arith.constant 0 : i32
        %dma_start3A_218 = tpu.memref_slice %arg9[%dma_start3A_216, %dma_start3A_217] : memref<10000x128xf32, #tpu.memory_space<vmem_shared>> -> memref<10000x128xf32, #tpu.memory_space<vmem_shared>>
        tpu.enqueue_indirect_dma source(%arg23 : memref<80x128xf32, #tpu.memory_space<vmem>>) target(%dma_start3A_218 : memref<10000x128xf32, #tpu.memory_space<vmem_shared>>) offsets(%arg27 : memref<80xi32, #tpu.memory_space<vmem>>) semaphore(%run_scoped3A : memref<!tpu.dma_semaphore, #tpu.memory_space<semaphore_mem>>) {add = true}
        %dma_wait3A_219 = arith.constant 0 : i32
        %dma_wait3A_220 = arith.constant 0 : i32
        %dma_wait3A_221 = tpu.memref_slice %arg9[%dma_wait3A_219, %dma_wait3A_220] : memref<10000x128xf32, #tpu.memory_space<vmem_shared>> -> memref<10000x128xf32, #tpu.memory_space<vmem_shared>>
        tpu.wait_indirect_dma semaphore(%run_scoped3A : memref<!tpu.dma_semaphore, #tpu.memory_space<semaphore_mem>>) src(%arg23 : memref<80x128xf32, #tpu.memory_space<vmem>>) dst(%dma_wait3A_221 : memref<10000x128xf32, #tpu.memory_space<vmem_shared>>)
        tpu.yield
      }) : () -> ()
      "tpu.region"() ({
        %run_scoped3A = tpu.sem_alloc : memref<!tpu.dma_semaphore, #tpu.memory_space<semaphore_mem>>
        %dma_start3A_216 = arith.constant 0 : i32
        %dma_start3A_217 = tpu.memref_slice %arg34[%dma_start3A_216] : memref<10000xf32, #tpu.memory_space<vmem_shared>> -> memref<10000xf32, #tpu.memory_space<vmem_shared>>
        tpu.enqueue_indirect_dma source(%arg35 : memref<80xf32, #tpu.memory_space<vmem>>) target(%dma_start3A_217 : memref<10000xf32, #tpu.memory_space<vmem_shared>>) offsets(%arg27 : memref<80xi32, #tpu.memory_space<vmem>>) semaphore(%run_scoped3A : memref<!tpu.dma_semaphore, #tpu.memory_space<semaphore_mem>>) {add = true}
        %dma_wait3A_218 = arith.constant 0 : i32
        %dma_wait3A_219 = tpu.memref_slice %arg34[%dma_wait3A_218] : memref<10000xf32, #tpu.memory_space<vmem_shared>> -> memref<10000xf32, #tpu.memory_space<vmem_shared>>
        tpu.wait_indirect_dma semaphore(%run_scoped3A : memref<!tpu.dma_semaphore, #tpu.memory_space<semaphore_mem>>) src(%arg35 : memref<80xf32, #tpu.memory_space<vmem>>) dst(%dma_wait3A_219 : memref<10000xf32, #tpu.memory_space<vmem_shared>>)
        tpu.yield
      }) : () -> ()
      %mul3A_163 = arith.constant 4 : i32
      %mul3A_164 = arith.muli %scan3A_109, %mul3A_163 : i32
      %add3A_165 = arith.constant 2 : i32
      %add3A_166 = arith.addi %mul3A_164, %add3A_165 : i32
      %add3A_167 = arith.constant 3 : i32
      %add3A_168 = arith.addi %add3A_166, %add3A_167 : i32
      %lt3A_169 = arith.constant 125 : i32
      %lt3A_170 = arith.cmpi slt, %add3A_168, %lt3A_169 : i32
      %convert_element_type3A_171 = arith.extui %lt3A_170 : i1 to i32
      %cond3A_172 = arith.constant 0 : i32
      %cond3A_173 = arith.cmpi ne, %convert_element_type3A_171, %cond3A_172 : i32
      scf.if %cond3A_173 {
        %add3A_216 = arith.constant 3 : i32
        %add3A_217 = arith.addi %add3A_166, %add3A_216 : i32
        %mul3A_218 = arith.constant 80 : i32
        %mul3A_219 = arith.muli %add3A_217, %mul3A_218 : i32
        %add3A_220 = arith.addi %mul3A_2, %mul3A_219 : i32
        %dma_start3A_221 = tpu.memref_slice %arg3[%add3A_220] : memref<320000xi32, #tpu.memory_space<hbm>> -> memref<80xi32, #tpu.memory_space<hbm>>
        %dma_start3A_222 = tpu.memref_slice %arg3[%add3A_220] : memref<320000xi32, #tpu.memory_space<hbm>> -> memref<80xi32, #tpu.memory_space<hbm>>
        tpu.enqueue_dma source(%dma_start3A_222 : memref<80xi32, #tpu.memory_space<hbm>>) target(%arg31 : memref<80xi32, #tpu.memory_space<vmem>>) target_semaphore(%arg19 : memref<!tpu.dma_semaphore, #tpu.memory_space<semaphore_mem>>)
        %mul3A_223 = arith.constant 80 : i32
        %mul3A_224 = arith.muli %add3A_217, %mul3A_223 : i32
        %add3A_225 = arith.addi %mul3A_2, %mul3A_224 : i32
        %dma_start3A_226 = tpu.memref_slice %arg4[%add3A_225] : memref<320000xi32, #tpu.memory_space<hbm>> -> memref<80xi32, #tpu.memory_space<hbm>>
        %dma_start3A_227 = tpu.memref_slice %arg4[%add3A_225] : memref<320000xi32, #tpu.memory_space<hbm>> -> memref<80xi32, #tpu.memory_space<hbm>>
        tpu.enqueue_dma source(%dma_start3A_227 : memref<80xi32, #tpu.memory_space<hbm>>) target(%arg27 : memref<80xi32, #tpu.memory_space<vmem>>) target_semaphore(%arg15 : memref<!tpu.dma_semaphore, #tpu.memory_space<semaphore_mem>>)
      } else {
      }
      %add3A_174 = arith.constant 2 : i32
      %add3A_175 = arith.addi %add3A_166, %add3A_174 : i32
      %lt3A_176 = arith.constant 125 : i32
      %lt3A_177 = arith.cmpi slt, %add3A_175, %lt3A_176 : i32
      %convert_element_type3A_178 = arith.extui %lt3A_177 : i1 to i32
      %cond3A_179 = arith.constant 0 : i32
      %cond3A_180 = arith.cmpi ne, %convert_element_type3A_178, %cond3A_179 : i32
      scf.if %cond3A_180 {
        %add3A_216 = arith.constant 2 : i32
        %add3A_217 = arith.addi %add3A_166, %add3A_216 : i32
        %mul3A_218 = arith.constant 80 : i32
        %mul3A_219 = arith.muli %add3A_217, %mul3A_218 : i32
        %add3A_220 = arith.addi %mul3A_2, %mul3A_219 : i32
        %dma_wait3A_221 = tpu.memref_slice %arg3[%add3A_220] : memref<320000xi32, #tpu.memory_space<hbm>> -> memref<80xi32, #tpu.memory_space<hbm>>
        %dma_wait3A_222 = tpu.memref_slice %arg3[%add3A_220] : memref<320000xi32, #tpu.memory_space<hbm>> -> memref<80xi32, #tpu.memory_space<hbm>>
        tpu.wait_dma2 semaphore(%arg18 : memref<!tpu.dma_semaphore, #tpu.memory_space<semaphore_mem>>) src(%dma_wait3A_222 : memref<80xi32, #tpu.memory_space<hbm>>) dst(%arg30 : memref<80xi32, #tpu.memory_space<vmem>>)
        %dma_start3A_223 = arith.constant 0 : i32
        %dma_start3A_224 = arith.constant 0 : i32
        %dma_start3A_225 = tpu.memref_slice %arg2[%dma_start3A_223, %dma_start3A_224] : memref<10000x128xf32, #tpu.memory_space<hbm>> -> memref<10000x128xf32, #tpu.memory_space<hbm>>
        tpu.enqueue_indirect_dma source(%dma_start3A_225 : memref<10000x128xf32, #tpu.memory_space<hbm>>) target(%arg22 : memref<80x128xf32, #tpu.memory_space<vmem>>) offsets(%arg30 : memref<80xi32, #tpu.memory_space<vmem>>) semaphore(%arg10 : memref<!tpu.dma_semaphore, #tpu.memory_space<semaphore_mem>>)
      } else {
      }
      %dma_wait3A_181 = arith.constant 0 : i32
      %dma_wait3A_182 = arith.constant 0 : i32
      %dma_wait3A_183 = tpu.memref_slice %arg2[%dma_wait3A_181, %dma_wait3A_182] : memref<10000x128xf32, #tpu.memory_space<hbm>> -> memref<10000x128xf32, #tpu.memory_space<hbm>>
      tpu.wait_indirect_dma semaphore(%arg12 : memref<!tpu.dma_semaphore, #tpu.memory_space<semaphore_mem>>) src(%dma_wait3A_183 : memref<10000x128xf32, #tpu.memory_space<hbm>>) dst(%arg24 : memref<80x128xf32, #tpu.memory_space<vmem>>)
      %mul3A_184 = arith.constant 80 : i32
      %mul3A_185 = arith.muli %add3A_166, %mul3A_184 : i32
      %add3A_186 = arith.addi %mul3A_2, %mul3A_185 : i32
      %dma_wait3A_187 = tpu.memref_slice %arg4[%add3A_186] : memref<320000xi32, #tpu.memory_space<hbm>> -> memref<80xi32, #tpu.memory_space<hbm>>
      %dma_wait3A_188 = tpu.memref_slice %arg4[%add3A_186] : memref<320000xi32, #tpu.memory_space<hbm>> -> memref<80xi32, #tpu.memory_space<hbm>>
      tpu.wait_dma2 semaphore(%arg16 : memref<!tpu.dma_semaphore, #tpu.memory_space<semaphore_mem>>) src(%dma_wait3A_188 : memref<80xi32, #tpu.memory_space<hbm>>) dst(%arg28 : memref<80xi32, #tpu.memory_space<vmem>>)
      "tpu.region"() ({
        %run_scoped3A = tpu.sem_alloc : memref<!tpu.dma_semaphore, #tpu.memory_space<semaphore_mem>>
        %dma_start3A_216 = arith.constant 0 : i32
        %dma_start3A_217 = arith.constant 0 : i32
        %dma_start3A_218 = tpu.memref_slice %arg9[%dma_start3A_216, %dma_start3A_217] : memref<10000x128xf32, #tpu.memory_space<vmem_shared>> -> memref<10000x128xf32, #tpu.memory_space<vmem_shared>>
        tpu.enqueue_indirect_dma source(%arg24 : memref<80x128xf32, #tpu.memory_space<vmem>>) target(%dma_start3A_218 : memref<10000x128xf32, #tpu.memory_space<vmem_shared>>) offsets(%arg28 : memref<80xi32, #tpu.memory_space<vmem>>) semaphore(%run_scoped3A : memref<!tpu.dma_semaphore, #tpu.memory_space<semaphore_mem>>) {add = true}
        %dma_wait3A_219 = arith.constant 0 : i32
        %dma_wait3A_220 = arith.constant 0 : i32
        %dma_wait3A_221 = tpu.memref_slice %arg9[%dma_wait3A_219, %dma_wait3A_220] : memref<10000x128xf32, #tpu.memory_space<vmem_shared>> -> memref<10000x128xf32, #tpu.memory_space<vmem_shared>>
        tpu.wait_indirect_dma semaphore(%run_scoped3A : memref<!tpu.dma_semaphore, #tpu.memory_space<semaphore_mem>>) src(%arg24 : memref<80x128xf32, #tpu.memory_space<vmem>>) dst(%dma_wait3A_221 : memref<10000x128xf32, #tpu.memory_space<vmem_shared>>)
        tpu.yield
      }) : () -> ()
      "tpu.region"() ({
        %run_scoped3A = tpu.sem_alloc : memref<!tpu.dma_semaphore, #tpu.memory_space<semaphore_mem>>
        %dma_start3A_216 = arith.constant 0 : i32
        %dma_start3A_217 = tpu.memref_slice %arg34[%dma_start3A_216] : memref<10000xf32, #tpu.memory_space<vmem_shared>> -> memref<10000xf32, #tpu.memory_space<vmem_shared>>
        tpu.enqueue_indirect_dma source(%arg35 : memref<80xf32, #tpu.memory_space<vmem>>) target(%dma_start3A_217 : memref<10000xf32, #tpu.memory_space<vmem_shared>>) offsets(%arg28 : memref<80xi32, #tpu.memory_space<vmem>>) semaphore(%run_scoped3A : memref<!tpu.dma_semaphore, #tpu.memory_space<semaphore_mem>>) {add = true}
        %dma_wait3A_218 = arith.constant 0 : i32
        %dma_wait3A_219 = tpu.memref_slice %arg34[%dma_wait3A_218] : memref<10000xf32, #tpu.memory_space<vmem_shared>> -> memref<10000xf32, #tpu.memory_space<vmem_shared>>
        tpu.wait_indirect_dma semaphore(%run_scoped3A : memref<!tpu.dma_semaphore, #tpu.memory_space<semaphore_mem>>) src(%arg35 : memref<80xf32, #tpu.memory_space<vmem>>) dst(%dma_wait3A_219 : memref<10000xf32, #tpu.memory_space<vmem_shared>>)
        tpu.yield
      }) : () -> ()
      %mul3A_189 = arith.constant 4 : i32
      %mul3A_190 = arith.muli %scan3A_109, %mul3A_189 : i32
      %add3A_191 = arith.constant 3 : i32
      %add3A_192 = arith.addi %mul3A_190, %add3A_191 : i32
      %add3A_193 = arith.constant 3 : i32
      %add3A_194 = arith.addi %add3A_192, %add3A_193 : i32
      %lt3A_195 = arith.constant 125 : i32
      %lt3A_196 = arith.cmpi slt, %add3A_194, %lt3A_195 : i32
      %convert_element_type3A_197 = arith.extui %lt3A_196 : i1 to i32
      %cond3A_198 = arith.constant 0 : i32
      %cond3A_199 = arith.cmpi ne, %convert_element_type3A_197, %cond3A_198 : i32
      scf.if %cond3A_199 {
        %add3A_216 = arith.constant 3 : i32
        %add3A_217 = arith.addi %add3A_192, %add3A_216 : i32
        %mul3A_218 = arith.constant 80 : i32
        %mul3A_219 = arith.muli %add3A_217, %mul3A_218 : i32
        %add3A_220 = arith.addi %mul3A_2, %mul3A_219 : i32
        %dma_start3A_221 = tpu.memref_slice %arg3[%add3A_220] : memref<320000xi32, #tpu.memory_space<hbm>> -> memref<80xi32, #tpu.memory_space<hbm>>
        %dma_start3A_222 = tpu.memref_slice %arg3[%add3A_220] : memref<320000xi32, #tpu.memory_space<hbm>> -> memref<80xi32, #tpu.memory_space<hbm>>
        tpu.enqueue_dma source(%dma_start3A_222 : memref<80xi32, #tpu.memory_space<hbm>>) target(%arg32 : memref<80xi32, #tpu.memory_space<vmem>>) target_semaphore(%arg20 : memref<!tpu.dma_semaphore, #tpu.memory_space<semaphore_mem>>)
        %mul3A_223 = arith.constant 80 : i32
        %mul3A_224 = arith.muli %add3A_217, %mul3A_223 : i32
        %add3A_225 = arith.addi %mul3A_2, %mul3A_224 : i32
        %dma_start3A_226 = tpu.memref_slice %arg4[%add3A_225] : memref<320000xi32, #tpu.memory_space<hbm>> -> memref<80xi32, #tpu.memory_space<hbm>>
        %dma_start3A_227 = tpu.memref_slice %arg4[%add3A_225] : memref<320000xi32, #tpu.memory_space<hbm>> -> memref<80xi32, #tpu.memory_space<hbm>>
        tpu.enqueue_dma source(%dma_start3A_227 : memref<80xi32, #tpu.memory_space<hbm>>) target(%arg28 : memref<80xi32, #tpu.memory_space<vmem>>) target_semaphore(%arg16 : memref<!tpu.dma_semaphore, #tpu.memory_space<semaphore_mem>>)
      } else {
      }
      %add3A_200 = arith.constant 2 : i32
      %add3A_201 = arith.addi %add3A_192, %add3A_200 : i32
      %lt3A_202 = arith.constant 125 : i32
      %lt3A_203 = arith.cmpi slt, %add3A_201, %lt3A_202 : i32
      %convert_element_type3A_204 = arith.extui %lt3A_203 : i1 to i32
      %cond3A_205 = arith.constant 0 : i32
      %cond3A_206 = arith.cmpi ne, %convert_element_type3A_204, %cond3A_205 : i32
      scf.if %cond3A_206 {
        %add3A_216 = arith.constant 2 : i32
        %add3A_217 = arith.addi %add3A_192, %add3A_216 : i32
        %mul3A_218 = arith.constant 80 : i32
        %mul3A_219 = arith.muli %add3A_217, %mul3A_218 : i32
        %add3A_220 = arith.addi %mul3A_2, %mul3A_219 : i32
        %dma_wait3A_221 = tpu.memref_slice %arg3[%add3A_220] : memref<320000xi32, #tpu.memory_space<hbm>> -> memref<80xi32, #tpu.memory_space<hbm>>
        %dma_wait3A_222 = tpu.memref_slice %arg3[%add3A_220] : memref<320000xi32, #tpu.memory_space<hbm>> -> memref<80xi32, #tpu.memory_space<hbm>>
        tpu.wait_dma2 semaphore(%arg19 : memref<!tpu.dma_semaphore, #tpu.memory_space<semaphore_mem>>) src(%dma_wait3A_222 : memref<80xi32, #tpu.memory_space<hbm>>) dst(%arg31 : memref<80xi32, #tpu.memory_space<vmem>>)
        %dma_start3A_223 = arith.constant 0 : i32
        %dma_start3A_224 = arith.constant 0 : i32
        %dma_start3A_225 = tpu.memref_slice %arg2[%dma_start3A_223, %dma_start3A_224] : memref<10000x128xf32, #tpu.memory_space<hbm>> -> memref<10000x128xf32, #tpu.memory_space<hbm>>
        tpu.enqueue_indirect_dma source(%dma_start3A_225 : memref<10000x128xf32, #tpu.memory_space<hbm>>) target(%arg23 : memref<80x128xf32, #tpu.memory_space<vmem>>) offsets(%arg31 : memref<80xi32, #tpu.memory_space<vmem>>) semaphore(%arg11 : memref<!tpu.dma_semaphore, #tpu.memory_space<semaphore_mem>>)
      } else {
      }
      %dma_wait3A_207 = arith.constant 0 : i32
      %dma_wait3A_208 = arith.constant 0 : i32
      %dma_wait3A_209 = tpu.memref_slice %arg2[%dma_wait3A_207, %dma_wait3A_208] : memref<10000x128xf32, #tpu.memory_space<hbm>> -> memref<10000x128xf32, #tpu.memory_space<hbm>>
      tpu.wait_indirect_dma semaphore(%arg13 : memref<!tpu.dma_semaphore, #tpu.memory_space<semaphore_mem>>) src(%dma_wait3A_209 : memref<10000x128xf32, #tpu.memory_space<hbm>>) dst(%arg25 : memref<80x128xf32, #tpu.memory_space<vmem>>)
      %mul3A_210 = arith.constant 80 : i32
      %mul3A_211 = arith.muli %add3A_192, %mul3A_210 : i32
      %add3A_212 = arith.addi %mul3A_2, %mul3A_211 : i32
      %dma_wait3A_213 = tpu.memref_slice %arg4[%add3A_212] : memref<320000xi32, #tpu.memory_space<hbm>> -> memref<80xi32, #tpu.memory_space<hbm>>
      %dma_wait3A_214 = tpu.memref_slice %arg4[%add3A_212] : memref<320000xi32, #tpu.memory_space<hbm>> -> memref<80xi32, #tpu.memory_space<hbm>>
      tpu.wait_dma2 semaphore(%arg17 : memref<!tpu.dma_semaphore, #tpu.memory_space<semaphore_mem>>) src(%dma_wait3A_214 : memref<80xi32, #tpu.memory_space<hbm>>) dst(%arg29 : memref<80xi32, #tpu.memory_space<vmem>>)
      "tpu.region"() ({
        %run_scoped3A = tpu.sem_alloc : memref<!tpu.dma_semaphore, #tpu.memory_space<semaphore_mem>>
        %dma_start3A_216 = arith.constant 0 : i32
        %dma_start3A_217 = arith.constant 0 : i32
        %dma_start3A_218 = tpu.memref_slice %arg9[%dma_start3A_216, %dma_start3A_217] : memref<10000x128xf32, #tpu.memory_space<vmem_shared>> -> memref<10000x128xf32, #tpu.memory_space<vmem_shared>>
        tpu.enqueue_indirect_dma source(%arg25 : memref<80x128xf32, #tpu.memory_space<vmem>>) target(%dma_start3A_218 : memref<10000x128xf32, #tpu.memory_space<vmem_shared>>) offsets(%arg29 : memref<80xi32, #tpu.memory_space<vmem>>) semaphore(%run_scoped3A : memref<!tpu.dma_semaphore, #tpu.memory_space<semaphore_mem>>) {add = true}
        %dma_wait3A_219 = arith.constant 0 : i32
        %dma_wait3A_220 = arith.constant 0 : i32
        %dma_wait3A_221 = tpu.memref_slice %arg9[%dma_wait3A_219, %dma_wait3A_220] : memref<10000x128xf32, #tpu.memory_space<vmem_shared>> -> memref<10000x128xf32, #tpu.memory_space<vmem_shared>>
        tpu.wait_indirect_dma semaphore(%run_scoped3A : memref<!tpu.dma_semaphore, #tpu.memory_space<semaphore_mem>>) src(%arg25 : memref<80x128xf32, #tpu.memory_space<vmem>>) dst(%dma_wait3A_221 : memref<10000x128xf32, #tpu.memory_space<vmem_shared>>)
        tpu.yield
      }) : () -> ()
      "tpu.region"() ({
        %run_scoped3A = tpu.sem_alloc : memref<!tpu.dma_semaphore, #tpu.memory_space<semaphore_mem>>
        %dma_start3A_216 = arith.constant 0 : i32
        %dma_start3A_217 = tpu.memref_slice %arg34[%dma_start3A_216] : memref<10000xf32, #tpu.memory_space<vmem_shared>> -> memref<10000xf32, #tpu.memory_space<vmem_shared>>
        tpu.enqueue_indirect_dma source(%arg35 : memref<80xf32, #tpu.memory_space<vmem>>) target(%dma_start3A_217 : memref<10000xf32, #tpu.memory_space<vmem_shared>>) offsets(%arg29 : memref<80xi32, #tpu.memory_space<vmem>>) semaphore(%run_scoped3A : memref<!tpu.dma_semaphore, #tpu.memory_space<semaphore_mem>>) {add = true}
        %dma_wait3A_218 = arith.constant 0 : i32
        %dma_wait3A_219 = tpu.memref_slice %arg34[%dma_wait3A_218] : memref<10000xf32, #tpu.memory_space<vmem_shared>> -> memref<10000xf32, #tpu.memory_space<vmem_shared>>
        tpu.wait_indirect_dma semaphore(%run_scoped3A : memref<!tpu.dma_semaphore, #tpu.memory_space<semaphore_mem>>) src(%arg35 : memref<80xf32, #tpu.memory_space<vmem>>) dst(%dma_wait3A_219 : memref<10000xf32, #tpu.memory_space<vmem_shared>>)
        tpu.yield
      }) : () -> ()
      %scan3A_215 = arith.constant 0 : i32
      scf.yield %scan3A_215 : i32
    }
    %scan3A_85 = arith.constant 31 : i32
    %dma_wait3A_86 = arith.constant 0 : i32
    %dma_wait3A_87 = arith.constant 0 : i32
    %dma_wait3A_88 = tpu.memref_slice %arg2[%dma_wait3A_86, %dma_wait3A_87] : memref<10000x128xf32, #tpu.memory_space<hbm>> -> memref<10000x128xf32, #tpu.memory_space<hbm>>
    tpu.wait_indirect_dma semaphore(%arg10 : memref<!tpu.dma_semaphore, #tpu.memory_space<semaphore_mem>>) src(%dma_wait3A_88 : memref<10000x128xf32, #tpu.memory_space<hbm>>) dst(%arg22 : memref<80x128xf32, #tpu.memory_space<vmem>>)
    %add3A_89 = arith.constant 9920 : i32
    %add3A_90 = arith.addi %mul3A_2, %add3A_89 : i32
    %dma_wait3A_91 = tpu.memref_slice %arg4[%add3A_90] : memref<320000xi32, #tpu.memory_space<hbm>> -> memref<80xi32, #tpu.memory_space<hbm>>
    %dma_wait3A_92 = tpu.memref_slice %arg4[%add3A_90] : memref<320000xi32, #tpu.memory_space<hbm>> -> memref<80xi32, #tpu.memory_space<hbm>>
    tpu.wait_dma2 semaphore(%arg14 : memref<!tpu.dma_semaphore, #tpu.memory_space<semaphore_mem>>) src(%dma_wait3A_92 : memref<80xi32, #tpu.memory_space<hbm>>) dst(%arg26 : memref<80xi32, #tpu.memory_space<vmem>>)
    "tpu.region"() ({
      %run_scoped3A = tpu.sem_alloc : memref<!tpu.dma_semaphore, #tpu.memory_space<semaphore_mem>>
      %dma_start3A_109 = arith.constant 0 : i32
      %dma_start3A_110 = arith.constant 0 : i32
      %dma_start3A_111 = tpu.memref_slice %arg9[%dma_start3A_109, %dma_start3A_110] : memref<10000x128xf32, #tpu.memory_space<vmem_shared>> -> memref<10000x128xf32, #tpu.memory_space<vmem_shared>>
      tpu.enqueue_indirect_dma source(%arg22 : memref<80x128xf32, #tpu.memory_space<vmem>>) target(%dma_start3A_111 : memref<10000x128xf32, #tpu.memory_space<vmem_shared>>) offsets(%arg26 : memref<80xi32, #tpu.memory_space<vmem>>) semaphore(%run_scoped3A : memref<!tpu.dma_semaphore, #tpu.memory_space<semaphore_mem>>) {add = true}
      %dma_wait3A_112 = arith.constant 0 : i32
      %dma_wait3A_113 = arith.constant 0 : i32
      %dma_wait3A_114 = tpu.memref_slice %arg9[%dma_wait3A_112, %dma_wait3A_113] : memref<10000x128xf32, #tpu.memory_space<vmem_shared>> -> memref<10000x128xf32, #tpu.memory_space<vmem_shared>>
      tpu.wait_indirect_dma semaphore(%run_scoped3A : memref<!tpu.dma_semaphore, #tpu.memory_space<semaphore_mem>>) src(%arg22 : memref<80x128xf32, #tpu.memory_space<vmem>>) dst(%dma_wait3A_114 : memref<10000x128xf32, #tpu.memory_space<vmem_shared>>)
      tpu.yield
    }) : () -> ()
    "tpu.region"() ({
      %run_scoped3A = tpu.sem_alloc : memref<!tpu.dma_semaphore, #tpu.memory_space<semaphore_mem>>
      %dma_start3A_109 = arith.constant 0 : i32
      %dma_start3A_110 = tpu.memref_slice %arg34[%dma_start3A_109] : memref<10000xf32, #tpu.memory_space<vmem_shared>> -> memref<10000xf32, #tpu.memory_space<vmem_shared>>
      tpu.enqueue_indirect_dma source(%arg35 : memref<80xf32, #tpu.memory_space<vmem>>) target(%dma_start3A_110 : memref<10000xf32, #tpu.memory_space<vmem_shared>>) offsets(%arg26 : memref<80xi32, #tpu.memory_space<vmem>>) semaphore(%run_scoped3A : memref<!tpu.dma_semaphore, #tpu.memory_space<semaphore_mem>>) {add = true}
      %dma_wait3A_111 = arith.constant 0 : i32
      %dma_wait3A_112 = tpu.memref_slice %arg34[%dma_wait3A_111] : memref<10000xf32, #tpu.memory_space<vmem_shared>> -> memref<10000xf32, #tpu.memory_space<vmem_shared>>
      tpu.wait_indirect_dma semaphore(%run_scoped3A : memref<!tpu.dma_semaphore, #tpu.memory_space<semaphore_mem>>) src(%arg35 : memref<80xf32, #tpu.memory_space<vmem>>) dst(%dma_wait3A_112 : memref<10000xf32, #tpu.memory_space<vmem_shared>>)
      tpu.yield
    }) : () -> ()
    %barrier3A_93 = arith.constant 0 : index
    tpu.barrier barrier_id(%barrier3A_93)
    %lt3A_94 = arith.constant 15 : i32
    %lt3A_95 = arith.cmpi slt, %arg1, %lt3A_94 : i32
    %convert_element_type3A_96 = arith.extui %lt3A_95 : i1 to i32
    %cond3A_97 = arith.constant 0 : i32
    %cond3A_98 = arith.cmpi ne, %convert_element_type3A_96, %cond3A_97 : i32
    scf.if %cond3A_98 {
      "tpu.region"() ({
        %run_scoped3A = tpu.sem_alloc : memref<!tpu.dma_semaphore, #tpu.memory_space<semaphore_mem>>
        %dma_start3A_109 = arith.constant 0 : i32
        %dma_start3A_110 = tpu.memref_slice %arg7[%arg0, %mul3A_40, %dma_start3A_109] : memref<2x10000x128xf32, #tpu.memory_space<hbm>> -> memref<1x624x128xf32, #tpu.memory_space<hbm>>
        %dma_start3A_111 = tpu.memref_squeeze %dma_start3A_110 : memref<1x624x128xf32, #tpu.memory_space<hbm>> -> memref<624x128xf32, #tpu.memory_space<hbm>>
        %dma_start3A_112 = arith.constant 0 : i32
        %dma_start3A_113 = tpu.memref_slice %arg9[%mul3A_40, %dma_start3A_112] : memref<10000x128xf32, #tpu.memory_space<vmem_shared>> -> memref<624x128xf32, #tpu.memory_space<vmem_shared>>
        tpu.enqueue_dma source(%dma_start3A_113 : memref<624x128xf32, #tpu.memory_space<vmem_shared>>) target(%dma_start3A_111 : memref<624x128xf32, #tpu.memory_space<hbm>>) target_semaphore(%run_scoped3A : memref<!tpu.dma_semaphore, #tpu.memory_space<semaphore_mem>>)
        %dma_wait3A_114 = arith.constant 0 : i32
        %dma_wait3A_115 = tpu.memref_slice %arg7[%arg0, %mul3A_40, %dma_wait3A_114] : memref<2x10000x128xf32, #tpu.memory_space<hbm>> -> memref<1x624x128xf32, #tpu.memory_space<hbm>>
        %dma_wait3A_116 = tpu.memref_squeeze %dma_wait3A_115 : memref<1x624x128xf32, #tpu.memory_space<hbm>> -> memref<624x128xf32, #tpu.memory_space<hbm>>
        %dma_wait3A_117 = arith.constant 0 : i32
        %dma_wait3A_118 = tpu.memref_slice %arg9[%mul3A_40, %dma_wait3A_117] : memref<10000x128xf32, #tpu.memory_space<vmem_shared>> -> memref<624x128xf32, #tpu.memory_space<vmem_shared>>
        tpu.wait_dma2 semaphore(%run_scoped3A : memref<!tpu.dma_semaphore, #tpu.memory_space<semaphore_mem>>) src(%dma_wait3A_118 : memref<624x128xf32, #tpu.memory_space<vmem_shared>>) dst(%dma_wait3A_116 : memref<624x128xf32, #tpu.memory_space<hbm>>)
        tpu.yield
      }) : () -> ()
    } else {
    }
    %eq3A_99 = arith.constant 15 : i32
    %eq3A_100 = arith.cmpi eq, %arg1, %eq3A_99 : i32
    %convert_element_type3A_101 = arith.extui %eq3A_100 : i1 to i32
    %cond3A_102 = arith.constant 0 : i32
    %cond3A_103 = arith.cmpi ne, %convert_element_type3A_101, %cond3A_102 : i32
    scf.if %cond3A_103 {
      "tpu.region"() ({
        %run_scoped3A = tpu.sem_alloc : memref<!tpu.dma_semaphore, #tpu.memory_space<semaphore_mem>>
        %dma_start3A_109 = arith.constant 0 : i32
        %dma_start3A_110 = tpu.memref_slice %arg7[%arg0, %mul3A_40, %dma_start3A_109] : memref<2x10000x128xf32, #tpu.memory_space<hbm>> -> memref<1x640x128xf32, #tpu.memory_space<hbm>>
        %dma_start3A_111 = tpu.memref_squeeze %dma_start3A_110 : memref<1x640x128xf32, #tpu.memory_space<hbm>> -> memref<640x128xf32, #tpu.memory_space<hbm>>
        %dma_start3A_112 = arith.constant 0 : i32
        %dma_start3A_113 = tpu.memref_slice %arg9[%mul3A_40, %dma_start3A_112] : memref<10000x128xf32, #tpu.memory_space<vmem_shared>> -> memref<640x128xf32, #tpu.memory_space<vmem_shared>>
        tpu.enqueue_dma source(%dma_start3A_113 : memref<640x128xf32, #tpu.memory_space<vmem_shared>>) target(%dma_start3A_111 : memref<640x128xf32, #tpu.memory_space<hbm>>) target_semaphore(%run_scoped3A : memref<!tpu.dma_semaphore, #tpu.memory_space<semaphore_mem>>)
        %dma_wait3A_114 = arith.constant 0 : i32
        %dma_wait3A_115 = tpu.memref_slice %arg7[%arg0, %mul3A_40, %dma_wait3A_114] : memref<2x10000x128xf32, #tpu.memory_space<hbm>> -> memref<1x640x128xf32, #tpu.memory_space<hbm>>
        %dma_wait3A_116 = tpu.memref_squeeze %dma_wait3A_115 : memref<1x640x128xf32, #tpu.memory_space<hbm>> -> memref<640x128xf32, #tpu.memory_space<hbm>>
        %dma_wait3A_117 = arith.constant 0 : i32
        %dma_wait3A_118 = tpu.memref_slice %arg9[%mul3A_40, %dma_wait3A_117] : memref<10000x128xf32, #tpu.memory_space<vmem_shared>> -> memref<640x128xf32, #tpu.memory_space<vmem_shared>>
        tpu.wait_dma2 semaphore(%run_scoped3A : memref<!tpu.dma_semaphore, #tpu.memory_space<semaphore_mem>>) src(%dma_wait3A_118 : memref<640x128xf32, #tpu.memory_space<vmem_shared>>) dst(%dma_wait3A_116 : memref<640x128xf32, #tpu.memory_space<hbm>>)
        tpu.yield
      }) : () -> ()
    } else {
    }
    %eq3A_104 = arith.constant 0 : i32
    %eq3A_105 = arith.cmpi eq, %arg1, %eq3A_104 : i32
    %convert_element_type3A_106 = arith.extui %eq3A_105 : i1 to i32
    %cond3A_107 = arith.constant 0 : i32
    %cond3A_108 = arith.cmpi ne, %convert_element_type3A_106, %cond3A_107 : i32
    scf.if %cond3A_108 {
      "tpu.region"() ({
        %run_scoped3A = tpu.sem_alloc : memref<!tpu.dma_semaphore, #tpu.memory_space<semaphore_mem>>
        %dma_start3A_109 = arith.constant 0 : i32
        %dma_start3A_110 = tpu.memref_slice %arg8[%arg0, %dma_start3A_109] : memref<2x10000xf32, #tpu.memory_space<hbm>> -> memref<1x10000xf32, #tpu.memory_space<hbm>>
        %dma_start3A_111 = tpu.memref_squeeze %dma_start3A_110 : memref<1x10000xf32, #tpu.memory_space<hbm>> -> memref<10000xf32, #tpu.memory_space<hbm>>
        tpu.enqueue_dma source(%arg34 : memref<10000xf32, #tpu.memory_space<vmem_shared>>) target(%dma_start3A_111 : memref<10000xf32, #tpu.memory_space<hbm>>) target_semaphore(%run_scoped3A : memref<!tpu.dma_semaphore, #tpu.memory_space<semaphore_mem>>)
        %dma_wait3A_112 = arith.constant 0 : i32
        %dma_wait3A_113 = tpu.memref_slice %arg8[%arg0, %dma_wait3A_112] : memref<2x10000xf32, #tpu.memory_space<hbm>> -> memref<1x10000xf32, #tpu.memory_space<hbm>>
        %dma_wait3A_114 = tpu.memref_squeeze %dma_wait3A_113 : memref<1x10000xf32, #tpu.memory_space<hbm>> -> memref<10000xf32, #tpu.memory_space<hbm>>
        tpu.wait_dma2 semaphore(%run_scoped3A : memref<!tpu.dma_semaphore, #tpu.memory_space<semaphore_mem>>) src(%arg34 : memref<10000xf32, #tpu.memory_space<vmem_shared>>) dst(%dma_wait3A_114 : memref<10000xf32, #tpu.memory_space<hbm>>)
        tpu.yield
      }) : () -> ()
    } else {
    }
    return
  }
}

#map = affine_map<(d0, d1) -> (0, 0)>
#map1 = affine_map<(d0, d1) -> (0)>
#map2 = affine_map<(d0, d1) -> (0, 0, 0)>
module attributes {stable_mosaic.version = 14 : i64} {
  func.func @body(%arg0: i32, %arg1: i32, %arg2: memref<10000x128xf32, #tpu.memory_space<hbm>>, %arg3: memref<320000xi32, #tpu.memory_space<hbm>>, %arg4: memref<320000xi32, #tpu.memory_space<hbm>>, %arg5: memref<1000x128xf32, #tpu.memory_space<hbm>>, %arg6: memref<10000xf32, #tpu.memory_space<hbm>>, %arg7: memref<2x10000x128xf32, #tpu.memory_space<hbm>>, %arg8: memref<10000x128xf32, #tpu.memory_space<vmem_shared>>, %arg9: memref<!tpu.dma_semaphore, #tpu.memory_space<semaphore_mem>>, %arg10: memref<!tpu.dma_semaphore, #tpu.memory_space<semaphore_mem>>, %arg11: memref<!tpu.dma_semaphore, #tpu.memory_space<semaphore_mem>>, %arg12: memref<!tpu.dma_semaphore, #tpu.memory_space<semaphore_mem>>, %arg13: memref<!tpu.dma_semaphore, #tpu.memory_space<semaphore_mem>>, %arg14: memref<!tpu.dma_semaphore, #tpu.memory_space<semaphore_mem>>, %arg15: memref<!tpu.dma_semaphore, #tpu.memory_space<semaphore_mem>>, %arg16: memref<!tpu.dma_semaphore, #tpu.memory_space<semaphore_mem>>, %arg17: memref<!tpu.dma_semaphore, #tpu.memory_space<semaphore_mem>>, %arg18: memref<!tpu.dma_semaphore, #tpu.memory_space<semaphore_mem>>, %arg19: memref<!tpu.dma_semaphore, #tpu.memory_space<semaphore_mem>>, %arg20: memref<!tpu.dma_semaphore, #tpu.memory_space<semaphore_mem>>, %arg21: memref<80x128xf32, #tpu.memory_space<vmem>>, %arg22: memref<80x128xf32, #tpu.memory_space<vmem>>, %arg23: memref<80x128xf32, #tpu.memory_space<vmem>>, %arg24: memref<80x128xf32, #tpu.memory_space<vmem>>, %arg25: memref<80xi32, #tpu.memory_space<vmem>>, %arg26: memref<80xi32, #tpu.memory_space<vmem>>, %arg27: memref<80xi32, #tpu.memory_space<vmem>>, %arg28: memref<80xi32, #tpu.memory_space<vmem>>, %arg29: memref<80xi32, #tpu.memory_space<vmem>>, %arg30: memref<80xi32, #tpu.memory_space<vmem>>, %arg31: memref<80xi32, #tpu.memory_space<vmem>>, %arg32: memref<80xi32, #tpu.memory_space<vmem>>) attributes {dimension_semantics = [#tpu.dimension_semantics<core_parallel>, #tpu.dimension_semantics<subcore_parallel>], iteration_bounds = array<i64: 2, 16>, scalar_prefetch = 0 : i64, scratch_operands = 25 : i64, tpu.core_type = #tpu.core_type<sc_vector_subcore>, window_params = [{transform_indices = #map}, {transform_indices = #map1}, {transform_indices = #map1}, {transform_indices = #map}, {transform_indices = #map1}, {transform_indices = #map2}]} {
    %mul3A = arith.constant 16 : i32
    %mul3A_0 = arith.muli %arg0, %mul3A : i32
    %add3A = arith.addi %mul3A_0, %arg1 : i32
    %mul3A_1 = arith.constant 10000 : i32
    %mul3A_2 = arith.muli %add3A, %mul3A_1 : i32
    %add3A_3 = arith.constant 0 : i32
    %add3A_4 = arith.addi %mul3A_2, %add3A_3 : i32
    %dma_start3A = tpu.memref_slice %arg3[%add3A_4] : memref<320000xi32, #tpu.memory_space<hbm>> -> memref<80xi32, #tpu.memory_space<hbm>>
    %dma_start3A_5 = tpu.memref_slice %arg3[%add3A_4] : memref<320000xi32, #tpu.memory_space<hbm>> -> memref<80xi32, #tpu.memory_space<hbm>>
    tpu.enqueue_dma source(%dma_start3A_5 : memref<80xi32, #tpu.memory_space<hbm>>) target(%arg29 : memref<80xi32, #tpu.memory_space<vmem>>) target_semaphore(%arg17 : memref<!tpu.dma_semaphore, #tpu.memory_space<semaphore_mem>>)
    %add3A_6 = arith.constant 0 : i32
    %add3A_7 = arith.addi %mul3A_2, %add3A_6 : i32
    %dma_start3A_8 = tpu.memref_slice %arg4[%add3A_7] : memref<320000xi32, #tpu.memory_space<hbm>> -> memref<80xi32, #tpu.memory_space<hbm>>
    %dma_start3A_9 = tpu.memref_slice %arg4[%add3A_7] : memref<320000xi32, #tpu.memory_space<hbm>> -> memref<80xi32, #tpu.memory_space<hbm>>
    tpu.enqueue_dma source(%dma_start3A_9 : memref<80xi32, #tpu.memory_space<hbm>>) target(%arg25 : memref<80xi32, #tpu.memory_space<vmem>>) target_semaphore(%arg13 : memref<!tpu.dma_semaphore, #tpu.memory_space<semaphore_mem>>)
    %add3A_10 = arith.constant 80 : i32
    %add3A_11 = arith.addi %mul3A_2, %add3A_10 : i32
    %dma_start3A_12 = tpu.memref_slice %arg3[%add3A_11] : memref<320000xi32, #tpu.memory_space<hbm>> -> memref<80xi32, #tpu.memory_space<hbm>>
    %dma_start3A_13 = tpu.memref_slice %arg3[%add3A_11] : memref<320000xi32, #tpu.memory_space<hbm>> -> memref<80xi32, #tpu.memory_space<hbm>>
    tpu.enqueue_dma source(%dma_start3A_13 : memref<80xi32, #tpu.memory_space<hbm>>) target(%arg30 : memref<80xi32, #tpu.memory_space<vmem>>) target_semaphore(%arg18 : memref<!tpu.dma_semaphore, #tpu.memory_space<semaphore_mem>>)
    %add3A_14 = arith.constant 80 : i32
    %add3A_15 = arith.addi %mul3A_2, %add3A_14 : i32
    %dma_start3A_16 = tpu.memref_slice %arg4[%add3A_15] : memref<320000xi32, #tpu.memory_space<hbm>> -> memref<80xi32, #tpu.memory_space<hbm>>
    %dma_start3A_17 = tpu.memref_slice %arg4[%add3A_15] : memref<320000xi32, #tpu.memory_space<hbm>> -> memref<80xi32, #tpu.memory_space<hbm>>
    tpu.enqueue_dma source(%dma_start3A_17 : memref<80xi32, #tpu.memory_space<hbm>>) target(%arg26 : memref<80xi32, #tpu.memory_space<vmem>>) target_semaphore(%arg14 : memref<!tpu.dma_semaphore, #tpu.memory_space<semaphore_mem>>)
    %add3A_18 = arith.constant 160 : i32
    %add3A_19 = arith.addi %mul3A_2, %add3A_18 : i32
    %dma_start3A_20 = tpu.memref_slice %arg3[%add3A_19] : memref<320000xi32, #tpu.memory_space<hbm>> -> memref<80xi32, #tpu.memory_space<hbm>>
    %dma_start3A_21 = tpu.memref_slice %arg3[%add3A_19] : memref<320000xi32, #tpu.memory_space<hbm>> -> memref<80xi32, #tpu.memory_space<hbm>>
    tpu.enqueue_dma source(%dma_start3A_21 : memref<80xi32, #tpu.memory_space<hbm>>) target(%arg31 : memref<80xi32, #tpu.memory_space<vmem>>) target_semaphore(%arg19 : memref<!tpu.dma_semaphore, #tpu.memory_space<semaphore_mem>>)
    %add3A_22 = arith.constant 160 : i32
    %add3A_23 = arith.addi %mul3A_2, %add3A_22 : i32
    %dma_start3A_24 = tpu.memref_slice %arg4[%add3A_23] : memref<320000xi32, #tpu.memory_space<hbm>> -> memref<80xi32, #tpu.memory_space<hbm>>
    %dma_start3A_25 = tpu.memref_slice %arg4[%add3A_23] : memref<320000xi32, #tpu.memory_space<hbm>> -> memref<80xi32, #tpu.memory_space<hbm>>
    tpu.enqueue_dma source(%dma_start3A_25 : memref<80xi32, #tpu.memory_space<hbm>>) target(%arg27 : memref<80xi32, #tpu.memory_space<vmem>>) target_semaphore(%arg15 : memref<!tpu.dma_semaphore, #tpu.memory_space<semaphore_mem>>)
    %add3A_26 = arith.constant 0 : i32
    %add3A_27 = arith.addi %mul3A_2, %add3A_26 : i32
    %dma_wait3A = tpu.memref_slice %arg3[%add3A_27] : memref<320000xi32, #tpu.memory_space<hbm>> -> memref<80xi32, #tpu.memory_space<hbm>>
    %dma_wait3A_28 = tpu.memref_slice %arg3[%add3A_27] : memref<320000xi32, #tpu.memory_space<hbm>> -> memref<80xi32, #tpu.memory_space<hbm>>
    tpu.wait_dma2 semaphore(%arg17 : memref<!tpu.dma_semaphore, #tpu.memory_space<semaphore_mem>>) src(%dma_wait3A_28 : memref<80xi32, #tpu.memory_space<hbm>>) dst(%arg29 : memref<80xi32, #tpu.memory_space<vmem>>)
    %dma_start3A_29 = arith.constant 0 : i32
    %dma_start3A_30 = arith.constant 0 : i32
    %dma_start3A_31 = tpu.memref_slice %arg2[%dma_start3A_29, %dma_start3A_30] : memref<10000x128xf32, #tpu.memory_space<hbm>> -> memref<10000x128xf32, #tpu.memory_space<hbm>>
    tpu.enqueue_indirect_dma source(%dma_start3A_31 : memref<10000x128xf32, #tpu.memory_space<hbm>>) target(%arg21 : memref<80x128xf32, #tpu.memory_space<vmem>>) offsets(%arg29 : memref<80xi32, #tpu.memory_space<vmem>>) semaphore(%arg9 : memref<!tpu.dma_semaphore, #tpu.memory_space<semaphore_mem>>)
    %add3A_32 = arith.constant 80 : i32
    %add3A_33 = arith.addi %mul3A_2, %add3A_32 : i32
    %dma_wait3A_34 = tpu.memref_slice %arg3[%add3A_33] : memref<320000xi32, #tpu.memory_space<hbm>> -> memref<80xi32, #tpu.memory_space<hbm>>
    %dma_wait3A_35 = tpu.memref_slice %arg3[%add3A_33] : memref<320000xi32, #tpu.memory_space<hbm>> -> memref<80xi32, #tpu.memory_space<hbm>>
    tpu.wait_dma2 semaphore(%arg18 : memref<!tpu.dma_semaphore, #tpu.memory_space<semaphore_mem>>) src(%dma_wait3A_35 : memref<80xi32, #tpu.memory_space<hbm>>) dst(%arg30 : memref<80xi32, #tpu.memory_space<vmem>>)
    %dma_start3A_36 = arith.constant 0 : i32
    %dma_start3A_37 = arith.constant 0 : i32
    %dma_start3A_38 = tpu.memref_slice %arg2[%dma_start3A_36, %dma_start3A_37] : memref<10000x128xf32, #tpu.memory_space<hbm>> -> memref<10000x128xf32, #tpu.memory_space<hbm>>
    tpu.enqueue_indirect_dma source(%dma_start3A_38 : memref<10000x128xf32, #tpu.memory_space<hbm>>) target(%arg22 : memref<80x128xf32, #tpu.memory_space<vmem>>) offsets(%arg30 : memref<80xi32, #tpu.memory_space<vmem>>) semaphore(%arg10 : memref<!tpu.dma_semaphore, #tpu.memory_space<semaphore_mem>>)
    %mul3A_39 = arith.constant 624 : i32
    %mul3A_40 = arith.muli %arg1, %mul3A_39 : i32
    %lt3A = arith.constant 15 : i32
    %lt3A_41 = arith.cmpi slt, %arg1, %lt3A : i32
    %convert_element_type3A = arith.extui %lt3A_41 : i1 to i32
    %cond3A = arith.constant 0 : i32
    %cond3A_42 = arith.cmpi ne, %convert_element_type3A, %cond3A : i32
    scf.if %cond3A_42 {
      "tpu.region"() ({
        %run_scoped3A = tpu.sem_alloc : memref<!tpu.dma_semaphore, #tpu.memory_space<semaphore_mem>>
        %dma_start3A_71 = arith.constant 0 : i32
        %dma_start3A_72 = tpu.memref_slice %arg8[%mul3A_40, %dma_start3A_71] : memref<10000x128xf32, #tpu.memory_space<vmem_shared>> -> memref<624x128xf32, #tpu.memory_space<vmem_shared>>
        %dma_start3A_73 = arith.constant 0 : i32
        %dma_start3A_74 = arith.constant 0 : i32
        %dma_start3A_75 = tpu.memref_slice %arg5[%dma_start3A_73, %dma_start3A_74] : memref<1000x128xf32, #tpu.memory_space<hbm>> -> memref<624x128xf32, #tpu.memory_space<hbm>>
        tpu.enqueue_dma source(%dma_start3A_75 : memref<624x128xf32, #tpu.memory_space<hbm>>) target(%dma_start3A_72 : memref<624x128xf32, #tpu.memory_space<vmem_shared>>) target_semaphore(%run_scoped3A : memref<!tpu.dma_semaphore, #tpu.memory_space<semaphore_mem>>)
        %dma_wait3A_76 = arith.constant 0 : i32
        %dma_wait3A_77 = tpu.memref_slice %arg8[%mul3A_40, %dma_wait3A_76] : memref<10000x128xf32, #tpu.memory_space<vmem_shared>> -> memref<624x128xf32, #tpu.memory_space<vmem_shared>>
        %dma_wait3A_78 = arith.constant 0 : i32
        %dma_wait3A_79 = arith.constant 0 : i32
        %dma_wait3A_80 = tpu.memref_slice %arg5[%dma_wait3A_78, %dma_wait3A_79] : memref<1000x128xf32, #tpu.memory_space<hbm>> -> memref<624x128xf32, #tpu.memory_space<hbm>>
        tpu.wait_dma2 semaphore(%run_scoped3A : memref<!tpu.dma_semaphore, #tpu.memory_space<semaphore_mem>>) src(%dma_wait3A_80 : memref<624x128xf32, #tpu.memory_space<hbm>>) dst(%dma_wait3A_77 : memref<624x128xf32, #tpu.memory_space<vmem_shared>>)
        tpu.yield
      }) : () -> ()
    } else {
    }
    %eq3A = arith.constant 15 : i32
    %eq3A_43 = arith.cmpi eq, %arg1, %eq3A : i32
    %convert_element_type3A_44 = arith.extui %eq3A_43 : i1 to i32
    %cond3A_45 = arith.constant 0 : i32
    %cond3A_46 = arith.cmpi ne, %convert_element_type3A_44, %cond3A_45 : i32
    scf.if %cond3A_46 {
      "tpu.region"() ({
        %run_scoped3A = tpu.sem_alloc : memref<!tpu.dma_semaphore, #tpu.memory_space<semaphore_mem>>
        %dma_start3A_71 = arith.constant 0 : i32
        %dma_start3A_72 = tpu.memref_slice %arg8[%mul3A_40, %dma_start3A_71] : memref<10000x128xf32, #tpu.memory_space<vmem_shared>> -> memref<640x128xf32, #tpu.memory_space<vmem_shared>>
        %dma_start3A_73 = arith.constant 0 : i32
        %dma_start3A_74 = arith.constant 0 : i32
        %dma_start3A_75 = tpu.memref_slice %arg5[%dma_start3A_73, %dma_start3A_74] : memref<1000x128xf32, #tpu.memory_space<hbm>> -> memref<640x128xf32, #tpu.memory_space<hbm>>
        tpu.enqueue_dma source(%dma_start3A_75 : memref<640x128xf32, #tpu.memory_space<hbm>>) target(%dma_start3A_72 : memref<640x128xf32, #tpu.memory_space<vmem_shared>>) target_semaphore(%run_scoped3A : memref<!tpu.dma_semaphore, #tpu.memory_space<semaphore_mem>>)
        %dma_wait3A_76 = arith.constant 0 : i32
        %dma_wait3A_77 = tpu.memref_slice %arg8[%mul3A_40, %dma_wait3A_76] : memref<10000x128xf32, #tpu.memory_space<vmem_shared>> -> memref<640x128xf32, #tpu.memory_space<vmem_shared>>
        %dma_wait3A_78 = arith.constant 0 : i32
        %dma_wait3A_79 = arith.constant 0 : i32
        %dma_wait3A_80 = tpu.memref_slice %arg5[%dma_wait3A_78, %dma_wait3A_79] : memref<1000x128xf32, #tpu.memory_space<hbm>> -> memref<640x128xf32, #tpu.memory_space<hbm>>
        tpu.wait_dma2 semaphore(%run_scoped3A : memref<!tpu.dma_semaphore, #tpu.memory_space<semaphore_mem>>) src(%dma_wait3A_80 : memref<640x128xf32, #tpu.memory_space<hbm>>) dst(%dma_wait3A_77 : memref<640x128xf32, #tpu.memory_space<vmem_shared>>)
        tpu.yield
      }) : () -> ()
    } else {
    }
    %barrier3A = arith.constant 0 : index
    tpu.barrier barrier_id(%barrier3A)
    %scan3A = arith.constant 0 : i32
    %scan3A_47 = arith.constant 0 : i32
    %scan3A_48 = arith.constant 31 : i32
    %scan3A_49 = arith.addi %scan3A_47, %scan3A_48 : i32
    %scan3A_50 = arith.constant 1 : i32
    %scan3A_51 = scf.for %scan3A_71 = %scan3A_47 to %scan3A_49 step %scan3A_50 iter_args(%scan3A_72 = %scan3A) -> (i32)  : i32 {
      %mul3A_73 = arith.constant 4 : i32
      %mul3A_74 = arith.muli %scan3A_71, %mul3A_73 : i32
      %add3A_75 = arith.constant 0 : i32
      %add3A_76 = arith.addi %mul3A_74, %add3A_75 : i32
      %add3A_77 = arith.constant 3 : i32
      %add3A_78 = arith.addi %add3A_76, %add3A_77 : i32
      %lt3A_79 = arith.constant 125 : i32
      %lt3A_80 = arith.cmpi slt, %add3A_78, %lt3A_79 : i32
      %convert_element_type3A_81 = arith.extui %lt3A_80 : i1 to i32
      %cond3A_82 = arith.constant 0 : i32
      %cond3A_83 = arith.cmpi ne, %convert_element_type3A_81, %cond3A_82 : i32
      scf.if %cond3A_83 {
        %add3A_178 = arith.constant 3 : i32
        %add3A_179 = arith.addi %add3A_76, %add3A_178 : i32
        %mul3A_180 = arith.constant 80 : i32
        %mul3A_181 = arith.muli %add3A_179, %mul3A_180 : i32
        %add3A_182 = arith.addi %mul3A_2, %mul3A_181 : i32
        %dma_start3A_183 = tpu.memref_slice %arg3[%add3A_182] : memref<320000xi32, #tpu.memory_space<hbm>> -> memref<80xi32, #tpu.memory_space<hbm>>
        %dma_start3A_184 = tpu.memref_slice %arg3[%add3A_182] : memref<320000xi32, #tpu.memory_space<hbm>> -> memref<80xi32, #tpu.memory_space<hbm>>
        tpu.enqueue_dma source(%dma_start3A_184 : memref<80xi32, #tpu.memory_space<hbm>>) target(%arg32 : memref<80xi32, #tpu.memory_space<vmem>>) target_semaphore(%arg20 : memref<!tpu.dma_semaphore, #tpu.memory_space<semaphore_mem>>)
        %mul3A_185 = arith.constant 80 : i32
        %mul3A_186 = arith.muli %add3A_179, %mul3A_185 : i32
        %add3A_187 = arith.addi %mul3A_2, %mul3A_186 : i32
        %dma_start3A_188 = tpu.memref_slice %arg4[%add3A_187] : memref<320000xi32, #tpu.memory_space<hbm>> -> memref<80xi32, #tpu.memory_space<hbm>>
        %dma_start3A_189 = tpu.memref_slice %arg4[%add3A_187] : memref<320000xi32, #tpu.memory_space<hbm>> -> memref<80xi32, #tpu.memory_space<hbm>>
        tpu.enqueue_dma source(%dma_start3A_189 : memref<80xi32, #tpu.memory_space<hbm>>) target(%arg28 : memref<80xi32, #tpu.memory_space<vmem>>) target_semaphore(%arg16 : memref<!tpu.dma_semaphore, #tpu.memory_space<semaphore_mem>>)
      } else {
      }
      %add3A_84 = arith.constant 2 : i32
      %add3A_85 = arith.addi %add3A_76, %add3A_84 : i32
      %lt3A_86 = arith.constant 125 : i32
      %lt3A_87 = arith.cmpi slt, %add3A_85, %lt3A_86 : i32
      %convert_element_type3A_88 = arith.extui %lt3A_87 : i1 to i32
      %cond3A_89 = arith.constant 0 : i32
      %cond3A_90 = arith.cmpi ne, %convert_element_type3A_88, %cond3A_89 : i32
      scf.if %cond3A_90 {
        %add3A_178 = arith.constant 2 : i32
        %add3A_179 = arith.addi %add3A_76, %add3A_178 : i32
        %mul3A_180 = arith.constant 80 : i32
        %mul3A_181 = arith.muli %add3A_179, %mul3A_180 : i32
        %add3A_182 = arith.addi %mul3A_2, %mul3A_181 : i32
        %dma_wait3A_183 = tpu.memref_slice %arg3[%add3A_182] : memref<320000xi32, #tpu.memory_space<hbm>> -> memref<80xi32, #tpu.memory_space<hbm>>
        %dma_wait3A_184 = tpu.memref_slice %arg3[%add3A_182] : memref<320000xi32, #tpu.memory_space<hbm>> -> memref<80xi32, #tpu.memory_space<hbm>>
        tpu.wait_dma2 semaphore(%arg19 : memref<!tpu.dma_semaphore, #tpu.memory_space<semaphore_mem>>) src(%dma_wait3A_184 : memref<80xi32, #tpu.memory_space<hbm>>) dst(%arg31 : memref<80xi32, #tpu.memory_space<vmem>>)
        %dma_start3A_185 = arith.constant 0 : i32
        %dma_start3A_186 = arith.constant 0 : i32
        %dma_start3A_187 = tpu.memref_slice %arg2[%dma_start3A_185, %dma_start3A_186] : memref<10000x128xf32, #tpu.memory_space<hbm>> -> memref<10000x128xf32, #tpu.memory_space<hbm>>
        tpu.enqueue_indirect_dma source(%dma_start3A_187 : memref<10000x128xf32, #tpu.memory_space<hbm>>) target(%arg23 : memref<80x128xf32, #tpu.memory_space<vmem>>) offsets(%arg31 : memref<80xi32, #tpu.memory_space<vmem>>) semaphore(%arg11 : memref<!tpu.dma_semaphore, #tpu.memory_space<semaphore_mem>>)
      } else {
      }
      %dma_wait3A_91 = arith.constant 0 : i32
      %dma_wait3A_92 = arith.constant 0 : i32
      %dma_wait3A_93 = tpu.memref_slice %arg2[%dma_wait3A_91, %dma_wait3A_92] : memref<10000x128xf32, #tpu.memory_space<hbm>> -> memref<10000x128xf32, #tpu.memory_space<hbm>>
      tpu.wait_indirect_dma semaphore(%arg9 : memref<!tpu.dma_semaphore, #tpu.memory_space<semaphore_mem>>) src(%dma_wait3A_93 : memref<10000x128xf32, #tpu.memory_space<hbm>>) dst(%arg21 : memref<80x128xf32, #tpu.memory_space<vmem>>)
      %mul3A_94 = arith.constant 80 : i32
      %mul3A_95 = arith.muli %add3A_76, %mul3A_94 : i32
      %add3A_96 = arith.addi %mul3A_2, %mul3A_95 : i32
      %dma_wait3A_97 = tpu.memref_slice %arg4[%add3A_96] : memref<320000xi32, #tpu.memory_space<hbm>> -> memref<80xi32, #tpu.memory_space<hbm>>
      %dma_wait3A_98 = tpu.memref_slice %arg4[%add3A_96] : memref<320000xi32, #tpu.memory_space<hbm>> -> memref<80xi32, #tpu.memory_space<hbm>>
      tpu.wait_dma2 semaphore(%arg13 : memref<!tpu.dma_semaphore, #tpu.memory_space<semaphore_mem>>) src(%dma_wait3A_98 : memref<80xi32, #tpu.memory_space<hbm>>) dst(%arg25 : memref<80xi32, #tpu.memory_space<vmem>>)
      "tpu.region"() ({
        %run_scoped3A = tpu.sem_alloc : memref<!tpu.dma_semaphore, #tpu.memory_space<semaphore_mem>>
        %dma_start3A_178 = arith.constant 0 : i32
        %dma_start3A_179 = arith.constant 0 : i32
        %dma_start3A_180 = tpu.memref_slice %arg8[%dma_start3A_178, %dma_start3A_179] : memref<10000x128xf32, #tpu.memory_space<vmem_shared>> -> memref<10000x128xf32, #tpu.memory_space<vmem_shared>>
        tpu.enqueue_indirect_dma source(%arg21 : memref<80x128xf32, #tpu.memory_space<vmem>>) target(%dma_start3A_180 : memref<10000x128xf32, #tpu.memory_space<vmem_shared>>) offsets(%arg25 : memref<80xi32, #tpu.memory_space<vmem>>) semaphore(%run_scoped3A : memref<!tpu.dma_semaphore, #tpu.memory_space<semaphore_mem>>) {add = true}
        %dma_wait3A_181 = arith.constant 0 : i32
        %dma_wait3A_182 = arith.constant 0 : i32
        %dma_wait3A_183 = tpu.memref_slice %arg8[%dma_wait3A_181, %dma_wait3A_182] : memref<10000x128xf32, #tpu.memory_space<vmem_shared>> -> memref<10000x128xf32, #tpu.memory_space<vmem_shared>>
        tpu.wait_indirect_dma semaphore(%run_scoped3A : memref<!tpu.dma_semaphore, #tpu.memory_space<semaphore_mem>>) src(%arg21 : memref<80x128xf32, #tpu.memory_space<vmem>>) dst(%dma_wait3A_183 : memref<10000x128xf32, #tpu.memory_space<vmem_shared>>)
        tpu.yield
      }) : () -> ()
      %mul3A_99 = arith.constant 4 : i32
      %mul3A_100 = arith.muli %scan3A_71, %mul3A_99 : i32
      %add3A_101 = arith.constant 1 : i32
      %add3A_102 = arith.addi %mul3A_100, %add3A_101 : i32
      %add3A_103 = arith.constant 3 : i32
      %add3A_104 = arith.addi %add3A_102, %add3A_103 : i32
      %lt3A_105 = arith.constant 125 : i32
      %lt3A_106 = arith.cmpi slt, %add3A_104, %lt3A_105 : i32
      %convert_element_type3A_107 = arith.extui %lt3A_106 : i1 to i32
      %cond3A_108 = arith.constant 0 : i32
      %cond3A_109 = arith.cmpi ne, %convert_element_type3A_107, %cond3A_108 : i32
      scf.if %cond3A_109 {
        %add3A_178 = arith.constant 3 : i32
        %add3A_179 = arith.addi %add3A_102, %add3A_178 : i32
        %mul3A_180 = arith.constant 80 : i32
        %mul3A_181 = arith.muli %add3A_179, %mul3A_180 : i32
        %add3A_182 = arith.addi %mul3A_2, %mul3A_181 : i32
        %dma_start3A_183 = tpu.memref_slice %arg3[%add3A_182] : memref<320000xi32, #tpu.memory_space<hbm>> -> memref<80xi32, #tpu.memory_space<hbm>>
        %dma_start3A_184 = tpu.memref_slice %arg3[%add3A_182] : memref<320000xi32, #tpu.memory_space<hbm>> -> memref<80xi32, #tpu.memory_space<hbm>>
        tpu.enqueue_dma source(%dma_start3A_184 : memref<80xi32, #tpu.memory_space<hbm>>) target(%arg29 : memref<80xi32, #tpu.memory_space<vmem>>) target_semaphore(%arg17 : memref<!tpu.dma_semaphore, #tpu.memory_space<semaphore_mem>>)
        %mul3A_185 = arith.constant 80 : i32
        %mul3A_186 = arith.muli %add3A_179, %mul3A_185 : i32
        %add3A_187 = arith.addi %mul3A_2, %mul3A_186 : i32
        %dma_start3A_188 = tpu.memref_slice %arg4[%add3A_187] : memref<320000xi32, #tpu.memory_space<hbm>> -> memref<80xi32, #tpu.memory_space<hbm>>
        %dma_start3A_189 = tpu.memref_slice %arg4[%add3A_187] : memref<320000xi32, #tpu.memory_space<hbm>> -> memref<80xi32, #tpu.memory_space<hbm>>
        tpu.enqueue_dma source(%dma_start3A_189 : memref<80xi32, #tpu.memory_space<hbm>>) target(%arg25 : memref<80xi32, #tpu.memory_space<vmem>>) target_semaphore(%arg13 : memref<!tpu.dma_semaphore, #tpu.memory_space<semaphore_mem>>)
      } else {
      }
      %add3A_110 = arith.constant 2 : i32
      %add3A_111 = arith.addi %add3A_102, %add3A_110 : i32
      %lt3A_112 = arith.constant 125 : i32
      %lt3A_113 = arith.cmpi slt, %add3A_111, %lt3A_112 : i32
      %convert_element_type3A_114 = arith.extui %lt3A_113 : i1 to i32
      %cond3A_115 = arith.constant 0 : i32
      %cond3A_116 = arith.cmpi ne, %convert_element_type3A_114, %cond3A_115 : i32
      scf.if %cond3A_116 {
        %add3A_178 = arith.constant 2 : i32
        %add3A_179 = arith.addi %add3A_102, %add3A_178 : i32
        %mul3A_180 = arith.constant 80 : i32
        %mul3A_181 = arith.muli %add3A_179, %mul3A_180 : i32
        %add3A_182 = arith.addi %mul3A_2, %mul3A_181 : i32
        %dma_wait3A_183 = tpu.memref_slice %arg3[%add3A_182] : memref<320000xi32, #tpu.memory_space<hbm>> -> memref<80xi32, #tpu.memory_space<hbm>>
        %dma_wait3A_184 = tpu.memref_slice %arg3[%add3A_182] : memref<320000xi32, #tpu.memory_space<hbm>> -> memref<80xi32, #tpu.memory_space<hbm>>
        tpu.wait_dma2 semaphore(%arg20 : memref<!tpu.dma_semaphore, #tpu.memory_space<semaphore_mem>>) src(%dma_wait3A_184 : memref<80xi32, #tpu.memory_space<hbm>>) dst(%arg32 : memref<80xi32, #tpu.memory_space<vmem>>)
        %dma_start3A_185 = arith.constant 0 : i32
        %dma_start3A_186 = arith.constant 0 : i32
        %dma_start3A_187 = tpu.memref_slice %arg2[%dma_start3A_185, %dma_start3A_186] : memref<10000x128xf32, #tpu.memory_space<hbm>> -> memref<10000x128xf32, #tpu.memory_space<hbm>>
        tpu.enqueue_indirect_dma source(%dma_start3A_187 : memref<10000x128xf32, #tpu.memory_space<hbm>>) target(%arg24 : memref<80x128xf32, #tpu.memory_space<vmem>>) offsets(%arg32 : memref<80xi32, #tpu.memory_space<vmem>>) semaphore(%arg12 : memref<!tpu.dma_semaphore, #tpu.memory_space<semaphore_mem>>)
      } else {
      }
      %dma_wait3A_117 = arith.constant 0 : i32
      %dma_wait3A_118 = arith.constant 0 : i32
      %dma_wait3A_119 = tpu.memref_slice %arg2[%dma_wait3A_117, %dma_wait3A_118] : memref<10000x128xf32, #tpu.memory_space<hbm>> -> memref<10000x128xf32, #tpu.memory_space<hbm>>
      tpu.wait_indirect_dma semaphore(%arg10 : memref<!tpu.dma_semaphore, #tpu.memory_space<semaphore_mem>>) src(%dma_wait3A_119 : memref<10000x128xf32, #tpu.memory_space<hbm>>) dst(%arg22 : memref<80x128xf32, #tpu.memory_space<vmem>>)
      %mul3A_120 = arith.constant 80 : i32
      %mul3A_121 = arith.muli %add3A_102, %mul3A_120 : i32
      %add3A_122 = arith.addi %mul3A_2, %mul3A_121 : i32
      %dma_wait3A_123 = tpu.memref_slice %arg4[%add3A_122] : memref<320000xi32, #tpu.memory_space<hbm>> -> memref<80xi32, #tpu.memory_space<hbm>>
      %dma_wait3A_124 = tpu.memref_slice %arg4[%add3A_122] : memref<320000xi32, #tpu.memory_space<hbm>> -> memref<80xi32, #tpu.memory_space<hbm>>
      tpu.wait_dma2 semaphore(%arg14 : memref<!tpu.dma_semaphore, #tpu.memory_space<semaphore_mem>>) src(%dma_wait3A_124 : memref<80xi32, #tpu.memory_space<hbm>>) dst(%arg26 : memref<80xi32, #tpu.memory_space<vmem>>)
      "tpu.region"() ({
        %run_scoped3A = tpu.sem_alloc : memref<!tpu.dma_semaphore, #tpu.memory_space<semaphore_mem>>
        %dma_start3A_178 = arith.constant 0 : i32
        %dma_start3A_179 = arith.constant 0 : i32
        %dma_start3A_180 = tpu.memref_slice %arg8[%dma_start3A_178, %dma_start3A_179] : memref<10000x128xf32, #tpu.memory_space<vmem_shared>> -> memref<10000x128xf32, #tpu.memory_space<vmem_shared>>
        tpu.enqueue_indirect_dma source(%arg22 : memref<80x128xf32, #tpu.memory_space<vmem>>) target(%dma_start3A_180 : memref<10000x128xf32, #tpu.memory_space<vmem_shared>>) offsets(%arg26 : memref<80xi32, #tpu.memory_space<vmem>>) semaphore(%run_scoped3A : memref<!tpu.dma_semaphore, #tpu.memory_space<semaphore_mem>>) {add = true}
        %dma_wait3A_181 = arith.constant 0 : i32
        %dma_wait3A_182 = arith.constant 0 : i32
        %dma_wait3A_183 = tpu.memref_slice %arg8[%dma_wait3A_181, %dma_wait3A_182] : memref<10000x128xf32, #tpu.memory_space<vmem_shared>> -> memref<10000x128xf32, #tpu.memory_space<vmem_shared>>
        tpu.wait_indirect_dma semaphore(%run_scoped3A : memref<!tpu.dma_semaphore, #tpu.memory_space<semaphore_mem>>) src(%arg22 : memref<80x128xf32, #tpu.memory_space<vmem>>) dst(%dma_wait3A_183 : memref<10000x128xf32, #tpu.memory_space<vmem_shared>>)
        tpu.yield
      }) : () -> ()
      %mul3A_125 = arith.constant 4 : i32
      %mul3A_126 = arith.muli %scan3A_71, %mul3A_125 : i32
      %add3A_127 = arith.constant 2 : i32
      %add3A_128 = arith.addi %mul3A_126, %add3A_127 : i32
      %add3A_129 = arith.constant 3 : i32
      %add3A_130 = arith.addi %add3A_128, %add3A_129 : i32
      %lt3A_131 = arith.constant 125 : i32
      %lt3A_132 = arith.cmpi slt, %add3A_130, %lt3A_131 : i32
      %convert_element_type3A_133 = arith.extui %lt3A_132 : i1 to i32
      %cond3A_134 = arith.constant 0 : i32
      %cond3A_135 = arith.cmpi ne, %convert_element_type3A_133, %cond3A_134 : i32
      scf.if %cond3A_135 {
        %add3A_178 = arith.constant 3 : i32
        %add3A_179 = arith.addi %add3A_128, %add3A_178 : i32
        %mul3A_180 = arith.constant 80 : i32
        %mul3A_181 = arith.muli %add3A_179, %mul3A_180 : i32
        %add3A_182 = arith.addi %mul3A_2, %mul3A_181 : i32
        %dma_start3A_183 = tpu.memref_slice %arg3[%add3A_182] : memref<320000xi32, #tpu.memory_space<hbm>> -> memref<80xi32, #tpu.memory_space<hbm>>
        %dma_start3A_184 = tpu.memref_slice %arg3[%add3A_182] : memref<320000xi32, #tpu.memory_space<hbm>> -> memref<80xi32, #tpu.memory_space<hbm>>
        tpu.enqueue_dma source(%dma_start3A_184 : memref<80xi32, #tpu.memory_space<hbm>>) target(%arg30 : memref<80xi32, #tpu.memory_space<vmem>>) target_semaphore(%arg18 : memref<!tpu.dma_semaphore, #tpu.memory_space<semaphore_mem>>)
        %mul3A_185 = arith.constant 80 : i32
        %mul3A_186 = arith.muli %add3A_179, %mul3A_185 : i32
        %add3A_187 = arith.addi %mul3A_2, %mul3A_186 : i32
        %dma_start3A_188 = tpu.memref_slice %arg4[%add3A_187] : memref<320000xi32, #tpu.memory_space<hbm>> -> memref<80xi32, #tpu.memory_space<hbm>>
        %dma_start3A_189 = tpu.memref_slice %arg4[%add3A_187] : memref<320000xi32, #tpu.memory_space<hbm>> -> memref<80xi32, #tpu.memory_space<hbm>>
        tpu.enqueue_dma source(%dma_start3A_189 : memref<80xi32, #tpu.memory_space<hbm>>) target(%arg26 : memref<80xi32, #tpu.memory_space<vmem>>) target_semaphore(%arg14 : memref<!tpu.dma_semaphore, #tpu.memory_space<semaphore_mem>>)
      } else {
      }
      %add3A_136 = arith.constant 2 : i32
      %add3A_137 = arith.addi %add3A_128, %add3A_136 : i32
      %lt3A_138 = arith.constant 125 : i32
      %lt3A_139 = arith.cmpi slt, %add3A_137, %lt3A_138 : i32
      %convert_element_type3A_140 = arith.extui %lt3A_139 : i1 to i32
      %cond3A_141 = arith.constant 0 : i32
      %cond3A_142 = arith.cmpi ne, %convert_element_type3A_140, %cond3A_141 : i32
      scf.if %cond3A_142 {
        %add3A_178 = arith.constant 2 : i32
        %add3A_179 = arith.addi %add3A_128, %add3A_178 : i32
        %mul3A_180 = arith.constant 80 : i32
        %mul3A_181 = arith.muli %add3A_179, %mul3A_180 : i32
        %add3A_182 = arith.addi %mul3A_2, %mul3A_181 : i32
        %dma_wait3A_183 = tpu.memref_slice %arg3[%add3A_182] : memref<320000xi32, #tpu.memory_space<hbm>> -> memref<80xi32, #tpu.memory_space<hbm>>
        %dma_wait3A_184 = tpu.memref_slice %arg3[%add3A_182] : memref<320000xi32, #tpu.memory_space<hbm>> -> memref<80xi32, #tpu.memory_space<hbm>>
        tpu.wait_dma2 semaphore(%arg17 : memref<!tpu.dma_semaphore, #tpu.memory_space<semaphore_mem>>) src(%dma_wait3A_184 : memref<80xi32, #tpu.memory_space<hbm>>) dst(%arg29 : memref<80xi32, #tpu.memory_space<vmem>>)
        %dma_start3A_185 = arith.constant 0 : i32
        %dma_start3A_186 = arith.constant 0 : i32
        %dma_start3A_187 = tpu.memref_slice %arg2[%dma_start3A_185, %dma_start3A_186] : memref<10000x128xf32, #tpu.memory_space<hbm>> -> memref<10000x128xf32, #tpu.memory_space<hbm>>
        tpu.enqueue_indirect_dma source(%dma_start3A_187 : memref<10000x128xf32, #tpu.memory_space<hbm>>) target(%arg21 : memref<80x128xf32, #tpu.memory_space<vmem>>) offsets(%arg29 : memref<80xi32, #tpu.memory_space<vmem>>) semaphore(%arg9 : memref<!tpu.dma_semaphore, #tpu.memory_space<semaphore_mem>>)
      } else {
      }
      %dma_wait3A_143 = arith.constant 0 : i32
      %dma_wait3A_144 = arith.constant 0 : i32
      %dma_wait3A_145 = tpu.memref_slice %arg2[%dma_wait3A_143, %dma_wait3A_144] : memref<10000x128xf32, #tpu.memory_space<hbm>> -> memref<10000x128xf32, #tpu.memory_space<hbm>>
      tpu.wait_indirect_dma semaphore(%arg11 : memref<!tpu.dma_semaphore, #tpu.memory_space<semaphore_mem>>) src(%dma_wait3A_145 : memref<10000x128xf32, #tpu.memory_space<hbm>>) dst(%arg23 : memref<80x128xf32, #tpu.memory_space<vmem>>)
      %mul3A_146 = arith.constant 80 : i32
      %mul3A_147 = arith.muli %add3A_128, %mul3A_146 : i32
      %add3A_148 = arith.addi %mul3A_2, %mul3A_147 : i32
      %dma_wait3A_149 = tpu.memref_slice %arg4[%add3A_148] : memref<320000xi32, #tpu.memory_space<hbm>> -> memref<80xi32, #tpu.memory_space<hbm>>
      %dma_wait3A_150 = tpu.memref_slice %arg4[%add3A_148] : memref<320000xi32, #tpu.memory_space<hbm>> -> memref<80xi32, #tpu.memory_space<hbm>>
      tpu.wait_dma2 semaphore(%arg15 : memref<!tpu.dma_semaphore, #tpu.memory_space<semaphore_mem>>) src(%dma_wait3A_150 : memref<80xi32, #tpu.memory_space<hbm>>) dst(%arg27 : memref<80xi32, #tpu.memory_space<vmem>>)
      "tpu.region"() ({
        %run_scoped3A = tpu.sem_alloc : memref<!tpu.dma_semaphore, #tpu.memory_space<semaphore_mem>>
        %dma_start3A_178 = arith.constant 0 : i32
        %dma_start3A_179 = arith.constant 0 : i32
        %dma_start3A_180 = tpu.memref_slice %arg8[%dma_start3A_178, %dma_start3A_179] : memref<10000x128xf32, #tpu.memory_space<vmem_shared>> -> memref<10000x128xf32, #tpu.memory_space<vmem_shared>>
        tpu.enqueue_indirect_dma source(%arg23 : memref<80x128xf32, #tpu.memory_space<vmem>>) target(%dma_start3A_180 : memref<10000x128xf32, #tpu.memory_space<vmem_shared>>) offsets(%arg27 : memref<80xi32, #tpu.memory_space<vmem>>) semaphore(%run_scoped3A : memref<!tpu.dma_semaphore, #tpu.memory_space<semaphore_mem>>) {add = true}
        %dma_wait3A_181 = arith.constant 0 : i32
        %dma_wait3A_182 = arith.constant 0 : i32
        %dma_wait3A_183 = tpu.memref_slice %arg8[%dma_wait3A_181, %dma_wait3A_182] : memref<10000x128xf32, #tpu.memory_space<vmem_shared>> -> memref<10000x128xf32, #tpu.memory_space<vmem_shared>>
        tpu.wait_indirect_dma semaphore(%run_scoped3A : memref<!tpu.dma_semaphore, #tpu.memory_space<semaphore_mem>>) src(%arg23 : memref<80x128xf32, #tpu.memory_space<vmem>>) dst(%dma_wait3A_183 : memref<10000x128xf32, #tpu.memory_space<vmem_shared>>)
        tpu.yield
      }) : () -> ()
      %mul3A_151 = arith.constant 4 : i32
      %mul3A_152 = arith.muli %scan3A_71, %mul3A_151 : i32
      %add3A_153 = arith.constant 3 : i32
      %add3A_154 = arith.addi %mul3A_152, %add3A_153 : i32
      %add3A_155 = arith.constant 3 : i32
      %add3A_156 = arith.addi %add3A_154, %add3A_155 : i32
      %lt3A_157 = arith.constant 125 : i32
      %lt3A_158 = arith.cmpi slt, %add3A_156, %lt3A_157 : i32
      %convert_element_type3A_159 = arith.extui %lt3A_158 : i1 to i32
      %cond3A_160 = arith.constant 0 : i32
      %cond3A_161 = arith.cmpi ne, %convert_element_type3A_159, %cond3A_160 : i32
      scf.if %cond3A_161 {
        %add3A_178 = arith.constant 3 : i32
        %add3A_179 = arith.addi %add3A_154, %add3A_178 : i32
        %mul3A_180 = arith.constant 80 : i32
        %mul3A_181 = arith.muli %add3A_179, %mul3A_180 : i32
        %add3A_182 = arith.addi %mul3A_2, %mul3A_181 : i32
        %dma_start3A_183 = tpu.memref_slice %arg3[%add3A_182] : memref<320000xi32, #tpu.memory_space<hbm>> -> memref<80xi32, #tpu.memory_space<hbm>>
        %dma_start3A_184 = tpu.memref_slice %arg3[%add3A_182] : memref<320000xi32, #tpu.memory_space<hbm>> -> memref<80xi32, #tpu.memory_space<hbm>>
        tpu.enqueue_dma source(%dma_start3A_184 : memref<80xi32, #tpu.memory_space<hbm>>) target(%arg31 : memref<80xi32, #tpu.memory_space<vmem>>) target_semaphore(%arg19 : memref<!tpu.dma_semaphore, #tpu.memory_space<semaphore_mem>>)
        %mul3A_185 = arith.constant 80 : i32
        %mul3A_186 = arith.muli %add3A_179, %mul3A_185 : i32
        %add3A_187 = arith.addi %mul3A_2, %mul3A_186 : i32
        %dma_start3A_188 = tpu.memref_slice %arg4[%add3A_187] : memref<320000xi32, #tpu.memory_space<hbm>> -> memref<80xi32, #tpu.memory_space<hbm>>
        %dma_start3A_189 = tpu.memref_slice %arg4[%add3A_187] : memref<320000xi32, #tpu.memory_space<hbm>> -> memref<80xi32, #tpu.memory_space<hbm>>
        tpu.enqueue_dma source(%dma_start3A_189 : memref<80xi32, #tpu.memory_space<hbm>>) target(%arg27 : memref<80xi32, #tpu.memory_space<vmem>>) target_semaphore(%arg15 : memref<!tpu.dma_semaphore, #tpu.memory_space<semaphore_mem>>)
      } else {
      }
      %add3A_162 = arith.constant 2 : i32
      %add3A_163 = arith.addi %add3A_154, %add3A_162 : i32
      %lt3A_164 = arith.constant 125 : i32
      %lt3A_165 = arith.cmpi slt, %add3A_163, %lt3A_164 : i32
      %convert_element_type3A_166 = arith.extui %lt3A_165 : i1 to i32
      %cond3A_167 = arith.constant 0 : i32
      %cond3A_168 = arith.cmpi ne, %convert_element_type3A_166, %cond3A_167 : i32
      scf.if %cond3A_168 {
        %add3A_178 = arith.constant 2 : i32
        %add3A_179 = arith.addi %add3A_154, %add3A_178 : i32
        %mul3A_180 = arith.constant 80 : i32
        %mul3A_181 = arith.muli %add3A_179, %mul3A_180 : i32
        %add3A_182 = arith.addi %mul3A_2, %mul3A_181 : i32
        %dma_wait3A_183 = tpu.memref_slice %arg3[%add3A_182] : memref<320000xi32, #tpu.memory_space<hbm>> -> memref<80xi32, #tpu.memory_space<hbm>>
        %dma_wait3A_184 = tpu.memref_slice %arg3[%add3A_182] : memref<320000xi32, #tpu.memory_space<hbm>> -> memref<80xi32, #tpu.memory_space<hbm>>
        tpu.wait_dma2 semaphore(%arg18 : memref<!tpu.dma_semaphore, #tpu.memory_space<semaphore_mem>>) src(%dma_wait3A_184 : memref<80xi32, #tpu.memory_space<hbm>>) dst(%arg30 : memref<80xi32, #tpu.memory_space<vmem>>)
        %dma_start3A_185 = arith.constant 0 : i32
        %dma_start3A_186 = arith.constant 0 : i32
        %dma_start3A_187 = tpu.memref_slice %arg2[%dma_start3A_185, %dma_start3A_186] : memref<10000x128xf32, #tpu.memory_space<hbm>> -> memref<10000x128xf32, #tpu.memory_space<hbm>>
        tpu.enqueue_indirect_dma source(%dma_start3A_187 : memref<10000x128xf32, #tpu.memory_space<hbm>>) target(%arg22 : memref<80x128xf32, #tpu.memory_space<vmem>>) offsets(%arg30 : memref<80xi32, #tpu.memory_space<vmem>>) semaphore(%arg10 : memref<!tpu.dma_semaphore, #tpu.memory_space<semaphore_mem>>)
      } else {
      }
      %dma_wait3A_169 = arith.constant 0 : i32
      %dma_wait3A_170 = arith.constant 0 : i32
      %dma_wait3A_171 = tpu.memref_slice %arg2[%dma_wait3A_169, %dma_wait3A_170] : memref<10000x128xf32, #tpu.memory_space<hbm>> -> memref<10000x128xf32, #tpu.memory_space<hbm>>
      tpu.wait_indirect_dma semaphore(%arg12 : memref<!tpu.dma_semaphore, #tpu.memory_space<semaphore_mem>>) src(%dma_wait3A_171 : memref<10000x128xf32, #tpu.memory_space<hbm>>) dst(%arg24 : memref<80x128xf32, #tpu.memory_space<vmem>>)
      %mul3A_172 = arith.constant 80 : i32
      %mul3A_173 = arith.muli %add3A_154, %mul3A_172 : i32
      %add3A_174 = arith.addi %mul3A_2, %mul3A_173 : i32
      %dma_wait3A_175 = tpu.memref_slice %arg4[%add3A_174] : memref<320000xi32, #tpu.memory_space<hbm>> -> memref<80xi32, #tpu.memory_space<hbm>>
      %dma_wait3A_176 = tpu.memref_slice %arg4[%add3A_174] : memref<320000xi32, #tpu.memory_space<hbm>> -> memref<80xi32, #tpu.memory_space<hbm>>
      tpu.wait_dma2 semaphore(%arg16 : memref<!tpu.dma_semaphore, #tpu.memory_space<semaphore_mem>>) src(%dma_wait3A_176 : memref<80xi32, #tpu.memory_space<hbm>>) dst(%arg28 : memref<80xi32, #tpu.memory_space<vmem>>)
      "tpu.region"() ({
        %run_scoped3A = tpu.sem_alloc : memref<!tpu.dma_semaphore, #tpu.memory_space<semaphore_mem>>
        %dma_start3A_178 = arith.constant 0 : i32
        %dma_start3A_179 = arith.constant 0 : i32
        %dma_start3A_180 = tpu.memref_slice %arg8[%dma_start3A_178, %dma_start3A_179] : memref<10000x128xf32, #tpu.memory_space<vmem_shared>> -> memref<10000x128xf32, #tpu.memory_space<vmem_shared>>
        tpu.enqueue_indirect_dma source(%arg24 : memref<80x128xf32, #tpu.memory_space<vmem>>) target(%dma_start3A_180 : memref<10000x128xf32, #tpu.memory_space<vmem_shared>>) offsets(%arg28 : memref<80xi32, #tpu.memory_space<vmem>>) semaphore(%run_scoped3A : memref<!tpu.dma_semaphore, #tpu.memory_space<semaphore_mem>>) {add = true}
        %dma_wait3A_181 = arith.constant 0 : i32
        %dma_wait3A_182 = arith.constant 0 : i32
        %dma_wait3A_183 = tpu.memref_slice %arg8[%dma_wait3A_181, %dma_wait3A_182] : memref<10000x128xf32, #tpu.memory_space<vmem_shared>> -> memref<10000x128xf32, #tpu.memory_space<vmem_shared>>
        tpu.wait_indirect_dma semaphore(%run_scoped3A : memref<!tpu.dma_semaphore, #tpu.memory_space<semaphore_mem>>) src(%arg24 : memref<80x128xf32, #tpu.memory_space<vmem>>) dst(%dma_wait3A_183 : memref<10000x128xf32, #tpu.memory_space<vmem_shared>>)
        tpu.yield
      }) : () -> ()
      %scan3A_177 = arith.constant 0 : i32
      scf.yield %scan3A_177 : i32
    }
    %scan3A_52 = arith.constant 31 : i32
    %dma_wait3A_53 = arith.constant 0 : i32
    %dma_wait3A_54 = arith.constant 0 : i32
    %dma_wait3A_55 = tpu.memref_slice %arg2[%dma_wait3A_53, %dma_wait3A_54] : memref<10000x128xf32, #tpu.memory_space<hbm>> -> memref<10000x128xf32, #tpu.memory_space<hbm>>
    tpu.wait_indirect_dma semaphore(%arg9 : memref<!tpu.dma_semaphore, #tpu.memory_space<semaphore_mem>>) src(%dma_wait3A_55 : memref<10000x128xf32, #tpu.memory_space<hbm>>) dst(%arg21 : memref<80x128xf32, #tpu.memory_space<vmem>>)
    %add3A_56 = arith.constant 9920 : i32
    %add3A_57 = arith.addi %mul3A_2, %add3A_56 : i32
    %dma_wait3A_58 = tpu.memref_slice %arg4[%add3A_57] : memref<320000xi32, #tpu.memory_space<hbm>> -> memref<80xi32, #tpu.memory_space<hbm>>
    %dma_wait3A_59 = tpu.memref_slice %arg4[%add3A_57] : memref<320000xi32, #tpu.memory_space<hbm>> -> memref<80xi32, #tpu.memory_space<hbm>>
    tpu.wait_dma2 semaphore(%arg13 : memref<!tpu.dma_semaphore, #tpu.memory_space<semaphore_mem>>) src(%dma_wait3A_59 : memref<80xi32, #tpu.memory_space<hbm>>) dst(%arg25 : memref<80xi32, #tpu.memory_space<vmem>>)
    "tpu.region"() ({
      %run_scoped3A = tpu.sem_alloc : memref<!tpu.dma_semaphore, #tpu.memory_space<semaphore_mem>>
      %dma_start3A_71 = arith.constant 0 : i32
      %dma_start3A_72 = arith.constant 0 : i32
      %dma_start3A_73 = tpu.memref_slice %arg8[%dma_start3A_71, %dma_start3A_72] : memref<10000x128xf32, #tpu.memory_space<vmem_shared>> -> memref<10000x128xf32, #tpu.memory_space<vmem_shared>>
      tpu.enqueue_indirect_dma source(%arg21 : memref<80x128xf32, #tpu.memory_space<vmem>>) target(%dma_start3A_73 : memref<10000x128xf32, #tpu.memory_space<vmem_shared>>) offsets(%arg25 : memref<80xi32, #tpu.memory_space<vmem>>) semaphore(%run_scoped3A : memref<!tpu.dma_semaphore, #tpu.memory_space<semaphore_mem>>) {add = true}
      %dma_wait3A_74 = arith.constant 0 : i32
      %dma_wait3A_75 = arith.constant 0 : i32
      %dma_wait3A_76 = tpu.memref_slice %arg8[%dma_wait3A_74, %dma_wait3A_75] : memref<10000x128xf32, #tpu.memory_space<vmem_shared>> -> memref<10000x128xf32, #tpu.memory_space<vmem_shared>>
      tpu.wait_indirect_dma semaphore(%run_scoped3A : memref<!tpu.dma_semaphore, #tpu.memory_space<semaphore_mem>>) src(%arg21 : memref<80x128xf32, #tpu.memory_space<vmem>>) dst(%dma_wait3A_76 : memref<10000x128xf32, #tpu.memory_space<vmem_shared>>)
      tpu.yield
    }) : () -> ()
    %barrier3A_60 = arith.constant 0 : index
    tpu.barrier barrier_id(%barrier3A_60)
    %lt3A_61 = arith.constant 15 : i32
    %lt3A_62 = arith.cmpi slt, %arg1, %lt3A_61 : i32
    %convert_element_type3A_63 = arith.extui %lt3A_62 : i1 to i32
    %cond3A_64 = arith.constant 0 : i32
    %cond3A_65 = arith.cmpi ne, %convert_element_type3A_63, %cond3A_64 : i32
    scf.if %cond3A_65 {
      "tpu.region"() ({
        %run_scoped3A = tpu.sem_alloc : memref<!tpu.dma_semaphore, #tpu.memory_space<semaphore_mem>>
        %dma_start3A_71 = arith.constant 0 : i32
        %dma_start3A_72 = tpu.memref_slice %arg7[%arg0, %mul3A_40, %dma_start3A_71] : memref<2x10000x128xf32, #tpu.memory_space<hbm>> -> memref<1x624x128xf32, #tpu.memory_space<hbm>>
        %dma_start3A_73 = tpu.memref_squeeze %dma_start3A_72 : memref<1x624x128xf32, #tpu.memory_space<hbm>> -> memref<624x128xf32, #tpu.memory_space<hbm>>
        %dma_start3A_74 = arith.constant 0 : i32
        %dma_start3A_75 = tpu.memref_slice %arg8[%mul3A_40, %dma_start3A_74] : memref<10000x128xf32, #tpu.memory_space<vmem_shared>> -> memref<624x128xf32, #tpu.memory_space<vmem_shared>>
        tpu.enqueue_dma source(%dma_start3A_75 : memref<624x128xf32, #tpu.memory_space<vmem_shared>>) target(%dma_start3A_73 : memref<624x128xf32, #tpu.memory_space<hbm>>) target_semaphore(%run_scoped3A : memref<!tpu.dma_semaphore, #tpu.memory_space<semaphore_mem>>)
        %dma_wait3A_76 = arith.constant 0 : i32
        %dma_wait3A_77 = tpu.memref_slice %arg7[%arg0, %mul3A_40, %dma_wait3A_76] : memref<2x10000x128xf32, #tpu.memory_space<hbm>> -> memref<1x624x128xf32, #tpu.memory_space<hbm>>
        %dma_wait3A_78 = tpu.memref_squeeze %dma_wait3A_77 : memref<1x624x128xf32, #tpu.memory_space<hbm>> -> memref<624x128xf32, #tpu.memory_space<hbm>>
        %dma_wait3A_79 = arith.constant 0 : i32
        %dma_wait3A_80 = tpu.memref_slice %arg8[%mul3A_40, %dma_wait3A_79] : memref<10000x128xf32, #tpu.memory_space<vmem_shared>> -> memref<624x128xf32, #tpu.memory_space<vmem_shared>>
        tpu.wait_dma2 semaphore(%run_scoped3A : memref<!tpu.dma_semaphore, #tpu.memory_space<semaphore_mem>>) src(%dma_wait3A_80 : memref<624x128xf32, #tpu.memory_space<vmem_shared>>) dst(%dma_wait3A_78 : memref<624x128xf32, #tpu.memory_space<hbm>>)
        tpu.yield
      }) : () -> ()
    } else {
    }
    %eq3A_66 = arith.constant 15 : i32
    %eq3A_67 = arith.cmpi eq, %arg1, %eq3A_66 : i32
    %convert_element_type3A_68 = arith.extui %eq3A_67 : i1 to i32
    %cond3A_69 = arith.constant 0 : i32
    %cond3A_70 = arith.cmpi ne, %convert_element_type3A_68, %cond3A_69 : i32
    scf.if %cond3A_70 {
      "tpu.region"() ({
        %run_scoped3A = tpu.sem_alloc : memref<!tpu.dma_semaphore, #tpu.memory_space<semaphore_mem>>
        %dma_start3A_71 = arith.constant 0 : i32
        %dma_start3A_72 = tpu.memref_slice %arg7[%arg0, %mul3A_40, %dma_start3A_71] : memref<2x10000x128xf32, #tpu.memory_space<hbm>> -> memref<1x640x128xf32, #tpu.memory_space<hbm>>
        %dma_start3A_73 = tpu.memref_squeeze %dma_start3A_72 : memref<1x640x128xf32, #tpu.memory_space<hbm>> -> memref<640x128xf32, #tpu.memory_space<hbm>>
        %dma_start3A_74 = arith.constant 0 : i32
        %dma_start3A_75 = tpu.memref_slice %arg8[%mul3A_40, %dma_start3A_74] : memref<10000x128xf32, #tpu.memory_space<vmem_shared>> -> memref<640x128xf32, #tpu.memory_space<vmem_shared>>
        tpu.enqueue_dma source(%dma_start3A_75 : memref<640x128xf32, #tpu.memory_space<vmem_shared>>) target(%dma_start3A_73 : memref<640x128xf32, #tpu.memory_space<hbm>>) target_semaphore(%run_scoped3A : memref<!tpu.dma_semaphore, #tpu.memory_space<semaphore_mem>>)
        %dma_wait3A_76 = arith.constant 0 : i32
        %dma_wait3A_77 = tpu.memref_slice %arg7[%arg0, %mul3A_40, %dma_wait3A_76] : memref<2x10000x128xf32, #tpu.memory_space<hbm>> -> memref<1x640x128xf32, #tpu.memory_space<hbm>>
        %dma_wait3A_78 = tpu.memref_squeeze %dma_wait3A_77 : memref<1x640x128xf32, #tpu.memory_space<hbm>> -> memref<640x128xf32, #tpu.memory_space<hbm>>
        %dma_wait3A_79 = arith.constant 0 : i32
        %dma_wait3A_80 = tpu.memref_slice %arg8[%mul3A_40, %dma_wait3A_79] : memref<10000x128xf32, #tpu.memory_space<vmem_shared>> -> memref<640x128xf32, #tpu.memory_space<vmem_shared>>
        tpu.wait_dma2 semaphore(%run_scoped3A : memref<!tpu.dma_semaphore, #tpu.memory_space<semaphore_mem>>) src(%dma_wait3A_80 : memref<640x128xf32, #tpu.memory_space<vmem_shared>>) dst(%dma_wait3A_78 : memref<640x128xf32, #tpu.memory_space<hbm>>)
        tpu.yield
      }) : () -> ()
    } else {
    }
    return
  }
}

module attributes {stable_mosaic.version = 14 : i64} {
  func.func @body(%arg0: memref<2x10000x128xf32, #tpu.memory_space<vmem>>, %arg1: memref<2x10000xf32, #tpu.memory_space<vmem>>, %arg2: memref<10000x128xf32, #tpu.memory_space<vmem>>, %arg3: memref<128x128xf32, #tpu.memory_space<vmem>>, %arg4: memref<10000x128xf32, #tpu.memory_space<vmem>>) attributes {dimension_semantics = [], scalar_prefetch = 0 : i64, scratch_operands = 0 : i64, tpu.core_type = #tpu.core_type<tc>} {
    %get3A = arith.constant 0 : index
    %get3A_0 = arith.constant 0 : index
    %get3A_1 = arith.constant 0 : index
    %get3A_2 = vector.load %arg0[%get3A, %get3A_0, %get3A_1] : memref<2x10000x128xf32, #tpu.memory_space<vmem>>, vector<1x10000x128xf32>
    %get3A_3 = vector.shape_cast %get3A_2 : vector<1x10000x128xf32> to vector<10000x128xf32>
    %get3A_4 = arith.constant 1 : index
    %get3A_5 = arith.constant 0 : index
    %get3A_6 = arith.constant 0 : index
    %get3A_7 = vector.load %arg0[%get3A_4, %get3A_5, %get3A_6] : memref<2x10000x128xf32, #tpu.memory_space<vmem>>, vector<1x10000x128xf32>
    %get3A_8 = vector.shape_cast %get3A_7 : vector<1x10000x128xf32> to vector<10000x128xf32>
    %add3A = arith.addf %get3A_3, %get3A_8 : vector<10000x128xf32>
    %get3A_9 = arith.constant 0 : index
    %get3A_10 = arith.constant 0 : index
    %get3A_11 = vector.load %arg1[%get3A_9, %get3A_10] : memref<2x10000xf32, #tpu.memory_space<vmem>>, vector<1x10000xf32>
    %get3A_12 = vector.shape_cast %get3A_11 : vector<1x10000xf32> to vector<10000xf32>
    %get3A_13 = arith.constant 1 : index
    %get3A_14 = arith.constant 0 : index
    %get3A_15 = vector.load %arg1[%get3A_13, %get3A_14] : memref<2x10000xf32, #tpu.memory_space<vmem>>, vector<1x10000xf32>
    %get3A_16 = vector.shape_cast %get3A_15 : vector<1x10000xf32> to vector<10000xf32>
    %add3A_17 = arith.addf %get3A_12, %get3A_16 : vector<10000xf32>
    %max3A = arith.constant 1.000000e+00 : f32
    %max3A_18 = vector.broadcast %max3A : f32 to vector<10000xf32>
    %max3A_19 = arith.maximumf %add3A_17, %max3A_18 : vector<10000xf32>
    %div3A = arith.constant 1.000000e+00 : f32
    %div3A_20 = vector.broadcast %div3A : f32 to vector<10000xf32>
    %div3A_21 = arith.divf %div3A_20, %max3A_19 : vector<10000xf32>
    %broadcast_in_dim3A = vector.shape_cast %div3A_21 : vector<10000xf32> to vector<10000x1xf32>
    %mul3A = vector.broadcast %broadcast_in_dim3A : vector<10000x1xf32> to vector<10000x128xf32>
    %mul3A_22 = arith.mulf %add3A, %mul3A : vector<10000x128xf32>
    %get3A_23 = arith.constant 0 : index
    %get3A_24 = arith.constant 0 : index
    %get3A_25 = vector.load %arg3[%get3A_23, %get3A_24] : memref<128x128xf32, #tpu.memory_space<vmem>>, vector<128x128xf32>
    %dot_general3A = arith.constant dense<0.000000e+00> : vector<10000x128xf32>
    %dot_general3A_26 = tpu.matmul %mul3A_22, %get3A_25, %dot_general3A {dimension_numbers = #tpu.dot_dimension_numbers<[1], [0], [0], [1], [0, 0, 1, 1], [], []>, transpose_lhs_hint = false} : vector<10000x128xf32>, vector<128x128xf32>, vector<10000x128xf32> -> vector<10000x128xf32>
    %get3A_27 = arith.constant 0 : index
    %get3A_28 = arith.constant 0 : index
    %get3A_29 = vector.load %arg2[%get3A_27, %get3A_28] : memref<10000x128xf32, #tpu.memory_space<vmem>>, vector<10000x128xf32>
    %add3A_30 = arith.addf %dot_general3A_26, %get3A_29 : vector<10000x128xf32>
    %max3A_31 = arith.constant 0.000000e+00 : f32
    %max3A_32 = vector.broadcast %max3A_31 : f32 to vector<10000x128xf32>
    %max3A_33 = arith.maximumf %add3A_30, %max3A_32 : vector<10000x128xf32>
    %swap3A = arith.constant 0 : index
    %swap3A_34 = arith.constant 0 : index
    %swap3A_35 = vector.load %arg4[%swap3A, %swap3A_34] : memref<10000x128xf32, #tpu.memory_space<vmem>>, vector<10000x128xf32>
    tpu.vector_store %arg4[%swap3A, %swap3A_34], %max3A_33 {strides = array<i32>} : memref<10000x128xf32, #tpu.memory_space<vmem>>, vector<10000x128xf32>,
    return
  }
}

module attributes {stable_mosaic.version = 14 : i64} {
  func.func @body(%arg0: i32, %arg1: memref<1000x128xf32, #tpu.memory_space<vmem>>, %arg2: memref<128x128xf32, #tpu.memory_space<vmem>>, %arg3: memref<1x128xf32, #tpu.memory_space<vmem>>, %arg4: memref<1000x128xf32, #tpu.memory_space<vmem>>) attributes {dimension_semantics = [#tpu.dimension_semantics<arbitrary>], iteration_bounds = array<i64: 10>, scalar_prefetch = 0 : i64, scratch_operands = 0 : i64, tpu.core_type = #tpu.core_type<tc>, window_params = [{transform_indices = @transform_0, window_bounds = array<i64: 1000, 128>}, {pipeline_mode = #tpu.pipeline_mode<synchronous>, transform_indices = @transform_1, window_bounds = array<i64: 128, 128>}, {pipeline_mode = #tpu.pipeline_mode<synchronous>, transform_indices = @transform_2, window_bounds = array<i64: 1, 128>}, {transform_indices = @transform_3, window_bounds = array<i64: 1000, 128>}]} {
    %get3A = arith.constant 0 : index
    %get3A_0 = arith.constant 0 : index
    %get3A_1 = vector.load %arg1[%get3A, %get3A_0] : memref<1000x128xf32, #tpu.memory_space<vmem>>, vector<1000x128xf32>
    %get3A_2 = arith.constant 0 : index
    %get3A_3 = arith.constant 0 : index
    %get3A_4 = vector.load %arg2[%get3A_2, %get3A_3] : memref<128x128xf32, #tpu.memory_space<vmem>>, vector<128x128xf32>
    %dot_general3A = arith.constant dense<0.000000e+00> : vector<1000x128xf32>
    %dot_general3A_5 = tpu.matmul %get3A_1, %get3A_4, %dot_general3A {dimension_numbers = #tpu.dot_dimension_numbers<[1], [0], [0], [1], [0, 0, 1, 1], [], []>, transpose_lhs_hint = false} : vector<1000x128xf32>, vector<128x128xf32>, vector<1000x128xf32> -> vector<1000x128xf32>
    %get3A_6 = arith.constant 0 : index
    %get3A_7 = arith.constant 0 : index
    %get3A_8 = vector.load %arg3[%get3A_6, %get3A_7] : memref<1x128xf32, #tpu.memory_space<vmem>>, vector<1x128xf32>
    %add3A = vector.broadcast %get3A_8 : vector<1x128xf32> to vector<1000x128xf32>
    %add3A_9 = arith.addf %dot_general3A_5, %add3A : vector<1000x128xf32>
    %swap3A = arith.constant 0 : index
    %swap3A_10 = arith.constant 0 : index
    %swap3A_11 = vector.load %arg4[%swap3A, %swap3A_10] : memref<1000x128xf32, #tpu.memory_space<vmem>>, vector<1000x128xf32>
    tpu.vector_store %arg4[%swap3A, %swap3A_10], %add3A_9 {strides = array<i32>} : memref<1000x128xf32, #tpu.memory_space<vmem>>, vector<1000x128xf32>,
    return
  }
  func.func @transform_0(%arg0: i32) -> (i32, i32) {
    %c0_i32 = arith.constant 0 : i32
    %c0_i32_0 = arith.constant 0 : i32
    return %arg0, %c0_i32 : i32, i32
  }
  func.func @transform_1(%arg0: i32) -> (i32, i32) {
    %c0_i32 = arith.constant 0 : i32
    %c0_i32_0 = arith.constant 0 : i32
    %c0_i32_1 = arith.constant 0 : i32
    return %c0_i32, %c0_i32_0 : i32, i32
  }
  func.func @transform_2(%arg0: i32) -> (i32, i32) {
    %c0_i32 = arith.constant 0 : i32
    %c0_i32_0 = arith.constant 0 : i32
    %c0_i32_1 = arith.constant 0 : i32
    return %c0_i32, %c0_i32_0 : i32, i32
  }
  func.func @transform_3(%arg0: i32) -> (i32, i32) {
    %c0_i32 = arith.constant 0 : i32
    %c0_i32_0 = arith.constant 0 : i32
    return %arg0, %c0_i32 : i32, i32
  }
}

module attributes {stable_mosaic.version = 14 : i64} {
  func.func @body(%arg0: memref<2x10000x128xf32, #tpu.memory_space<vmem>>, %arg1: memref<2x10000xf32, #tpu.memory_space<vmem>>, %arg2: memref<10000x128xf32, #tpu.memory_space<vmem>>, %arg3: memref<128x128xf32, #tpu.memory_space<vmem>>, %arg4: memref<10000x128xf32, #tpu.memory_space<vmem>>) attributes {dimension_semantics = [], scalar_prefetch = 0 : i64, scratch_operands = 0 : i64, tpu.core_type = #tpu.core_type<tc>} {
    %get3A = arith.constant 0 : index
    %get3A_0 = arith.constant 0 : index
    %get3A_1 = arith.constant 0 : index
    %get3A_2 = vector.load %arg0[%get3A, %get3A_0, %get3A_1] : memref<2x10000x128xf32, #tpu.memory_space<vmem>>, vector<1x10000x128xf32>
    %get3A_3 = vector.shape_cast %get3A_2 : vector<1x10000x128xf32> to vector<10000x128xf32>
    %get3A_4 = arith.constant 1 : index
    %get3A_5 = arith.constant 0 : index
    %get3A_6 = arith.constant 0 : index
    %get3A_7 = vector.load %arg0[%get3A_4, %get3A_5, %get3A_6] : memref<2x10000x128xf32, #tpu.memory_space<vmem>>, vector<1x10000x128xf32>
    %get3A_8 = vector.shape_cast %get3A_7 : vector<1x10000x128xf32> to vector<10000x128xf32>
    %add3A = arith.addf %get3A_3, %get3A_8 : vector<10000x128xf32>
    %get3A_9 = arith.constant 0 : index
    %get3A_10 = arith.constant 0 : index
    %get3A_11 = vector.load %arg1[%get3A_9, %get3A_10] : memref<2x10000xf32, #tpu.memory_space<vmem>>, vector<1x10000xf32>
    %get3A_12 = vector.shape_cast %get3A_11 : vector<1x10000xf32> to vector<10000xf32>
    %get3A_13 = arith.constant 1 : index
    %get3A_14 = arith.constant 0 : index
    %get3A_15 = vector.load %arg1[%get3A_13, %get3A_14] : memref<2x10000xf32, #tpu.memory_space<vmem>>, vector<1x10000xf32>
    %get3A_16 = vector.shape_cast %get3A_15 : vector<1x10000xf32> to vector<10000xf32>
    %add3A_17 = arith.addf %get3A_12, %get3A_16 : vector<10000xf32>
    %max3A = arith.constant 1.000000e+00 : f32
    %max3A_18 = vector.broadcast %max3A : f32 to vector<10000xf32>
    %max3A_19 = arith.maximumf %add3A_17, %max3A_18 : vector<10000xf32>
    %div3A = arith.constant 1.000000e+00 : f32
    %div3A_20 = vector.broadcast %div3A : f32 to vector<10000xf32>
    %div3A_21 = arith.divf %div3A_20, %max3A_19 : vector<10000xf32>
    %broadcast_in_dim3A = vector.shape_cast %div3A_21 : vector<10000xf32> to vector<10000x1xf32>
    %mul3A = vector.broadcast %broadcast_in_dim3A : vector<10000x1xf32> to vector<10000x128xf32>
    %mul3A_22 = arith.mulf %add3A, %mul3A : vector<10000x128xf32>
    %get3A_23 = arith.constant 0 : index
    %get3A_24 = arith.constant 0 : index
    %get3A_25 = vector.load %arg3[%get3A_23, %get3A_24] : memref<128x128xf32, #tpu.memory_space<vmem>>, vector<128x128xf32>
    %dot_general3A = arith.constant dense<0.000000e+00> : vector<10000x128xf32>
    %dot_general3A_26 = tpu.matmul %mul3A_22, %get3A_25, %dot_general3A {dimension_numbers = #tpu.dot_dimension_numbers<[1], [0], [0], [1], [0, 0, 1, 1], [], []>, transpose_lhs_hint = false} : vector<10000x128xf32>, vector<128x128xf32>, vector<10000x128xf32> -> vector<10000x128xf32>
    %get3A_27 = arith.constant 0 : index
    %get3A_28 = arith.constant 0 : index
    %get3A_29 = vector.load %arg2[%get3A_27, %get3A_28] : memref<10000x128xf32, #tpu.memory_space<vmem>>, vector<10000x128xf32>
    %add3A_30 = arith.addf %dot_general3A_26, %get3A_29 : vector<10000x128xf32>
    %swap3A = arith.constant 0 : index
    %swap3A_31 = arith.constant 0 : index
    %swap3A_32 = vector.load %arg4[%swap3A, %swap3A_31] : memref<10000x128xf32, #tpu.memory_space<vmem>>, vector<10000x128xf32>
    tpu.vector_store %arg4[%swap3A, %swap3A_31], %add3A_30 {strides = array<i32>} : memref<10000x128xf32, #tpu.memory_space<vmem>>, vector<10000x128xf32>,
    return
  }
}

module attributes {stable_mosaic.version = 14 : i64} {
  func.func @body(%arg0: memref<2x320000xi32, #tpu.memory_space<vmem>>, %arg1: memref<320000xi32, #tpu.memory_space<vmem>>, %arg2: memref<320000xi32, #tpu.memory_space<vmem>>, %arg3: memref<1000x128xf32, #tpu.memory_space<vmem>>) attributes {dimension_semantics = [], scalar_prefetch = 0 : i64, scratch_operands = 0 : i64, tpu.core_type = #tpu.core_type<tc>} {
    %get3A = arith.constant 0 : index
    %get3A_0 = arith.constant 0 : index
    %get3A_1 = vector.load %arg0[%get3A, %get3A_0] : memref<2x320000xi32, #tpu.memory_space<vmem>>, vector<1x320000xi32>
    %get3A_2 = vector.shape_cast %get3A_1 : vector<1x320000xi32> to vector<320000xi32>
    %swap3A = arith.constant 0 : index
    %swap3A_3 = vector.load %arg1[%swap3A] : memref<320000xi32, #tpu.memory_space<vmem>>, vector<320000xi32>
    tpu.vector_store %arg1[%swap3A], %get3A_2 {strides = array<i32>} : memref<320000xi32, #tpu.memory_space<vmem>>, vector<320000xi32>,
    %get3A_4 = arith.constant 1 : index
    %get3A_5 = arith.constant 0 : index
    %get3A_6 = vector.load %arg0[%get3A_4, %get3A_5] : memref<2x320000xi32, #tpu.memory_space<vmem>>, vector<1x320000xi32>
    %get3A_7 = vector.shape_cast %get3A_6 : vector<1x320000xi32> to vector<320000xi32>
    %swap3A_8 = arith.constant 0 : index
    %swap3A_9 = vector.load %arg2[%swap3A_8] : memref<320000xi32, #tpu.memory_space<vmem>>, vector<320000xi32>
    tpu.vector_store %arg2[%swap3A_8], %get3A_7 {strides = array<i32>} : memref<320000xi32, #tpu.memory_space<vmem>>, vector<320000xi32>,
    %broadcast_in_dim3A = arith.constant 0.000000e+00 : f32
    %broadcast_in_dim3A_10 = vector.broadcast %broadcast_in_dim3A : f32 to vector<1000x128xf32>
    %swap3A_11 = arith.constant 0 : index
    %swap3A_12 = arith.constant 0 : index
    %swap3A_13 = vector.load %arg3[%swap3A_11, %swap3A_12] : memref<1000x128xf32, #tpu.memory_space<vmem>>, vector<1000x128xf32>
    tpu.vector_store %arg3[%swap3A_11, %swap3A_12], %broadcast_in_dim3A_10 {strides = array<i32>} : memref<1000x128xf32, #tpu.memory_space<vmem>>, vector<1000x128xf32>,
    return
  }
}

</mosaic_0001>

<sc_bundles>
// kernel: kernel.12.cloned.1.call-start
scs
__scs_entry_jumppad:
0x0: {  	(pc) =	sbr.rel $0x88, $3  }
0x1: {  	(tag) =	ssettag $0x0;
	lr =	simm.s32 $0x1  }
0x2: {  	[smem:$0x3F99] =	sst lr;
	_ =	strace $0xD0000000  }
0x3: {  	_ = 	snop  }
0x4: {  	_ = 	snop  }
0x5: {  	_ = 	snop  }
0x6: {  	_ = 	snop  }
0x7: {  	_ = 	snop  }
__scs_overlays_trampoline_lowered:
0x8: {  	[smem:$0x3FA8] =	sst s0  }
0x9: {  	[smem:$0x3FA9] =	sst s1  }
0xa: {  	[smem:$0x3FAA] =	sst s2  }
0xb: {  	[smem:$0x3FAB] =	sst s3  }
0xc: {  	[smem:$0x3FAC] =	sst s4  }
0xd: {  	[smem:$0x3FAD] =	sst s5  }
0xe: {  	[smem:$0x3FAE] =	sst s6  }
0xf: {  	[smem:$0x3FAF] =	sst s7  }
0x10: {  	[smem:$0x3FB0] =	sst s8  }
0x11: {  	[smem:$0x3FB1] =	sst s9;
	s0 =	simm.s32 @!p0 $0x0  }
0x12: {  	s1 =	sld [smem:$0x3F97];
	s0 =	simm.s32 @p0 $0x1  }
0x13: {  	[smem:$0x3FB2] =	sst s0;
	s0 =	simm.s32 @!p1 $0x0  }
0x14: {  	s2 =	sld [smem:$0x3F96];
	s0 =	simm.s32 @p1 $0x1  }
0x15: {  	[smem:$0x3FB3] =	sst s0;
	s0 =	simm.s32 @!p2 $0x0  }
0x16: {  	s3 =	sld [smem:$0x3FDB];
	s0 =	simm.s32 @p2 $0x1  }
0x17: {  	s4 =	simm.s32 $0x1BF5;
	[smem:$0x3FB5] =	sst s0  }
0x18: {  	s0 =	sld [smem:$0x3F98];
	_ =	swait.ge [sflag:s4], $0x0  }
0x19: {  	s7 =	sld [smem:$0x3F99]  }
0x1a: {  	s8 =	sadd.s32 $0xFFFFE003, lr  }
0x1b: {  	s9 =	sadd.s32 $0xFFFFFEF7, lr;
	s5 =	simm.s32 $0xFFFFFFFF;
	p2 =	slt.u32 s8, $0xFFFFF086  }
0x1c: {  	p1 =	slt.u32 s9, $0xF7A;
	s5 =	simm.s32 @!p2 $0x0  }
0x1d: {  	s5 =	simm.s32 @p1 $0x1;
	p0 =	seq.s32 s7, s2  }
0x1e: {  	s7 =	smul.u32 @!p0 $0xF7A, s2;
	p2 =	seq.s32 @!p0 s5, $0x0  }
0x1f: {  	s9 =	smul.u32 $0xF7A, s1;
	s8 =	simm.s32 @!p0 $0x1BF5;
	p2 =	por !p2, p0  }
0x20: {  	[sflag:s8] =	ssyncset.s32 @!p0 $0xFFFFF086;
	s6 =	sadd.s32 @!p0 s3, s7;
	s7 =	simm.s32 @!p0 $0x108  }
0x21: {  	s3 =	sadd.s32 s3, s9;
	s6 =	sadd.s32 @!p0 $0x88, s6;
	s7 =	simm.s32 @p2 $0x1082  }
0x22: {  	[simem:s7], [sflag:s8] =	dma.local @!p0 [hbm:s6], $0xF7A  }
0x23: {  	s9 =	sor.u32 $0xD0000000, s2;
	s6 =	simm.s32 $0x108;
	_ =	swait.ge @!p0 [sflag:s8], $0x0  }
0x24: {  	s3 =	sadd.s32 $0x88, s3;
	s6 =	simm.s32 @!p1 $0x1082;
	[sflag:s4] =	ssyncset.s32 $0xFFFFF086  }
0x25: {  	[simem:s6], [sflag:s4] =	dma.local [hbm:s3], $0xF7A  }
0x26: {  	[smem:$0x3F99] =	sst s1;
	(tag) =	ssettag s2;
	_ =	strace s9  }
0x27: {  	s1 =	sld [smem:$0x3FA9]  }
0x28: {  	s2 =	sld [smem:$0x3FAA]  }
0x29: {  	s4 =	sld [smem:$0x3FAC]  }
0x2a: {  	p0 =	seq.s32 s5, $0x0;
	s5 =	sld [smem:$0x3FAD]  }
0x2b: {  	s6 =	sld [smem:$0x3FAE]  }
0x2c: {  	s7 =	sld [smem:$0x3FAF]  }
0x2d: {  	s3 =	simm.s32 $0x108;
	s8 =	sld [smem:$0x3FB0]  }
0x2e: {  	s3 =	simm.s32 @!p0 $0x1082;
	s9 =	sld [smem:$0x3FB1]  }
0x2f: {  	lr =	sadd.s32 s0, s3;
	s0 =	sld [smem:$0x3FA8]  }
0x30: {  	s3 =	sld [smem:$0x3FAB]  }
0x31: {  	[smem:$0x3FB4] =	sst s10  }
0x32: {  	s10 =	sld [smem:$0x3FB2];
	_ =	sdelay $0x3  }
0x33: {  	p0 =	seq.s32 s10, $0x1;
	s10 =	sld [smem:$0x3FB4];
	_ =	sdelay $0x3  }
0x34: {  	[smem:$0x3FB4] =	sst s10  }
0x35: {  	s10 =	sld [smem:$0x3FB3];
	_ =	sdelay $0x3  }
0x36: {  	p1 =	seq.s32 s10, $0x1;
	s10 =	sld [smem:$0x3FB4];
	_ =	sdelay $0x3  }
0x37: {  	[smem:$0x3FB4] =	sst s10  }
0x38: {  	s10 =	sld [smem:$0x3FB5]  }
0x39: {  	_ = 	snop;
	(pc) =	sbr.ind lr, $3  }
0x3a: {  	_ = 	snop  }
0x3b: {  	_ = 	snop  }
0x3c: {  	p2 =	seq.s32 s10, $0x1;
	s10 =	sld [smem:$0x3FB4]  }
0x3d: {  	_ =	shalt  }
0x3e: {  	_ =	shalt  }
0x3f: {  	_ =	shalt  }
0x40: {  	_ =	shalt  }
0x41: {  	_ =	shalt  }
0x42: {  	_ =	shalt  }
0x43: {  	_ =	shalt  }
0x44: {  	_ =	shalt  }
0x45: {  	_ =	shalt  }
0x46: {  	_ =	shalt  }
0x47: {  	_ =	shalt  }
0x48: {  	_ =	shalt  }
0x49: {  	_ =	shalt  }
0x4a: {  	_ =	shalt  }
0x4b: {  	_ =	shalt  }
0x4c: {  	_ =	shalt  }
0x4d: {  	_ =	shalt  }
0x4e: {  	_ =	shalt  }
0x4f: {  	_ =	shalt  }
0x50: {  	_ =	shalt  }
0x51: {  	_ =	shalt  }
0x52: {  	_ =	shalt  }
0x53: {  	_ =	shalt  }
0x54: {  	_ =	shalt  }
0x55: {  	_ =	shalt  }
0x56: {  	_ =	shalt  }
0x57: {  	_ =	shalt  }
0x58: {  	_ =	shalt  }
0x59: {  	_ =	shalt  }
0x5a: {  	_ =	shalt  }
0x5b: {  	_ =	shalt  }
0x5c: {  	_ =	shalt  }
0x5d: {  	_ =	shalt  }
0x5e: {  	_ =	shalt  }
0x5f: {  	_ =	shalt  }
0x60: {  	_ =	shalt  }
0x61: {  	_ =	shalt  }
0x62: {  	_ =	shalt  }
0x63: {  	_ =	shalt  }
0x64: {  	_ =	shalt  }
0x65: {  	_ =	shalt  }
0x66: {  	_ =	shalt  }
0x67: {  	_ =	shalt  }
0x68: {  	_ =	shalt  }
0x69: {  	_ =	shalt  }
0x6a: {  	_ =	shalt  }
0x6b: {  	_ =	shalt  }
0x6c: {  	_ =	shalt  }
0x6d: {  	_ =	shalt  }
0x6e: {  	_ =	shalt  }
0x6f: {  	_ =	shalt  }
0x70: {  	_ =	shalt  }
0x71: {  	_ =	shalt  }
0x72: {  	_ =	shalt  }
0x73: {  	_ =	shalt  }
0x74: {  	_ =	shalt  }
0x75: {  	_ =	shalt  }
0x76: {  	_ =	shalt  }
0x77: {  	_ =	shalt  }
0x78: {  	_ =	shalt  }
0x79: {  	_ =	shalt  }
0x7a: {  	_ =	shalt  }
0x7b: {  	_ =	shalt  }
0x7c: {  	_ =	shalt  }
0x7d: {  	_ =	shalt  }
0x7e: {  	_ =	shalt  }
0x7f: {  	_ =	shalt  }
0x80: {  	_ =	shalt  }
0x81: {  	_ =	shalt  }
0x82: {  	_ =	shalt  }
0x83: {  	_ =	shalt  }
0x84: {  	_ =	shalt  }
0x85: {  	_ =	shalt  }
0x86: {  	_ =	shalt  }
0x87: {  	_ =	shalt  }
.Lfunc_end0:
.L_simem_size_0:
called_computation.1_lowered:
.L_overlay_start_0:
0x88: {  	s2 =	sld [smem:$0x3FD9]  }
0x89: {  	s3 =	sld [smem:$0x3FFE];
	_ =	sdelay $0x1  }
0x8a: {  	s1 =	srdreg.scid  }
0x8b: {  	s0 =	sand.u32 $0x1, s1  }
0x8c: {  	s17 =	sshll.u32 s0, $0xA;
	s2 =	sadd.s32 s3, s2  }
0x8d: {  	s2 =	sadd.s32 s2, s17  }
0x8e: {  	[smem:$0x3FC0] =	sst s2  }
0x8f: {  	_ = 	snop  }
0x90: {  	s2 =	sld [smem:$0x3FD0];
	(tm) =	ssettm $0x1  }
0x91: {  	s18 =	sld [smem:$0x3FFB];
	_ =	sdelay $0x3  }
0x92: {  	_ =	strace s18  }
0x93: {  	s3 =	sld [smem:$0x3FFC];
	_ =	sdelay $0x3  }
0x94: {  	_ =	strace s3  }
0x95: {  	s3 =	sld [smem:$0x3FFD];
	_ =	sdelay $0x3  }
0x96: {  	_ =	strace s3  }
0x97: {  	_ =	strace $0x8FFFFFFF  }
0x98: {  	s19 =	sld [smem:$0x3FDB];
	_ =	sdelay $0x1  }
0x99: {  	s4 =	simm.s32 $_scs_section_size  }
0x9a: {  	s5 =	simm.s32 $_size__tile_overlayer_lowered;
	s6 =	simm.s32 $_tile_overlayer_lowered  }
0x9b: {  	s22 =	simm.s32 $0x1BFF;
	s21 =	sshll.u32 s6, $0x1;
	s3 =	sadd.s32 s4, s19  }
0x9c: {  	s7 =	simm.s32 $0x0;
	s20 =	sshll.u32 s5, $0x1;
	s5 =	sadd.s32 s21, s3  }
0x9d: {  	[timem:s7], [sflag:s22] =	dma.local [hbm:s5], s20  }
0x9e: {  	_ =	swait.ge [sflag:s22], s20  }
0x9f: {  	s4 =	ssub.s32 $0x0, s20;
	[sflag:s22] =	ssyncset.done $0x0  }
0xa0: {  	[sflag:s22] =	ssyncadd.s32 s4;
	_ =	sdelay $0x1  }
0xa1: {  	s23 =	simm.s32 $0x1B8B  }
0xa2: {  	_ =	swait.ge [sflag:s23], $0x1  }
0xa3: {  	[sflag:s23] =	ssyncset.done $0x0  }
0xa4: {  	s25 =	simm.s32 $0x1B8E;
	s24 =	sld [smem:$0x3FFE];
	[sflag:s23] =	ssyncadd.s32 $0xFFFFFFFF  }
0xa5: {  	s26 =	simm.s32 $execute0_lowered;
	[smem:$0x3FD2] =	sst s25  }
0xa6: {  	s5 =	sshll.u32 s26, $0x1;
	_ =	strace $0x80000049;
	[dreg:$0x1] =	wrdreg $0xFFFFFFFF  }
0xa7: {  	s28 =	simm.s32 $_size_execute0_lowered;
	s3 =	sadd.s32 s3, s5;
	[dreg:$0x0] =	wrdreg $0x0  }
0xa8: {  	s5 =	sshll.u32 s28, $0x1;
	[dreg:$0x2] =	wrdreg s3  }
0xa9: {  	[dreg:$0x3] =	wrdreg s5  }
0xaa: {  	[dreg:$0x4] =	wrdreg $0xC0  }
0xab: {  	_ =	task [dreg:s7], $0x5FFFF  }
0xac: {  	[dreg:$0x1] =	wrdreg $0xFFFFFFFF  }
0xad: {  	[dreg:$0x0] =	wrdreg $0x60  }
0xae: {  	[dreg:$0x2] =	wrdreg s2  }
0xaf: {  	[dreg:$0x3] =	wrdreg s24  }
0xb0: {  	[dreg:$0x4] =	wrdreg $0x0  }
0xb1: {  	[dreg:$0x5] =	wrdreg $0x9  }
0xb2: {  	_ =	task.clear_ibuf [dreg:s7], $0x6FFFF;
	_ =	strace $0x90000049  }
0xb3: {  	s29 =	simm.s32 $0x9;
	_ =	strace $0x8000004B  }
0xb4: {  	_ =	swait.ge [sflag:s29], $0x1  }
0xb5: {  	[sflag:s29] =	ssyncadd.s32 $0xFFFFFFFF  }
0xb6: {  	_ =	strace $0x9000004B  }
0xb7: {  	_ =	sfence  }
0xb8: {  	s30 =	sld [smem:$0x0];
	_ =	sdelay $0x2  }
0xb9: {  	s31 =	sshll.u32 s1, $0xD;
	s1 =	sshrl.u32 s1, $0x2  }
0xba: {  	s3 =	sand.u32 $0x4000, s31;
	s1 =	sadd.s32 s1, s30  }
0xbb: {  	s0 =	sor.u32 s3, s0;
	s1 =	sshll.u32 s1, $0x11  }
0xbc: {  	s0 =	sor.u32 s1, s0  }
0xbd: {  	s0 =	sadd.s32 $0x8F2B, s0  }
0xbe: {  	[sflag:s0] =	ssyncadd.remote.s32 $0x1  }
0xbf: {  	_ =	sfence.sel $0xFFFF  }
0xc0: {  	[dreg:$0x0] =	wrdreg $0xFFFFFFFF;
	(pc) =	sbr.abs _section_cstart, $3  }
0xc1: {  	[dreg:$0x1] =	wrdreg $0xFFFFFFFF  }
0xc2: {  	_ =	task.clear_ibuf [dreg:s7], $0x2FFFF;
	_ =	strace $0x9FFFFFFF  }
0xc3: {  	(tm) =	ssettm $0x7FFFFFFF  }
tec
execute0_lowered:
.L_overlay_start_1:
0x0: {  	(tag) =	ssettag $0x1  }
0x1: {  	s1 =	rddreg [dreg:$0x0]  }
0x2: {  	s0 =	rddreg [dreg:$0x1]  }
0x3: {  	s2 =	rddreg [dreg:$0x2];
	s3 =	simm.s32 $0x0;
	s4 =	srdreg.scid  }
0x4: {  	s5 =	stileid.u32;
	s28 =	simm.s32 $0x50;
	s29 =	simm.s32 $0x13880  }
0x5: {  	s30 =	simm.s32 $0x8;
	[smem:$0x7FF] =	sst s3;
	s4 =	sand.u32 $0x1, s4  }
0x6: {  	s6 =	sadd.s32 $0x3600, s0;
	s13 =	sadd.s32 $0xD400, s0;
	s10 =	smul.u32 $0x4E000, s5  }
0x7: {  	s8 =	sadd.s32 $0x17200, s0;
	s0 =	sadd.s32 $0x1B800, s0;
	s12 =	smul.u32 $0x13800, s5  }
0x8: {  	s24 =	smul.u32 $0x2710, s5;
	p0 =	seq.s32 s5, $0xF;
	_ =	strace $0x8000004A  }
0x9: {  	s7 =	sshll.u32 s4, $0x4;
	[dreg:$0xc] =	wrdreg s8;
	s21 =	smul.u32 $0x138800, s4  }
0xa: {  	s20 =	ssub.s32 $0x2, s4;
	s4 =	smul.u32 $0x27100, s4;
	[dreg:$0xb] =	wrdreg s13  }
0xb: {  	[dreg:$0xa] =	wrdreg s6;
	s7 =	sor.u32 s5, s7;
	s9 =	sshrl.u32 s20, $0x1  }
0xc: {  	s26 =	sshrl.u32 s10, $0x2;
	s10 =	simm.s32 $0x1;
	s7 =	smul.u32 $0x2710, s7  }
0xd: {  	s8 =	ssub.s32 s20, s9;
	s31 =	sadd.s32 s12, s21;
	s4 =	sadd.s32 s24, s4  }
0xe: {  	s12 =	sadd.s32 $0x124800, s2;
	s15 =	sshrl.u32 s21, $0x3;
	s9 =	simm.s32 $0x18880  }
0xf: {  	[dreg:$0x14] =	wrdreg s12;
	s18 =	sadd.s32 $0x1E0, s4;
	s7 =	sshrl.u32 s7, $0x3  }
0x10: {  	s12 =	simm.s32 $0xD;
	s20 =	sshrl.u32 s18, $0x3;
	s11 =	sadd.s32 s6, s7  }
0x11: {  	s18 =	simm.s32 $0x7;
	s14 =	sadd.s32 s13, s7;
	[dreg:$0xd] =	wrdreg s11  }
0x12: {  	s22 =	sadd.s32 $0xA, s7;
	s21 =	sadd.s32 s20, s13;
	[dreg:$0xe] =	wrdreg s14  }
0x13: {  	s7 =	sadd.s32 $0x14, s7;
	s23 =	sadd.s32 s6, s22;
	[dreg:$0x6] =	wrdreg s21  }
0x14: {  	s11 =	sadd.s32 s13, s22;
	s25 =	sadd.s32 s6, s7;
	[dreg:$0xf] =	wrdreg s23  }
0x15: {  	s7 =	sadd.s32 s13, s7;
	s14 =	sadd.s32 $0x190, s4;
	[dreg:$0x10] =	wrdreg s11  }
0x16: {  	s22 =	sadd.s32 $0xF0, s4;
	s4 =	sadd.s32 $0x140, s4;
	[dreg:$0x11] =	wrdreg s25  }
0x17: {  	[dreg:$0x12] =	wrdreg s7;
	s7 =	sadd.s32 s26, s2;
	s16 =	sshrl.u32 s14, $0x3  }
0x18: {  	s23 =	sadd.s32 s20, s6;
	s24 =	sshrl.u32 s22, $0x3;
	s26 =	smax.u32 s8, $0x1  }
0x19: {  	[dreg:$0x18] =	wrdreg s4;
	s4 =	simm.s32 $0x1DA00;
	s8 =	simm.s32 $0xB  }
0x1a: {  	s11 =	simm.s32 $0x5;
	s14 =	simm.s32 $0x1B080;
	[dreg:$0x13] =	wrdreg s7  }
0x1b: {  	s22 =	simm.s32 $0x4;
	s7 =	sshrl.u32 s31, $0x3;
	[dreg:$0x7] =	wrdreg s23  }
0x1c: {  	s17 =	sadd.s32 s16, s13;
	s19 =	sadd.s32 s16, s6;
	[dreg:$0x17] =	wrdreg s26  }
0x1d: {  	s25 =	sadd.s32 s24, s13;
	s31 =	sadd.s32 s24, s6;
	[dreg:$0x4] =	wrdreg s17  }
0x1e: {  	s26 =	simm.s32 $0x9;
	s13 =	simm.s32 $0xC;
	[dreg:$0x5] =	wrdreg s19  }
0x1f: {  	s16 =	simm.s32 $0x6;
	s7 =	sadd.s32 s0, s7;
	[dreg:$0x8] =	wrdreg s25  }
0x20: {  	s0 =	sadd.s32 s0, s15;
	[dreg:$0x9] =	wrdreg s31;
	s15 =	simm.s32 $0x2  }
0x21: {  	s17 =	simm.s32 $0x3;
	[dreg:$0x15] =	wrdreg s7;
	s0 =	sadd.s32 $0x24900, s0  }
0x22: {  	s7 =	simm.s32 $0x0;
	[dreg:$0x16] =	wrdreg s0;
	s0 =	simm.s32 $0x1DC00  }
.LBB2_1:
0x23: {  	[dreg:$0x19] =	wrdreg s7  }
0x24: {  	s5 =	rddreg [dreg:$0xd];
	s20 =	simm.s32 $0x1DA80  }
0x25: {  	[tilespmem:s20], [sflag:$0x9] =	stream.linear.gather [hbm4b:s5+s3], $0x50, $0x38;
	[tilespmem:$0x1DC80] =	vst v63  }
0x26: {  	s24 =	rddreg [dreg:$0xe];
	s21 =	simm.s32 $0x1D880  }
0x27: {  	[tilespmem:s21], [sflag:$0x5] =	stream.linear.gather [hbm4b:s24+s3], $0x50, $0x38;
	[tilespmem:$0x1DC80] =	vst v63  }
0x28: {  	s25 =	rddreg [dreg:$0xf];
	s6 =	simm.s32 $0x1DB00  }
0x29: {  	[tilespmem:s6], [sflag:$0xA] =	stream.linear.gather [hbm4b:s25+s3], $0x50, $0x38;
	[tilespmem:$0x1DC80] =	vst v63  }
0x2a: {  	s31 =	rddreg [dreg:$0x10];
	s23 =	simm.s32 $0x1D900  }
0x2b: {  	[tilespmem:s23], [sflag:$0x6] =	stream.linear.gather [hbm4b:s31+s3], $0x50, $0x38;
	[tilespmem:$0x1DC80] =	vst v63  }
0x2c: {  	s7 =	rddreg [dreg:$0x11];
	s24 =	simm.s32 $0x1DB80  }
0x2d: {  	[tilespmem:s24], [sflag:$0xB] =	stream.linear.gather [hbm4b:s7+s3], $0x50, $0x38;
	[tilespmem:$0x1DC80] =	vst v63  }
0x2e: {  	s19 =	rddreg [dreg:$0x12];
	s25 =	simm.s32 $0x1D980  }
0x2f: {  	[tilespmem:s25], [sflag:$0x7] =	stream.linear.gather [hbm4b:s19+s3], $0x50, $0x38;
	[tilespmem:$0x1DC80] =	vst v63  }
0x30: {  	_ =	swait.ge [sflag:s26], $0x50  }
0x31: {  	[sflag:s26] =	ssyncset.done $0x0  }
0x32: {  	s31 =	simm.s32 $0xA;
	[sflag:s26] =	ssyncadd.s32 $0xFFFFFFB0  }
0x33: {  	[tilespmem:s29], [sflag:$0x1] =	stream.indirect.gather [hbm4b:s1+s28], $0x80, s20, s28, $0xb8;
	[tilespmem:$0x1DC80] =	vst v63  }
0x34: {  	_ =	swait.ge [sflag:s31], $0x50  }
0x35: {  	[sflag:s31] =	ssyncset.done $0x0  }
0x36: {  	s5 =	rddreg [dreg:$0x14];
	[sflag:s31] =	ssyncadd.s32 $0xFFFFFFB0;
	s31 =	simm.s32 $0x16080  }
0x37: {  	[tilespmem:s31], [sflag:$0x2] =	stream.indirect.gather [hbm4b:s1+s28], $0x80, s6, s28, $0xb8;
	[tilespmem:$0x1DC80] =	vst v63  }
0x38: {  	s5 =	sshrl.u32 @p0 s5, $0x3;
	s6 =	rddreg [dreg:$0xc]  }
0x39: {  	s7 =	simm.s32 @p0 $0x1FCD;
	[dreg:$0x1a] =	wrdreg s5  }
0x3a: {  	[spmem:s5], [sflag:s7] =	dma.local @p0 [hbm:s6], $0x2800  }
0x3b: {  	s7 =	simm.s32 @p0 $0xD  }
0x3c: {  	s5 =	stileid.u32;
	_ =	swait.ge @p0 [sflag:s7], $0x2800  }
0x3d: {  	s19 =	sshll.u32 @!p0 s5, $0x6;
	[sflag:s7] =	ssyncset.done @p0 $0x0  }
0x3e: {  	s5 =	rddreg [dreg:$0x13];
	[sflag:s7] =	ssyncadd.s32 @p0 $0xFFFFD800;
	s7 =	sor.u32 @!p0 $0x1C0D, s19  }
0x3f: {  	s5 =	sshrl.u32 @!p0 s5, $0x3;
	[dreg:$0x1b] =	wrdreg s7  }
0x40: {  	[dreg:$0x1c] =	wrdreg s5  }
0x41: {  	[spmem:s5], [sflag:s7] =	dma.local @!p0 [hbm:s6], $0x2700  }
0x42: {  	s7 =	simm.s32 @!p0 $0xD  }
0x43: {  	_ =	swait.ge @!p0 [sflag:s7], $0x2700  }
0x44: {  	[sflag:s7] =	ssyncset.done @!p0 $0x0  }
0x45: {  	[sflag:s7] =	ssyncadd.s32 @!p0 $0xFFFFD900  }
0x46: {  	[bflag:$0x0] =	sbarrier.arrive $0xFFFF  }
0x47: {  	s5 =	rddreg [dreg:$0x9]  }
0x48: {  	s6 =	rddreg [dreg:$0x8];
	s7 =	sadd.s32 $0x0, s5  }
0x49: {  	[tilespmem:s0], [sflag:$0xC] =	stream.linear.gather [hbm4b:s7+s3], $0x50, $0x38;
	[tilespmem:$0x1DC80] =	vst v63  }
0x4a: {  	s19 =	sadd.s32 $0x0, s6  }
0x4b: {  	[tilespmem:s4], [sflag:$0x8] =	stream.linear.gather [hbm4b:s19+s3], $0x50, $0x38;
	[tilespmem:$0x1DC80] =	vst v63  }
0x4c: {  	_ =	swait.ge [sflag:s8], $0x50  }
0x4d: {  	[sflag:s8] =	ssyncset.done $0x0  }
0x4e: {  	[sflag:s8] =	ssyncadd.s32 $0xFFFFFFB0  }
0x4f: {  	[tilespmem:s9], [sflag:$0x3] =	stream.indirect.gather [hbm4b:s1+s28], $0x80, s24, s28, $0xb8;
	[tilespmem:$0x1DC80] =	vst v63  }
0x50: {  	_ =	swait.ge [sflag:s10], $0x2800  }
0x51: {  	[sflag:s10] =	ssyncset.done $0x0  }
0x52: {  	[sflag:s10] =	ssyncadd.s32 $0xFFFFD800  }
0x53: {  	_ =	swait.ge [sflag:s11], $0x50  }
0x54: {  	[sflag:s11] =	ssyncset.done $0x0  }
0x55: {  	[sflag:s11] =	ssyncadd.s32 $0xFFFFFFB0  }
0x56: {  	[spmem:s2] =	stream.indirect.scatter.add.f32 [tilespmem:s29], [sflag:$0xD], $0x80, s21, s28, $0xb8;
	[tilespmem:$0x1DC80] =	vst v63  }
0x57: {  	_ =	swait.ge [sflag:s12], $0x2800  }
0x58: {  	s6 =	rddreg [dreg:$0x18]  }
0x59: {  	[sflag:s12] =	ssyncset.done $0x0;
	s24 =	rddreg [dreg:$0xa];
	s7 =	sshrl.u32 s6, $0x3  }
0x5a: {  	[sflag:s12] =	ssyncadd.s32 $0xFFFFD800;
	s5 =	sadd.s32 s24, s7;
	s24 =	rddreg [dreg:$0xb]  }
0x5b: {  	[tilespmem:s20], [sflag:$0x9] =	stream.linear.gather [hbm4b:s5+s3], $0x50, $0x38;
	[tilespmem:$0x1DC80] =	vst v63  }
0x5c: {  	s7 =	sadd.s32 s24, s7  }
0x5d: {  	[tilespmem:s21], [sflag:$0x5] =	stream.linear.gather [hbm4b:s7+s3], $0x50, $0x38;
	[tilespmem:$0x1DC80] =	vst v63  }
0x5e: {  	_ =	swait.ge [sflag:s13], $0x50  }
0x5f: {  	[sflag:s13] =	ssyncset.done $0x0  }
0x60: {  	[sflag:s13] =	ssyncadd.s32 $0xFFFFFFB0  }
0x61: {  	[tilespmem:s14], [sflag:$0x4] =	stream.indirect.gather [hbm4b:s1+s28], $0x80, s0, s28, $0xb8;
	[tilespmem:$0x1DC80] =	vst v63  }
0x62: {  	_ =	swait.ge [sflag:s15], $0x2800  }
0x63: {  	[sflag:s15] =	ssyncset.done $0x0  }
0x64: {  	[sflag:s15] =	ssyncadd.s32 $0xFFFFD800  }
0x65: {  	_ =	swait.ge [sflag:s16], $0x50  }
0x66: {  	[sflag:s16] =	ssyncset.done $0x0  }
0x67: {  	p1 =	por $0x0, $0x0;
	[sflag:s16] =	ssyncadd.s32 $0xFFFFFFB0  }
0x68: {  	[spmem:s2] =	stream.indirect.scatter.add.f32 [tilespmem:s31], [sflag:$0xD], $0x80, s23, s28, $0xb8;
	[tilespmem:$0x1DC80] =	vst v63  }
0x69: {  	s5 =	simm.s32 @!p1 $0x1DB00;
	_ =	swait.ge [sflag:s12], $0x2800  }
0x6a: {  	s23 =	simm.s32 @!p1 $0x0;
	s7 =	rddreg [dreg:$0x5];
	[sflag:s12] =	ssyncset.done $0x0  }
0x6b: {  	s19 =	rddreg [dreg:$0x4];
	[sflag:s12] =	ssyncadd.s32 $0xFFFFD800;
	s7 =	sadd.s32 @!p1 $0x0, s7  }
0x6c: {  	[tilespmem:s5], [sflag:$0xA] =	stream.linear.gather @!p1 [hbm4b:s7+s23], $0x50, $0x38;
	[tilespmem:$0x1DC80] =	vst v63  }
0x6d: {  	s19 =	sadd.s32 @!p1 $0x0, s19;
	s7 =	simm.s32 @!p1 $0x1D900  }
0x6e: {  	[tilespmem:s7], [sflag:$0x6] =	stream.linear.gather @!p1 [hbm4b:s19+s23], $0x50, $0x38;
	[tilespmem:$0x1DC80] =	vst v63  }
0x6f: {  	_ =	swait.ge [sflag:s26], $0x50  }
0x70: {  	[sflag:s26] =	ssyncset.done $0x0  }
0x71: {  	[sflag:s26] =	ssyncadd.s32 $0xFFFFFFB0  }
0x72: {  	[tilespmem:s29], [sflag:$0x1] =	stream.indirect.gather [hbm4b:s1+s28], $0x80, s20, s28, $0xb8;
	[tilespmem:$0x1DC80] =	vst v63  }
0x73: {  	_ =	swait.ge [sflag:s17], $0x2800  }
0x74: {  	[sflag:s17] =	ssyncset.done $0x0  }
0x75: {  	[sflag:s17] =	ssyncadd.s32 $0xFFFFD800  }
0x76: {  	_ =	swait.ge [sflag:s18], $0x50  }
0x77: {  	[sflag:s18] =	ssyncset.done $0x0  }
0x78: {  	[sflag:s18] =	ssyncadd.s32 $0xFFFFFFB0  }
0x79: {  	[spmem:s2] =	stream.indirect.scatter.add.f32 [tilespmem:s9], [sflag:$0xD], $0x80, s25, s28, $0xb8;
	[tilespmem:$0x1DC80] =	vst v63  }
0x7a: {  	_ =	swait.ge [sflag:s12], $0x2800  }
0x7b: {  	s24 =	simm.s32 @!p1 $0x1DB80;
	s7 =	rddreg [dreg:$0x7];
	[sflag:s12] =	ssyncset.done $0x0  }
0x7c: {  	s19 =	rddreg [dreg:$0x6];
	[sflag:s12] =	ssyncadd.s32 $0xFFFFD800;
	s7 =	sadd.s32 @!p1 $0x0, s7  }
0x7d: {  	[tilespmem:s24], [sflag:$0xB] =	stream.linear.gather @!p1 [hbm4b:s7+s23], $0x50, $0x38;
	[tilespmem:$0x1DC80] =	vst v63  }
0x7e: {  	s19 =	sadd.s32 @!p1 $0x0, s19;
	s7 =	simm.s32 @!p1 $0x1D980  }
0x7f: {  	[tilespmem:s7], [sflag:$0x7] =	stream.linear.gather @!p1 [hbm4b:s19+s23], $0x50, $0x38;
	[tilespmem:$0x1DC80] =	vst v63  }
0x80: {  	s7 =	simm.s32 @!p1 $0xA  }
0x81: {  	_ =	swait.ge @!p1 [sflag:s7], $0x50  }
0x82: {  	[sflag:s7] =	ssyncset.done @!p1 $0x0  }
0x83: {  	s19 =	simm.s32 @!p1 $0x50;
	[sflag:s7] =	ssyncadd.s32 @!p1 $0xFFFFFFB0;
	s7 =	simm.s32 @!p1 $0x16080  }
0x84: {  	[tilespmem:s7], [sflag:$0x2] =	stream.indirect.gather @!p1 [hbm4b:s1+s19], $0x80, s5, s19, $0xb8;
	[tilespmem:$0x1DC80] =	vst v63  }
0x85: {  	_ =	swait.ge [sflag:s22], $0x2800  }
0x86: {  	[sflag:s22] =	ssyncset.done $0x0  }
0x87: {  	[sflag:s22] =	ssyncadd.s32 $0xFFFFD800  }
0x88: {  	_ =	swait.ge [sflag:s30], $0x50  }
0x89: {  	[sflag:s30] =	ssyncset.done $0x0  }
0x8a: {  	s23 =	simm.s32 $0x50;
	[sflag:s30] =	ssyncadd.s32 $0xFFFFFFB0  }
0x8b: {  	[spmem:s2] =	stream.indirect.scatter.add.f32 [tilespmem:s14], [sflag:$0xD], $0x80, s4, s28, $0xb8;
	[tilespmem:$0x1DC80] =	vst v63  }
0x8c: {  	s19 =	simm.s32 $0x28;
	s7 =	sadd.s32 $0x140, s6;
	_ =	swait.ge [sflag:s12], $0x2800  }
.LBB2_2:
0x8d: {  	s25 =	rddreg [dreg:$0x9];
	[sflag:s12] =	ssyncset.done $0x0  }
0x8e: {  	s31 =	rddreg [dreg:$0x8];
	[sflag:s12] =	ssyncadd.s32 $0xFFFFD800;
	s25 =	sadd.s32 s19, s25  }
0x8f: {  	[tilespmem:s0], [sflag:$0xC] =	stream.linear.gather [hbm4b:s25+s3], $0x50, $0x38;
	[tilespmem:$0x1DC80] =	vst v63  }
0x90: {  	s21 =	sadd.s32 s19, s31  }
0x91: {  	[tilespmem:s4], [sflag:$0x8] =	stream.linear.gather [hbm4b:s21+s3], $0x50, $0x38;
	[tilespmem:$0x1DC80] =	vst v63  }
0x92: {  	_ =	swait.ge [sflag:s8], $0x50  }
0x93: {  	[sflag:s8] =	ssyncset.done $0x0  }
0x94: {  	s5 =	simm.s32 $0x1DB80;
	[sflag:s8] =	ssyncadd.s32 $0xFFFFFFB0  }
0x95: {  	[tilespmem:s9], [sflag:$0x3] =	stream.indirect.gather [hbm4b:s1+s28], $0x80, s5, s28, $0xb8;
	[tilespmem:$0x1DC80] =	vst v63  }
0x96: {  	_ =	swait.ge [sflag:s10], $0x2800  }
0x97: {  	[sflag:s10] =	ssyncset.done $0x0  }
0x98: {  	[sflag:s10] =	ssyncadd.s32 $0xFFFFD800  }
0x99: {  	_ =	swait.ge [sflag:s11], $0x50  }
0x9a: {  	[sflag:s11] =	ssyncset.done $0x0  }
0x9b: {  	s6 =	simm.s32 $0x1D880;
	[sflag:s11] =	ssyncadd.s32 $0xFFFFFFB0  }
0x9c: {  	[spmem:s2] =	stream.indirect.scatter.add.f32 [tilespmem:s29], [sflag:$0xD], $0x80, s6, s28, $0xb8;
	[tilespmem:$0x1DC80] =	vst v63  }
0x9d: {  	s25 =	sshrl.u32 s7, $0x3;
	_ =	swait.ge [sflag:s12], $0x2800  }
0x9e: {  	s21 =	simm.s32 $0x1DA80;
	[sflag:s12] =	ssyncset.done $0x0;
	s31 =	rddreg [dreg:$0xa]  }
0x9f: {  	s20 =	sadd.s32 s31, s25;
	[sflag:s12] =	ssyncadd.s32 $0xFFFFD800;
	s31 =	rddreg [dreg:$0xb]  }
0xa0: {  	[tilespmem:s21], [sflag:$0x9] =	stream.linear.gather [hbm4b:s20+s3], $0x50, $0x38;
	[tilespmem:$0x1DC80] =	vst v63  }
0xa1: {  	s25 =	sadd.s32 s31, s25  }
0xa2: {  	[tilespmem:s6], [sflag:$0x5] =	stream.linear.gather [hbm4b:s25+s3], $0x50, $0x38;
	[tilespmem:$0x1DC80] =	vst v63  }
0xa3: {  	_ =	swait.ge [sflag:s13], $0x50  }
0xa4: {  	[sflag:s13] =	ssyncset.done $0x0  }
0xa5: {  	[sflag:s13] =	ssyncadd.s32 $0xFFFFFFB0  }
0xa6: {  	[tilespmem:s14], [sflag:$0x4] =	stream.indirect.gather [hbm4b:s1+s28], $0x80, s0, s28, $0xb8;
	[tilespmem:$0x1DC80] =	vst v63  }
0xa7: {  	_ =	swait.ge [sflag:s15], $0x2800  }
0xa8: {  	[sflag:s15] =	ssyncset.done $0x0  }
0xa9: {  	[sflag:s15] =	ssyncadd.s32 $0xFFFFD800  }
0xaa: {  	_ =	swait.ge [sflag:s16], $0x50  }
0xab: {  	p2 =	seq.s32 s19, $0x4B0;
	[sflag:s16] =	ssyncset.done $0x0  }
0xac: {  	s20 =	simm.s32 $0x1D900;
	s25 =	simm.s32 $0x16080;
	[sflag:s16] =	ssyncadd.s32 $0xFFFFFFB0  }
0xad: {  	[spmem:s2] =	stream.indirect.scatter.add.f32 [tilespmem:s25], [sflag:$0xD], $0x80, s20, s28, $0xb8;
	[tilespmem:$0x1DC80] =	vst v63  }
0xae: {  	s5 =	simm.s32 @!p2 $0x0;
	_ =	swait.ge [sflag:s12], $0x2800  }
0xaf: {  	s6 =	simm.s32 @!p2 $0x1DB00;
	s25 =	rddreg [dreg:$0x5];
	[sflag:s12] =	ssyncset.done $0x0  }
0xb0: {  	s31 =	rddreg [dreg:$0x4];
	[sflag:s12] =	ssyncadd.s32 $0xFFFFD800;
	s25 =	sadd.s32 @!p2 s19, s25  }
0xb1: {  	[tilespmem:s6], [sflag:$0xA] =	stream.linear.gather @!p2 [hbm4b:s25+s5], $0x50, $0x38;
	[tilespmem:$0x1DC80] =	vst v63  }
0xb2: {  	s20 =	simm.s32 @!p2 $0x1D900;
	s25 =	sadd.s32 @!p2 s19, s31  }
0xb3: {  	[tilespmem:s20], [sflag:$0x6] =	stream.linear.gather @!p2 [hbm4b:s25+s5], $0x50, $0x38;
	[tilespmem:$0x1DC80] =	vst v63  }
0xb4: {  	_ =	swait.ge [sflag:s26], $0x50  }
0xb5: {  	[sflag:s26] =	ssyncset.done $0x0  }
0xb6: {  	[sflag:s26] =	ssyncadd.s32 $0xFFFFFFB0  }
0xb7: {  	[tilespmem:s29], [sflag:$0x1] =	stream.indirect.gather [hbm4b:s1+s28], $0x80, s21, s28, $0xb8;
	[tilespmem:$0x1DC80] =	vst v63  }
0xb8: {  	_ =	swait.ge [sflag:s17], $0x2800  }
0xb9: {  	[sflag:s17] =	ssyncset.done $0x0  }
0xba: {  	[sflag:s17] =	ssyncadd.s32 $0xFFFFD800  }
0xbb: {  	_ =	swait.ge [sflag:s18], $0x50  }
0xbc: {  	[sflag:s18] =	ssyncset.done $0x0  }
0xbd: {  	s31 =	simm.s32 $0x1D980;
	[sflag:s18] =	ssyncadd.s32 $0xFFFFFFB0  }
0xbe: {  	[spmem:s2] =	stream.indirect.scatter.add.f32 [tilespmem:s9], [sflag:$0xD], $0x80, s31, s28, $0xb8;
	[tilespmem:$0x1DC80] =	vst v63  }
0xbf: {  	_ =	swait.ge [sflag:s12], $0x2800  }
0xc0: {  	s31 =	simm.s32 @!p2 $0x1DB80;
	s20 =	rddreg [dreg:$0x7];
	[sflag:s12] =	ssyncset.done $0x0  }
0xc1: {  	s25 =	rddreg [dreg:$0x6];
	[sflag:s12] =	ssyncadd.s32 $0xFFFFD800;
	s20 =	sadd.s32 @!p2 s19, s20  }
0xc2: {  	[tilespmem:s31], [sflag:$0xB] =	stream.linear.gather @!p2 [hbm4b:s20+s5], $0x50, $0x38;
	[tilespmem:$0x1DC80] =	vst v63  }
0xc3: {  	s21 =	simm.s32 @!p2 $0x1D980;
	s20 =	sadd.s32 @!p2 s19, s25;
	s25 =	simm.s32 @!p2 $0xA  }
0xc4: {  	[tilespmem:s21], [sflag:$0x7] =	stream.linear.gather @!p2 [hbm4b:s20+s5], $0x50, $0x38;
	[tilespmem:$0x1DC80] =	vst v63  }
0xc5: {  	_ =	swait.ge @!p2 [sflag:s25], $0x50  }
0xc6: {  	[sflag:s25] =	ssyncset.done @!p2 $0x0  }
0xc7: {  	s5 =	simm.s32 @!p2 $0x50;
	s20 =	simm.s32 @!p2 $0x16080;
	[sflag:s25] =	ssyncadd.s32 @!p2 $0xFFFFFFB0  }
0xc8: {  	[tilespmem:s20], [sflag:$0x2] =	stream.indirect.gather @!p2 [hbm4b:s1+s5], $0x80, s6, s5, $0xb8;
	[tilespmem:$0x1DC80] =	vst v63  }
0xc9: {  	_ =	swait.ge [sflag:s22], $0x2800  }
0xca: {  	s24 =	smov.u32 s23;
	s23 =	sadd.s32 $0x28, s23;
	[sflag:s22] =	ssyncset.done $0x0  }
0xcb: {  	p1 =	sne.s32 s23, $0x4D8;
	[sflag:s22] =	ssyncadd.s32 $0xFFFFD800  }
.Ltmp0:
0xcc: {  	_ =	swait.ge [sflag:s30], $0x50;
	(pc) =	sbr.rel @p1 .LBB2_2-.Ltmp0, $4  }
0xcd: {  	[sflag:s30] =	ssyncset.done $0x0  }
0xce: {  	[sflag:s30] =	ssyncadd.s32 $0xFFFFFFB0  }
0xcf: {  	[spmem:s2] =	stream.indirect.scatter.add.f32 [tilespmem:s14], [sflag:$0xD], $0x80, s4, s28, $0xb8;
	[tilespmem:$0x1DC80] =	vst v63  }
0xd0: {  	s7 =	sadd.s32 $0x140, s7;
	s19 =	smov.u32 s24;
	_ =	swait.ge [sflag:s12], $0x2800  }
0xd1: {  	s5 =	rddreg [dreg:$0x9];
	[sflag:s12] =	ssyncset.done $0x0  }
0xd2: {  	s6 =	rddreg [dreg:$0x8];
	[sflag:s12] =	ssyncadd.s32 $0xFFFFD800;
	s5 =	sadd.s32 s19, s5  }
0xd3: {  	[tilespmem:s0], [sflag:$0xC] =	stream.linear.gather [hbm4b:s5+s3], $0x50, $0x38;
	[tilespmem:$0x1DC80] =	vst v63  }
0xd4: {  	s21 =	sadd.s32 s19, s6  }
0xd5: {  	[tilespmem:s4], [sflag:$0x8] =	stream.linear.gather [hbm4b:s21+s3], $0x50, $0x38;
	[tilespmem:$0x1DC80] =	vst v63  }
0xd6: {  	_ =	swait.ge [sflag:s8], $0x50  }
0xd7: {  	[sflag:s8] =	ssyncset.done $0x0  }
0xd8: {  	s23 =	simm.s32 $0x1DB80;
	[sflag:s8] =	ssyncadd.s32 $0xFFFFFFB0  }
0xd9: {  	[tilespmem:s9], [sflag:$0x3] =	stream.indirect.gather [hbm4b:s1+s28], $0x80, s23, s28, $0xb8;
	[tilespmem:$0x1DC80] =	vst v63  }
0xda: {  	_ =	swait.ge [sflag:s10], $0x2800  }
0xdb: {  	[sflag:s10] =	ssyncset.done $0x0  }
0xdc: {  	[sflag:s10] =	ssyncadd.s32 $0xFFFFD800  }
0xdd: {  	_ =	swait.ge [sflag:s11], $0x50  }
0xde: {  	[sflag:s11] =	ssyncset.done $0x0  }
0xdf: {  	s23 =	simm.s32 $0x1D880;
	[sflag:s11] =	ssyncadd.s32 $0xFFFFFFB0  }
0xe0: {  	[spmem:s2] =	stream.indirect.scatter.add.f32 [tilespmem:s29], [sflag:$0xD], $0x80, s23, s28, $0xb8;
	[tilespmem:$0x1DC80] =	vst v63  }
0xe1: {  	s24 =	sshrl.u32 s7, $0x3;
	_ =	swait.ge [sflag:s12], $0x2800  }
0xe2: {  	s21 =	simm.s32 $0x1DA80;
	[sflag:s12] =	ssyncset.done $0x0;
	s25 =	rddreg [dreg:$0xa]  }
0xe3: {  	s31 =	rddreg [dreg:$0xb];
	s6 =	sadd.s32 s25, s24;
	[sflag:s12] =	ssyncadd.s32 $0xFFFFD800  }
0xe4: {  	[tilespmem:s21], [sflag:$0x9] =	stream.linear.gather [hbm4b:s6+s3], $0x50, $0x38;
	[tilespmem:$0x1DC80] =	vst v63  }
0xe5: {  	s5 =	sadd.s32 s31, s24  }
0xe6: {  	[tilespmem:s23], [sflag:$0x5] =	stream.linear.gather [hbm4b:s5+s3], $0x50, $0x38;
	[tilespmem:$0x1DC80] =	vst v63  }
0xe7: {  	_ =	swait.ge [sflag:s13], $0x50  }
0xe8: {  	[sflag:s13] =	ssyncset.done $0x0  }
0xe9: {  	[sflag:s13] =	ssyncadd.s32 $0xFFFFFFB0  }
0xea: {  	[tilespmem:s14], [sflag:$0x4] =	stream.indirect.gather [hbm4b:s1+s28], $0x80, s0, s28, $0xb8;
	[tilespmem:$0x1DC80] =	vst v63  }
0xeb: {  	_ =	swait.ge [sflag:s15], $0x2800  }
0xec: {  	[sflag:s15] =	ssyncset.done $0x0  }
0xed: {  	[sflag:s15] =	ssyncadd.s32 $0xFFFFD800  }
0xee: {  	_ =	swait.ge [sflag:s16], $0x50  }
0xef: {  	s7 =	simm.s32 $0x1D900;
	[sflag:s16] =	ssyncset.done $0x0  }
0xf0: {  	s20 =	simm.s32 $0x16080;
	p1 =	seq.s32 s19, $0x4B0;
	[sflag:s16] =	ssyncadd.s32 $0xFFFFFFB0  }
0xf1: {  	[spmem:s2] =	stream.indirect.scatter.add.f32 [tilespmem:s20], [sflag:$0xD], $0x80, s7, s28, $0xb8;
	[tilespmem:$0x1DC80] =	vst v63  }
0xf2: {  	s7 =	simm.s32 @!p1 $0x0;
	_ =	swait.ge [sflag:s12], $0x2800  }
0xf3: {  	s20 =	simm.s32 @!p1 $0x1DB00;
	s5 =	rddreg [dreg:$0x5];
	[sflag:s12] =	ssyncset.done $0x0  }
0xf4: {  	s6 =	rddreg [dreg:$0x4];
	[sflag:s12] =	ssyncadd.s32 $0xFFFFD800;
	s5 =	sadd.s32 @!p1 s19, s5  }
0xf5: {  	[tilespmem:s20], [sflag:$0xA] =	stream.linear.gather @!p1 [hbm4b:s5+s7], $0x50, $0x38;
	[tilespmem:$0x1DC80] =	vst v63  }
0xf6: {  	s6 =	sadd.s32 @!p1 s19, s6;
	s5 =	simm.s32 @!p1 $0x1D900  }
0xf7: {  	[tilespmem:s5], [sflag:$0x6] =	stream.linear.gather @!p1 [hbm4b:s6+s7], $0x50, $0x38;
	[tilespmem:$0x1DC80] =	vst v63  }
0xf8: {  	_ =	swait.ge [sflag:s26], $0x50  }
0xf9: {  	[sflag:s26] =	ssyncset.done $0x0  }
0xfa: {  	[sflag:s26] =	ssyncadd.s32 $0xFFFFFFB0  }
0xfb: {  	[tilespmem:s29], [sflag:$0x1] =	stream.indirect.gather [hbm4b:s1+s28], $0x80, s21, s28, $0xb8;
	[tilespmem:$0x1DC80] =	vst v63  }
0xfc: {  	_ =	swait.ge [sflag:s17], $0x2800  }
0xfd: {  	[sflag:s17] =	ssyncset.done $0x0  }
0xfe: {  	[sflag:s17] =	ssyncadd.s32 $0xFFFFD800  }
0xff: {  	_ =	swait.ge [sflag:s18], $0x50  }
0x100: {  	[sflag:s18] =	ssyncset.done $0x0  }
0x101: {  	s24 =	simm.s32 $0x1D980;
	[sflag:s18] =	ssyncadd.s32 $0xFFFFFFB0  }
0x102: {  	[spmem:s2] =	stream.indirect.scatter.add.f32 [tilespmem:s9], [sflag:$0xD], $0x80, s24, s28, $0xb8;
	[tilespmem:$0x1DC80] =	vst v63  }
0x103: {  	_ =	swait.ge [sflag:s12], $0x2800  }
0x104: {  	s21 =	simm.s32 @!p1 $0x1DB80;
	s5 =	rddreg [dreg:$0x7];
	[sflag:s12] =	ssyncset.done $0x0  }
0x105: {  	s6 =	rddreg [dreg:$0x6];
	[sflag:s12] =	ssyncadd.s32 $0xFFFFD800;
	s5 =	sadd.s32 @!p1 s19, s5  }
0x106: {  	[tilespmem:s21], [sflag:$0xB] =	stream.linear.gather @!p1 [hbm4b:s5+s7], $0x50, $0x38;
	[tilespmem:$0x1DC80] =	vst v63  }
0x107: {  	s5 =	sadd.s32 @!p1 s19, s6;
	s6 =	simm.s32 @!p1 $0x1D980  }
0x108: {  	[tilespmem:s6], [sflag:$0x7] =	stream.linear.gather @!p1 [hbm4b:s5+s7], $0x50, $0x38;
	[tilespmem:$0x1DC80] =	vst v63  }
0x109: {  	s5 =	simm.s32 @!p1 $0xA  }
0x10a: {  	_ =	swait.ge @!p1 [sflag:s5], $0x50  }
0x10b: {  	[sflag:s5] =	ssyncset.done @!p1 $0x0  }
0x10c: {  	s6 =	simm.s32 @!p1 $0x50;
	[sflag:s5] =	ssyncadd.s32 @!p1 $0xFFFFFFB0;
	s5 =	simm.s32 @!p1 $0x16080  }
0x10d: {  	[tilespmem:s5], [sflag:$0x2] =	stream.indirect.gather @!p1 [hbm4b:s1+s6], $0x80, s20, s6, $0xb8;
	[tilespmem:$0x1DC80] =	vst v63  }
0x10e: {  	_ =	swait.ge [sflag:s22], $0x2800  }
0x10f: {  	[sflag:s22] =	ssyncset.done $0x0  }
0x110: {  	[sflag:s22] =	ssyncadd.s32 $0xFFFFD800  }
0x111: {  	_ =	swait.ge [sflag:s30], $0x50  }
0x112: {  	[sflag:s30] =	ssyncset.done $0x0  }
0x113: {  	[sflag:s30] =	ssyncadd.s32 $0xFFFFFFB0  }
0x114: {  	[spmem:s2] =	stream.indirect.scatter.add.f32 [tilespmem:s14], [sflag:$0xD], $0x80, s4, s28, $0xb8;
	[tilespmem:$0x1DC80] =	vst v63  }
0x115: {  	_ =	swait.ge [sflag:s12], $0x2800  }
0x116: {  	[sflag:s12] =	ssyncset.done $0x0  }
0x117: {  	[sflag:s12] =	ssyncadd.s32 $0xFFFFD800  }
0x118: {  	_ =	swait.ge [sflag:s10], $0x2800  }
0x119: {  	[sflag:s10] =	ssyncset.done $0x0  }
0x11a: {  	[sflag:s10] =	ssyncadd.s32 $0xFFFFD800  }
0x11b: {  	_ =	swait.ge [sflag:s11], $0x50  }
0x11c: {  	[sflag:s11] =	ssyncset.done $0x0  }
0x11d: {  	[sflag:s11] =	ssyncadd.s32 $0xFFFFFFB0  }
0x11e: {  	[spmem:s2] =	stream.indirect.scatter.add.f32 [tilespmem:s29], [sflag:$0xD], $0x80, s23, s28, $0xb8;
	[tilespmem:$0x1DC80] =	vst v63  }
0x11f: {  	_ =	swait.ge [sflag:s12], $0x2800  }
0x120: {  	[sflag:s12] =	ssyncset.done $0x0  }
0x121: {  	[sflag:s12] =	ssyncadd.s32 $0xFFFFD800  }
0x122: {  	[bflag:$0x0] =	sbarrier.arrive $0xFFFF  }
0x123: {  	s6 =	rddreg [dreg:$0x16]  }
0x124: {  	s5 =	simm.s32 @p0 $0x1FCD;
	s7 =	rddreg [dreg:$0x1a]  }
0x125: {  	[hbm:s6], [sflag:s5] =	dma.local @p0 [spmem:s7], $0x2800  }
0x126: {  	s5 =	simm.s32 @p0 $0xD  }
0x127: {  	_ =	swait.ge @p0 [sflag:s5], $0x2800  }
0x128: {  	s6 =	rddreg [dreg:$0x1b]  }
0x129: {  	[sflag:s5] =	ssyncset.done @p0 $0x0;
	s7 =	rddreg [dreg:$0x1c]  }
0x12a: {  	[sflag:s5] =	ssyncadd.s32 @p0 $0xFFFFD800;
	s5 =	rddreg [dreg:$0x15]  }
0x12b: {  	[hbm:s5], [sflag:s6] =	dma.local @!p0 [spmem:s7], $0x2700  }
0x12c: {  	s5 =	simm.s32 @!p0 $0xD  }
0x12d: {  	_ =	swait.ge @!p0 [sflag:s5], $0x2700  }
0x12e: {  	s25 =	rddreg [dreg:$0x19]  }
0x12f: {  	s31 =	rddreg [dreg:$0x17];
	s7 =	sadd.s32 $0x1, s25  }
0x130: {  	p1 =	sne.s32 s7, s31  }
.Ltmp1:
0x131: {  	_ = 	snop;
	(pc) =	sbr.rel @p1 .LBB2_1-.Ltmp1, $3  }
0x132: {  	_ =	sdelay $0x1  }
0x133: {  	[sflag:s5] =	ssyncset.done @!p0 $0x0  }
0x134: {  	[sflag:s5] =	ssyncadd.s32 @!p0 $0xFFFFD900  }
0x135: {  	_ =	sfence.sel $0x180000  }
0x136: {  	[bflag:$0x0] =	sbarrier.arrive $0xFFFF  }
0x137: {  	_ =	strace $0x9000004A  }
0x138: {  	s0 =	stileid.u32;
	[bflag:$0x2] =	sbarrier.arrive $0xFFFF  }
0x139: {  	p0 =	sne.s32 s0, $0x0;
	s0 =	rddreg [dreg:$0x3]  }
0x13a: {  	s0 =	sadd.s32 @!p0 $0x100000, s0  }
0x13b: {  	[sflag:s0] =	ssyncadd.tile.s32 @!p0 $0x1;
	_ =	shalt  }
.Lfunc_end2:
_tile_overlayer_lowered:
.L_overlay_start_2:
0x13c: {  	(tag) =	ssettag $0x2  }
0x13d: {  	s0 =	rddreg [dreg:$0x0];
	s2 =	stileid.u32  }
0x13e: {  	s1 =	rddreg [dreg:$0x1];
	p0 =	sne.s32 s2, $0x0  }
0x13f: {  	s3 =	rddreg [dreg:$0x2];
	[bflag:$0x3] =	sbarrier.arrive $0xFFFF;
	s2 =	simm.s32 @!p0 $0x1C0D  }
0x140: {  	[timem:s3], [sflag:s2] =	dma.local @!p0 [hbm:s0], s1  }
0x141: {  	s0 =	simm.s32 @!p0 $0xD  }
0x142: {  	_ =	swait.ge @!p0 [sflag:s0], s1  }
0x143: {  	s1 =	ssub.s32 @!p0 $0x0, s1;
	[sflag:s0] =	ssyncset.done @!p0 $0x0  }
0x144: {  	[sflag:s0] =	ssyncadd.s32 @!p0 s1  }
0x145: {  	[bflag:$0x3] =	sbarrier.arrive $0xFFFF  }
0x146: {  	_ =	shalt  }

// kernel: kernel.9.cloned.1.call-start
scs
__scs_entry_jumppad:
0x0: {  	(pc) =	sbr.rel $0x88, $3  }
0x1: {  	(tag) =	ssettag $0x0;
	lr =	simm.s32 $0x1  }
0x2: {  	[smem:$0x3F99] =	sst lr;
	_ =	strace $0xD0000000  }
0x3: {  	_ = 	snop  }
0x4: {  	_ = 	snop  }
0x5: {  	_ = 	snop  }
0x6: {  	_ = 	snop  }
0x7: {  	_ = 	snop  }
__scs_overlays_trampoline_lowered:
0x8: {  	[smem:$0x3FA8] =	sst s0  }
0x9: {  	[smem:$0x3FA9] =	sst s1  }
0xa: {  	[smem:$0x3FAA] =	sst s2  }
0xb: {  	[smem:$0x3FAB] =	sst s3  }
0xc: {  	[smem:$0x3FAC] =	sst s4  }
0xd: {  	[smem:$0x3FAD] =	sst s5  }
0xe: {  	[smem:$0x3FAE] =	sst s6  }
0xf: {  	[smem:$0x3FAF] =	sst s7  }
0x10: {  	[smem:$0x3FB0] =	sst s8  }
0x11: {  	[smem:$0x3FB1] =	sst s9;
	s0 =	simm.s32 @!p0 $0x0  }
0x12: {  	s1 =	sld [smem:$0x3F97];
	s0 =	simm.s32 @p0 $0x1  }
0x13: {  	[smem:$0x3FB2] =	sst s0;
	s0 =	simm.s32 @!p1 $0x0  }
0x14: {  	s2 =	sld [smem:$0x3F96];
	s0 =	simm.s32 @p1 $0x1  }
0x15: {  	[smem:$0x3FB3] =	sst s0;
	s0 =	simm.s32 @!p2 $0x0  }
0x16: {  	s3 =	sld [smem:$0x3FDB];
	s0 =	simm.s32 @p2 $0x1  }
0x17: {  	s4 =	simm.s32 $0x1BF5;
	[smem:$0x3FB5] =	sst s0  }
0x18: {  	s0 =	sld [smem:$0x3F98];
	_ =	swait.ge [sflag:s4], $0x0  }
0x19: {  	s7 =	sld [smem:$0x3F99]  }
0x1a: {  	s8 =	sadd.s32 $0xFFFFE003, lr  }
0x1b: {  	s9 =	sadd.s32 $0xFFFFFEF7, lr;
	s5 =	simm.s32 $0xFFFFFFFF;
	p2 =	slt.u32 s8, $0xFFFFF086  }
0x1c: {  	p1 =	slt.u32 s9, $0xF7A;
	s5 =	simm.s32 @!p2 $0x0  }
0x1d: {  	s5 =	simm.s32 @p1 $0x1;
	p0 =	seq.s32 s7, s2  }
0x1e: {  	s7 =	smul.u32 @!p0 $0xF7A, s2;
	p2 =	seq.s32 @!p0 s5, $0x0  }
0x1f: {  	s9 =	smul.u32 $0xF7A, s1;
	s8 =	simm.s32 @!p0 $0x1BF5;
	p2 =	por !p2, p0  }
0x20: {  	[sflag:s8] =	ssyncset.s32 @!p0 $0xFFFFF086;
	s6 =	sadd.s32 @!p0 s3, s7;
	s7 =	simm.s32 @!p0 $0x108  }
0x21: {  	s3 =	sadd.s32 s3, s9;
	s6 =	sadd.s32 @!p0 $0x88, s6;
	s7 =	simm.s32 @p2 $0x1082  }
0x22: {  	[simem:s7], [sflag:s8] =	dma.local @!p0 [hbm:s6], $0xF7A  }
0x23: {  	s9 =	sor.u32 $0xD0000000, s2;
	s6 =	simm.s32 $0x108;
	_ =	swait.ge @!p0 [sflag:s8], $0x0  }
0x24: {  	s3 =	sadd.s32 $0x88, s3;
	s6 =	simm.s32 @!p1 $0x1082;
	[sflag:s4] =	ssyncset.s32 $0xFFFFF086  }
0x25: {  	[simem:s6], [sflag:s4] =	dma.local [hbm:s3], $0xF7A  }
0x26: {  	[smem:$0x3F99] =	sst s1;
	(tag) =	ssettag s2;
	_ =	strace s9  }
0x27: {  	s1 =	sld [smem:$0x3FA9]  }
0x28: {  	s2 =	sld [smem:$0x3FAA]  }
0x29: {  	s4 =	sld [smem:$0x3FAC]  }
0x2a: {  	p0 =	seq.s32 s5, $0x0;
	s5 =	sld [smem:$0x3FAD]  }
0x2b: {  	s6 =	sld [smem:$0x3FAE]  }
0x2c: {  	s7 =	sld [smem:$0x3FAF]  }
0x2d: {  	s3 =	simm.s32 $0x108;
	s8 =	sld [smem:$0x3FB0]  }
0x2e: {  	s3 =	simm.s32 @!p0 $0x1082;
	s9 =	sld [smem:$0x3FB1]  }
0x2f: {  	lr =	sadd.s32 s0, s3;
	s0 =	sld [smem:$0x3FA8]  }
0x30: {  	s3 =	sld [smem:$0x3FAB]  }
0x31: {  	[smem:$0x3FB4] =	sst s10  }
0x32: {  	s10 =	sld [smem:$0x3FB2];
	_ =	sdelay $0x3  }
0x33: {  	p0 =	seq.s32 s10, $0x1;
	s10 =	sld [smem:$0x3FB4];
	_ =	sdelay $0x3  }
0x34: {  	[smem:$0x3FB4] =	sst s10  }
0x35: {  	s10 =	sld [smem:$0x3FB3];
	_ =	sdelay $0x3  }
0x36: {  	p1 =	seq.s32 s10, $0x1;
	s10 =	sld [smem:$0x3FB4];
	_ =	sdelay $0x3  }
0x37: {  	[smem:$0x3FB4] =	sst s10  }
0x38: {  	s10 =	sld [smem:$0x3FB5]  }
0x39: {  	_ = 	snop;
	(pc) =	sbr.ind lr, $3  }
0x3a: {  	_ = 	snop  }
0x3b: {  	_ = 	snop  }
0x3c: {  	p2 =	seq.s32 s10, $0x1;
	s10 =	sld [smem:$0x3FB4]  }
0x3d: {  	_ =	shalt  }
0x3e: {  	_ =	shalt  }
0x3f: {  	_ =	shalt  }
0x40: {  	_ =	shalt  }
0x41: {  	_ =	shalt  }
0x42: {  	_ =	shalt  }
0x43: {  	_ =	shalt  }
0x44: {  	_ =	shalt  }
0x45: {  	_ =	shalt  }
0x46: {  	_ =	shalt  }
0x47: {  	_ =	shalt  }
0x48: {  	_ =	shalt  }
0x49: {  	_ =	shalt  }
0x4a: {  	_ =	shalt  }
0x4b: {  	_ =	shalt  }
0x4c: {  	_ =	shalt  }
0x4d: {  	_ =	shalt  }
0x4e: {  	_ =	shalt  }
0x4f: {  	_ =	shalt  }
0x50: {  	_ =	shalt  }
0x51: {  	_ =	shalt  }
0x52: {  	_ =	shalt  }
0x53: {  	_ =	shalt  }
0x54: {  	_ =	shalt  }
0x55: {  	_ =	shalt  }
0x56: {  	_ =	shalt  }
0x57: {  	_ =	shalt  }
0x58: {  	_ =	shalt  }
0x59: {  	_ =	shalt  }
0x5a: {  	_ =	shalt  }
0x5b: {  	_ =	shalt  }
0x5c: {  	_ =	shalt  }
0x5d: {  	_ =	shalt  }
0x5e: {  	_ =	shalt  }
0x5f: {  	_ =	shalt  }
0x60: {  	_ =	shalt  }
0x61: {  	_ =	shalt  }
0x62: {  	_ =	shalt  }
0x63: {  	_ =	shalt  }
0x64: {  	_ =	shalt  }
0x65: {  	_ =	shalt  }
0x66: {  	_ =	shalt  }
0x67: {  	_ =	shalt  }
0x68: {  	_ =	shalt  }
0x69: {  	_ =	shalt  }
0x6a: {  	_ =	shalt  }
0x6b: {  	_ =	shalt  }
0x6c: {  	_ =	shalt  }
0x6d: {  	_ =	shalt  }
0x6e: {  	_ =	shalt  }
0x6f: {  	_ =	shalt  }
0x70: {  	_ =	shalt  }
0x71: {  	_ =	shalt  }
0x72: {  	_ =	shalt  }
0x73: {  	_ =	shalt  }
0x74: {  	_ =	shalt  }
0x75: {  	_ =	shalt  }
0x76: {  	_ =	shalt  }
0x77: {  	_ =	shalt  }
0x78: {  	_ =	shalt  }
0x79: {  	_ =	shalt  }
0x7a: {  	_ =	shalt  }
0x7b: {  	_ =	shalt  }
0x7c: {  	_ =	shalt  }
0x7d: {  	_ =	shalt  }
0x7e: {  	_ =	shalt  }
0x7f: {  	_ =	shalt  }
0x80: {  	_ =	shalt  }
0x81: {  	_ =	shalt  }
0x82: {  	_ =	shalt  }
0x83: {  	_ =	shalt  }
0x84: {  	_ =	shalt  }
0x85: {  	_ =	shalt  }
0x86: {  	_ =	shalt  }
0x87: {  	_ =	shalt  }
.Lfunc_end0:
.L_simem_size_0:
called_computation_lowered:
.L_overlay_start_0:
0x88: {  	s2 =	sld [smem:$0x3FD9]  }
0x89: {  	s3 =	sld [smem:$0x3FFE];
	_ =	sdelay $0x1  }
0x8a: {  	s1 =	srdreg.scid  }
0x8b: {  	s0 =	sand.u32 $0x1, s1  }
0x8c: {  	s17 =	sshll.u32 s0, $0xA;
	s2 =	sadd.s32 s3, s2  }
0x8d: {  	s2 =	sadd.s32 s2, s17  }
0x8e: {  	[smem:$0x3FC0] =	sst s2  }
0x8f: {  	_ = 	snop  }
0x90: {  	s2 =	sld [smem:$0x3FC9];
	(tm) =	ssettm $0x1  }
0x91: {  	s18 =	sld [smem:$0x3FFB];
	_ =	sdelay $0x3  }
0x92: {  	_ =	strace s18  }
0x93: {  	s3 =	sld [smem:$0x3FFC];
	_ =	sdelay $0x3  }
0x94: {  	_ =	strace s3  }
0x95: {  	s3 =	sld [smem:$0x3FFD];
	_ =	sdelay $0x3  }
0x96: {  	_ =	strace s3  }
0x97: {  	_ =	strace $0x8FFFFFFF  }
0x98: {  	s19 =	sld [smem:$0x3FDB];
	_ =	sdelay $0x1  }
0x99: {  	s4 =	simm.s32 $_scs_section_size  }
0x9a: {  	s5 =	simm.s32 $_size__tile_overlayer_lowered;
	s6 =	simm.s32 $_tile_overlayer_lowered  }
0x9b: {  	s22 =	simm.s32 $0x1BFF;
	s21 =	sshll.u32 s6, $0x1;
	s3 =	sadd.s32 s4, s19  }
0x9c: {  	s7 =	simm.s32 $0x0;
	s20 =	sshll.u32 s5, $0x1;
	s5 =	sadd.s32 s21, s3  }
0x9d: {  	[timem:s7], [sflag:s22] =	dma.local [hbm:s5], s20  }
0x9e: {  	_ =	swait.ge [sflag:s22], s20  }
0x9f: {  	s4 =	ssub.s32 $0x0, s20;
	[sflag:s22] =	ssyncset.done $0x0  }
0xa0: {  	[sflag:s22] =	ssyncadd.s32 s4;
	_ =	sdelay $0x1  }
0xa1: {  	s23 =	simm.s32 $0x1B8B  }
0xa2: {  	_ =	swait.ge [sflag:s23], $0x1  }
0xa3: {  	[sflag:s23] =	ssyncset.done $0x0  }
0xa4: {  	s25 =	simm.s32 $0x1B8E;
	s24 =	sld [smem:$0x3FFE];
	[sflag:s23] =	ssyncadd.s32 $0xFFFFFFFF  }
0xa5: {  	s26 =	simm.s32 $execute0_lowered;
	[smem:$0x3FD2] =	sst s25  }
0xa6: {  	s5 =	sshll.u32 s26, $0x1;
	_ =	strace $0x80000046;
	[dreg:$0x1] =	wrdreg $0xFFFFFFFF  }
0xa7: {  	s28 =	simm.s32 $_size_execute0_lowered;
	s3 =	sadd.s32 s3, s5;
	[dreg:$0x0] =	wrdreg $0x0  }
0xa8: {  	s5 =	sshll.u32 s28, $0x1;
	[dreg:$0x2] =	wrdreg s3  }
0xa9: {  	[dreg:$0x3] =	wrdreg s5  }
0xaa: {  	[dreg:$0x4] =	wrdreg $0xC0  }
0xab: {  	_ =	task [dreg:s7], $0x5FFFF  }
0xac: {  	[dreg:$0x1] =	wrdreg $0xFFFFFFFF  }
0xad: {  	[dreg:$0x0] =	wrdreg $0x60  }
0xae: {  	[dreg:$0x2] =	wrdreg s2  }
0xaf: {  	[dreg:$0x3] =	wrdreg s24  }
0xb0: {  	[dreg:$0x4] =	wrdreg $0x0  }
0xb1: {  	[dreg:$0x5] =	wrdreg $0x1DC800  }
0xb2: {  	[dreg:$0x6] =	wrdreg $0x9  }
0xb3: {  	_ =	task.clear_ibuf [dreg:s7], $0x7FFFF;
	_ =	strace $0x90000046  }
0xb4: {  	s29 =	simm.s32 $0x9;
	_ =	strace $0x80000048  }
0xb5: {  	_ =	swait.ge [sflag:s29], $0x1  }
0xb6: {  	[sflag:s29] =	ssyncadd.s32 $0xFFFFFFFF  }
0xb7: {  	_ =	strace $0x90000048  }
0xb8: {  	_ =	sfence  }
0xb9: {  	s30 =	sld [smem:$0x0];
	_ =	sdelay $0x2  }
0xba: {  	s31 =	sshll.u32 s1, $0xD;
	s1 =	sshrl.u32 s1, $0x2  }
0xbb: {  	s3 =	sand.u32 $0x4000, s31;
	s1 =	sadd.s32 s1, s30  }
0xbc: {  	s0 =	sor.u32 s3, s0;
	s1 =	sshll.u32 s1, $0x11  }
0xbd: {  	s0 =	sor.u32 s1, s0  }
0xbe: {  	s0 =	sadd.s32 $0x8F2B, s0  }
0xbf: {  	[sflag:s0] =	ssyncadd.remote.s32 $0x1  }
0xc0: {  	_ =	sfence.sel $0xFFFF  }
0xc1: {  	[dreg:$0x0] =	wrdreg $0xFFFFFFFF;
	(pc) =	sbr.abs _section_cstart, $3  }
0xc2: {  	[dreg:$0x1] =	wrdreg $0xFFFFFFFF  }
0xc3: {  	_ =	task.clear_ibuf [dreg:s7], $0x2FFFF;
	_ =	strace $0x9FFFFFFF  }
0xc4: {  	(tm) =	ssettm $0x7FFFFFFF  }
0xc5: {  	_ =	shalt  }
tec
execute0_lowered:
.L_overlay_start_1:
0x0: {  	(tag) =	ssettag $0x1  }
0x1: {  	s1 =	rddreg [dreg:$0x0]  }
0x2: {  	s0 =	rddreg [dreg:$0x1]  }
0x3: {  	s2 =	rddreg [dreg:$0x2]  }
0x4: {  	s3 =	rddreg [dreg:$0x3];
	s5 =	srdreg.scid  }
0x5: {  	s4 =	simm.s32 $0x0;
	s14 =	stileid.u32;
	s31 =	simm.s32 $0x50  }
0x6: {  	s5 =	sand.u32 $0x1, s5;
	[smem:$0x7FF] =	sst s4;
	s13 =	sadd.s32 $0x3600, s0  }
0x7: {  	s15 =	sadd.s32 $0xD400, s0;
	s8 =	sadd.s32 $0x17200, s0;
	s23 =	smul.u32 $0x4E000, s14  }
0x8: {  	s19 =	sadd.s32 $0x1B200, s0;
	s20 =	sadd.s32 $0x1B800, s0;
	s25 =	smul.u32 $0x13800, s14  }
0x9: {  	s30 =	smul.u32 $0x2710, s14;
	s26 =	sadd.s32 $0x124800, s2;
	p0 =	sne.s32 s14, $0xF  }
0xa: {  	p3 =	seq.s32 s14, $0xF;
	_ =	strace $0x80000047;
	[dreg:$0xd] =	wrdreg s8  }
0xb: {  	s6 =	sshll.u32 s5, $0x4;
	[dreg:$0xe] =	wrdreg s19;
	s11 =	smul.u32 $0x138800, s5  }
0xc: {  	s9 =	ssub.s32 $0x2, s5;
	s5 =	smul.u32 $0x27100, s5;
	[dreg:$0xc] =	wrdreg s15  }
0xd: {  	[dreg:$0xb] =	wrdreg s13;
	p2 =	sne.s32 @p0 s14, $0x0;
	s8 =	simm.s32 $0x3  }
0xe: {  	[dreg:$0x16] =	wrdreg s26;
	s7 =	sor.u32 s14, s6;
	s0 =	sadd.s32 s6, s0  }
0xf: {  	s21 =	sshrl.u32 s9, $0x1;
	s29 =	sshrl.u32 s23, $0x2;
	p1 =	por p2, !p0  }
0x10: {  	s7 =	smul.u32 $0x2710, s7;
	s6 =	ssub.s32 s9, s21;
	s0 =	sadd.s32 $0x69A00, s0  }
0x11: {  	s23 =	sadd.s32 s29, s2;
	s5 =	sadd.s32 s30, s5;
	[dreg:$0x19] =	wrdreg s0  }
0x12: {  	s6 =	smax.u32 s6, $0x1;
	[dreg:$0x15] =	wrdreg s23;
	s7 =	sshrl.u32 s7, $0x3  }
0x13: {  	s17 =	sadd.s32 $0x190, s5;
	[dreg:$0x1a] =	wrdreg s6;
	s22 =	sadd.s32 s13, s7  }
0x14: {  	s18 =	sshrl.u32 s17, $0x3;
	s10 =	sadd.s32 s15, s7;
	[dreg:$0xf] =	wrdreg s22  }
0x15: {  	p2 =	por !p2, !p0;
	s19 =	sadd.s32 s18, s15;
	[dreg:$0x10] =	wrdreg s10  }
0x16: {  	s24 =	sadd.s32 $0xA, s7;
	s0 =	sadd.s32 s18, s13;
	[dreg:$0x5] =	wrdreg s19  }
0x17: {  	s9 =	simm.s32 $0x6;
	s12 =	sadd.s32 s13, s24;
	[dreg:$0x6] =	wrdreg s0  }
0x18: {  	s7 =	sadd.s32 $0x14, s7;
	s10 =	sadd.s32 s15, s24;
	[dreg:$0x11] =	wrdreg s12  }
0x19: {  	s17 =	simm.s32 $0x4;
	s28 =	sadd.s32 s13, s7;
	[dreg:$0x12] =	wrdreg s10  }
0x1a: {  	s18 =	simm.s32 $0x5;
	s7 =	sadd.s32 s15, s7;
	[dreg:$0x13] =	wrdreg s28  }
0x1b: {  	s24 =	sadd.s32 $0xF0, s5;
	s19 =	simm.s32 $0xD;
	[dreg:$0x14] =	wrdreg s7  }
0x1c: {  	s10 =	sadd.s32 s25, s11;
	s12 =	sshrl.u32 s11, $0x3;
	s28 =	sshrl.u32 s24, $0x3  }
0x1d: {  	s7 =	sshrl.u32 s10, $0x3;
	s16 =	sadd.s32 s20, s12;
	s29 =	sadd.s32 s28, s15  }
0x1e: {  	s30 =	sadd.s32 s28, s13;
	s12 =	simm.s32 $0x1DA00;
	[dreg:$0x9] =	wrdreg s29  }
0x1f: {  	s7 =	sadd.s32 s20, s7;
	s20 =	sadd.s32 $0x1E0, s5;
	[dreg:$0xa] =	wrdreg s30  }
0x20: {  	s5 =	sadd.s32 $0x140, s5;
	[dreg:$0x17] =	wrdreg s7;
	s7 =	sadd.s32 $0x24900, s16  }
0x21: {  	s21 =	sshrl.u32 s20, $0x3;
	[dreg:$0x1b] =	wrdreg s5;
	s20 =	simm.s32 $0x1DEF8  }
0x22: {  	s5 =	simm.s32 $0x2;
	s16 =	simm.s32 $0x7;
	[dreg:$0x18] =	wrdreg s7  }
0x23: {  	s22 =	sadd.s32 s21, s15;
	s25 =	sadd.s32 s21, s13;
	s13 =	simm.s32 $0xB  }
0x24: {  	s15 =	simm.s32 $0x1;
	s21 =	simm.s32 $0xC;
	[dreg:$0x7] =	wrdreg s22  }
0x25: {  	v0 =	vimm.f32 $1.000000000e+00;
	s7 =	simm.s32 $0x0;
	[dreg:$0x8] =	wrdreg s25;
	s22 =	simm.s32 $0x8  }
.LBB2_1:
0x26: {  	[dreg:$0x1c] =	wrdreg s7  }
0x27: {  	s0 =	rddreg [dreg:$0xf];
	s28 =	simm.s32 $0x1DA80  }
0x28: {  	[tilespmem:s28], [sflag:$0x9] =	stream.linear.gather [hbm4b:s0+s4], $0x50, $0x38;
	[tilespmem:$0x1DF78] =	vst v63  }
0x29: {  	s29 =	rddreg [dreg:$0x10];
	s24 =	simm.s32 $0x1D880  }
0x2a: {  	[tilespmem:s24], [sflag:$0x5] =	stream.linear.gather [hbm4b:s29+s4], $0x50, $0x38;
	[tilespmem:$0x1DF78] =	vst v63  }
0x2b: {  	s30 =	rddreg [dreg:$0x11];
	s6 =	simm.s32 $0x1DB00  }
0x2c: {  	[tilespmem:s6], [sflag:$0xA] =	stream.linear.gather [hbm4b:s30+s4], $0x50, $0x38;
	[tilespmem:$0x1DF78] =	vst v63  }
0x2d: {  	s7 =	rddreg [dreg:$0x12];
	s29 =	simm.s32 $0x1D900  }
0x2e: {  	[tilespmem:s29], [sflag:$0x6] =	stream.linear.gather [hbm4b:s7+s4], $0x50, $0x38;
	[tilespmem:$0x1DF78] =	vst v63  }
0x2f: {  	s10 =	rddreg [dreg:$0x13];
	s11 =	simm.s32 $0x1DB80  }
0x30: {  	[tilespmem:s11], [sflag:$0xB] =	stream.linear.gather [hbm4b:s10+s4], $0x50, $0x38;
	[tilespmem:$0x1DF78] =	vst v63  }
0x31: {  	s25 =	rddreg [dreg:$0x14];
	s30 =	simm.s32 $0x1D980  }
0x32: {  	[tilespmem:s30], [sflag:$0x7] =	stream.linear.gather [hbm4b:s25+s4], $0x50, $0x38;
	[tilespmem:$0x1DF78] =	vst v63  }
0x33: {  	s30 =	simm.s32 $0x9  }
0x34: {  	_ =	swait.ge [sflag:s30], $0x50  }
0x35: {  	[sflag:s30] =	ssyncset.done $0x0  }
0x36: {  	s10 =	simm.s32 $0x13880;
	s25 =	simm.s32 $0xA;
	[sflag:s30] =	ssyncadd.s32 $0xFFFFFFB0  }
0x37: {  	[tilespmem:s10], [sflag:$0x1] =	stream.indirect.gather [hbm4b:s1+s31], $0x80, s28, s31, $0xb8;
	[tilespmem:$0x1DF78] =	vst v63  }
0x38: {  	_ =	swait.ge [sflag:s25], $0x50  }
0x39: {  	[sflag:s25] =	ssyncset.done $0x0  }
0x3a: {  	[sflag:s25] =	ssyncadd.s32 $0xFFFFFFB0;
	s25 =	simm.s32 $0x16080  }
0x3b: {  	[tilespmem:s25], [sflag:$0x2] =	stream.indirect.gather [hbm4b:s1+s31], $0x80, s6, s31, $0xb8;
	[tilespmem:$0x1DF78] =	vst v63  }
0x3c: {  	s6 =	sshll.u32 @p0 s14, $0x6  }
0x3d: {  	s7 =	sshrl.u32 @p0 s23, $0x3;
	s0 =	rddreg [dreg:$0xd];
	s6 =	sor.u32 @p0 $0x1C0D, s6  }
0x3e: {  	[spmem:s7], [sflag:s6] =	dma.local @p0 [hbm:s0], $0x2700  }
0x3f: {  	s6 =	simm.s32 @p0 $0xD  }
0x40: {  	_ =	swait.ge @p0 [sflag:s6], $0x2700  }
0x41: {  	s7 =	simm.s32 @!p1 $0x1C0D;
	[sflag:s6] =	ssyncset.done @p0 $0x0  }
0x42: {  	s10 =	rddreg [dreg:$0xe];
	[sflag:s6] =	ssyncadd.s32 @p0 $0xFFFFD900;
	s6 =	sshrl.u32 @!p1 s3, $0x3  }
0x43: {  	[spmem:s6], [sflag:s7] =	dma.local @!p1 [hbm:s10], $0x4F0  }
0x44: {  	s6 =	simm.s32 @!p1 $0xD  }
0x45: {  	_ =	swait.ge @!p1 [sflag:s6], $0x4F0  }
0x46: {  	[sflag:s6] =	ssyncset.done @!p1 $0x0  }
0x47: {  	s7 =	simm.s32 @!p0 $0x1FCD;
	[sflag:s6] =	ssyncadd.s32 @!p1 $0xFFFFFB10;
	s6 =	sshrl.u32 @!p0 s26, $0x3  }
0x48: {  	[spmem:s6], [sflag:s7] =	dma.local @!p0 [hbm:s0], $0x2800  }
0x49: {  	s6 =	simm.s32 @!p0 $0xD  }
0x4a: {  	_ =	swait.ge @!p0 [sflag:s6], $0x2800  }
0x4b: {  	[sflag:s6] =	ssyncset.done @!p0 $0x0  }
0x4c: {  	[sflag:s6] =	ssyncadd.s32 @!p0 $0xFFFFD800  }
0x4d: {  	[tilespmem:$0x1DEF8] =	vst v0  }
0x4e: {  	[tilespmem:$0x1DF08] =	vst v0  }
0x4f: {  	[tilespmem:$0x1DF18] =	vst v0  }
0x50: {  	[tilespmem:$0x1DF28] =	vst v0  }
0x51: {  	[tilespmem:$0x1DF38] =	vst v0  }
0x52: {  	[bflag:$0x0] =	sbarrier.arrive $0xFFFF  }
0x53: {  	s26 =	rddreg [dreg:$0xa]  }
0x54: {  	s10 =	simm.s32 $0x1DC00;
	s0 =	rddreg [dreg:$0x9];
	s6 =	sadd.s32 $0x0, s26  }
0x55: {  	[tilespmem:s10], [sflag:$0xC] =	stream.linear.gather [hbm4b:s6+s4], $0x50, $0x38;
	[tilespmem:$0x1DF78] =	vst v63  }
0x56: {  	s14 =	sadd.s32 $0x0, s0  }
0x57: {  	[tilespmem:s12], [sflag:$0x8] =	stream.linear.gather [hbm4b:s14+s4], $0x50, $0x38;
	[tilespmem:$0x1DF78] =	vst v63  }
0x58: {  	_ =	swait.ge [sflag:s13], $0x50  }
0x59: {  	[sflag:s13] =	ssyncset.done $0x0  }
0x5a: {  	s14 =	simm.s32 $0x18880;
	[sflag:s13] =	ssyncadd.s32 $0xFFFFFFB0  }
0x5b: {  	[tilespmem:s14], [sflag:$0x3] =	stream.indirect.gather [hbm4b:s1+s31], $0x80, s11, s31, $0xb8;
	[tilespmem:$0x1DF78] =	vst v63  }
0x5c: {  	_ =	swait.ge [sflag:s15], $0x2800  }
0x5d: {  	[sflag:s15] =	ssyncset.done $0x0  }
0x5e: {  	[sflag:s15] =	ssyncadd.s32 $0xFFFFD800  }
0x5f: {  	_ =	swait.ge [sflag:s18], $0x50  }
0x60: {  	[sflag:s18] =	ssyncset.done $0x0  }
0x61: {  	s26 =	simm.s32 $0x13880;
	[sflag:s18] =	ssyncadd.s32 $0xFFFFFFB0  }
0x62: {  	[spmem:s2] =	stream.indirect.scatter.add.f32 [tilespmem:s26], [sflag:$0xD], $0x80, s24, s31, $0xb8;
	[tilespmem:$0x1DF78] =	vst v63  }
0x63: {  	_ =	swait.ge [sflag:s19], $0x2800  }
0x64: {  	[sflag:s19] =	ssyncset.done $0x0  }
0x65: {  	[sflag:s19] =	ssyncadd.s32 $0xFFFFD800  }
0x66: {  	[spmem:s3] =	stream.indirect.scatter.add.f32 [tilespmem:s20], [sflag:$0xD], $0x1, s24, s31, $0xb8;
	[tilespmem:$0x1DF78] =	vst v63  }
0x67: {  	_ =	swait.ge [sflag:s19], $0x50  }
0x68: {  	s11 =	rddreg [dreg:$0x1b]  }
0x69: {  	[sflag:s19] =	ssyncset.done $0x0;
	s23 =	rddreg [dreg:$0xb];
	s6 =	sshrl.u32 s11, $0x3  }
0x6a: {  	[sflag:s19] =	ssyncadd.s32 $0xFFFFFFB0;
	s0 =	sadd.s32 s23, s6;
	s23 =	rddreg [dreg:$0xc]  }
0x6b: {  	[tilespmem:s28], [sflag:$0x9] =	stream.linear.gather [hbm4b:s0+s4], $0x50, $0x38;
	[tilespmem:$0x1DF78] =	vst v63  }
0x6c: {  	s6 =	sadd.s32 s23, s6  }
0x6d: {  	[tilespmem:s24], [sflag:$0x5] =	stream.linear.gather [hbm4b:s6+s4], $0x50, $0x38;
	[tilespmem:$0x1DF78] =	vst v63  }
0x6e: {  	_ =	swait.ge [sflag:s21], $0x50  }
0x6f: {  	[sflag:s21] =	ssyncset.done $0x0  }
0x70: {  	s24 =	simm.s32 $0x1B080;
	[sflag:s21] =	ssyncadd.s32 $0xFFFFFFB0  }
0x71: {  	[tilespmem:s24], [sflag:$0x4] =	stream.indirect.gather [hbm4b:s1+s31], $0x80, s10, s31, $0xb8;
	[tilespmem:$0x1DF78] =	vst v63  }
0x72: {  	_ =	swait.ge [sflag:s5], $0x2800  }
0x73: {  	[sflag:s5] =	ssyncset.done $0x0  }
0x74: {  	[sflag:s5] =	ssyncadd.s32 $0xFFFFD800  }
0x75: {  	_ =	swait.ge [sflag:s9], $0x50  }
0x76: {  	[sflag:s9] =	ssyncset.done $0x0  }
0x77: {  	[sflag:s9] =	ssyncadd.s32 $0xFFFFFFB0  }
0x78: {  	[spmem:s2] =	stream.indirect.scatter.add.f32 [tilespmem:s25], [sflag:$0xD], $0x80, s29, s31, $0xb8;
	[tilespmem:$0x1DF78] =	vst v63  }
0x79: {  	_ =	swait.ge [sflag:s19], $0x2800  }
0x7a: {  	[sflag:s19] =	ssyncset.done $0x0  }
0x7b: {  	p4 =	por $0x0, $0x0;
	[sflag:s19] =	ssyncadd.s32 $0xFFFFD800  }
0x7c: {  	[spmem:s3] =	stream.indirect.scatter.add.f32 [tilespmem:s20], [sflag:$0xD], $0x1, s29, s31, $0xb8;
	[tilespmem:$0x1DF78] =	vst v63  }
0x7d: {  	s23 =	simm.s32 @!p4 $0x1DB00;
	_ =	swait.ge [sflag:s19], $0x50  }
0x7e: {  	s10 =	simm.s32 @!p4 $0x0;
	s6 =	rddreg [dreg:$0x6];
	[sflag:s19] =	ssyncset.done $0x0  }
0x7f: {  	s7 =	rddreg [dreg:$0x5];
	[sflag:s19] =	ssyncadd.s32 $0xFFFFFFB0;
	s6 =	sadd.s32 @!p4 $0x0, s6  }
0x80: {  	[tilespmem:s23], [sflag:$0xA] =	stream.linear.gather @!p4 [hbm4b:s6+s10], $0x50, $0x38;
	[tilespmem:$0x1DF78] =	vst v63  }
0x81: {  	s7 =	sadd.s32 @!p4 $0x0, s7;
	s6 =	simm.s32 @!p4 $0x1D900  }
0x82: {  	[tilespmem:s6], [sflag:$0x6] =	stream.linear.gather @!p4 [hbm4b:s7+s10], $0x50, $0x38;
	[tilespmem:$0x1DF78] =	vst v63  }
0x83: {  	_ =	swait.ge [sflag:s30], $0x50  }
0x84: {  	[sflag:s30] =	ssyncset.done $0x0  }
0x85: {  	[sflag:s30] =	ssyncadd.s32 $0xFFFFFFB0  }
0x86: {  	[tilespmem:s26], [sflag:$0x1] =	stream.indirect.gather [hbm4b:s1+s31], $0x80, s28, s31, $0xb8;
	[tilespmem:$0x1DF78] =	vst v63  }
0x87: {  	_ =	swait.ge [sflag:s8], $0x2800  }
0x88: {  	[sflag:s8] =	ssyncset.done $0x0  }
0x89: {  	[sflag:s8] =	ssyncadd.s32 $0xFFFFD800  }
0x8a: {  	_ =	swait.ge [sflag:s16], $0x50  }
0x8b: {  	[sflag:s16] =	ssyncset.done $0x0  }
0x8c: {  	s30 =	simm.s32 $0x1D980;
	[sflag:s16] =	ssyncadd.s32 $0xFFFFFFB0  }
0x8d: {  	[spmem:s2] =	stream.indirect.scatter.add.f32 [tilespmem:s14], [sflag:$0xD], $0x80, s30, s31, $0xb8;
	[tilespmem:$0x1DF78] =	vst v63  }
0x8e: {  	_ =	swait.ge [sflag:s19], $0x2800  }
0x8f: {  	[sflag:s19] =	ssyncset.done $0x0  }
0x90: {  	[sflag:s19] =	ssyncadd.s32 $0xFFFFD800  }
0x91: {  	[spmem:s3] =	stream.indirect.scatter.add.f32 [tilespmem:s20], [sflag:$0xD], $0x1, s30, s31, $0xb8;
	[tilespmem:$0x1DF78] =	vst v63  }
0x92: {  	_ =	swait.ge [sflag:s19], $0x50  }
0x93: {  	s28 =	simm.s32 @!p4 $0x1DB80;
	s6 =	rddreg [dreg:$0x8];
	[sflag:s19] =	ssyncset.done $0x0  }
0x94: {  	s7 =	rddreg [dreg:$0x7];
	[sflag:s19] =	ssyncadd.s32 $0xFFFFFFB0;
	s6 =	sadd.s32 @!p4 $0x0, s6  }
0x95: {  	[tilespmem:s28], [sflag:$0xB] =	stream.linear.gather @!p4 [hbm4b:s6+s10], $0x50, $0x38;
	[tilespmem:$0x1DF78] =	vst v63  }
0x96: {  	s7 =	sadd.s32 @!p4 $0x0, s7;
	s6 =	simm.s32 @!p4 $0x1D980  }
0x97: {  	[tilespmem:s6], [sflag:$0x7] =	stream.linear.gather @!p4 [hbm4b:s7+s10], $0x50, $0x38;
	[tilespmem:$0x1DF78] =	vst v63  }
0x98: {  	s6 =	simm.s32 @!p4 $0xA  }
0x99: {  	_ =	swait.ge @!p4 [sflag:s6], $0x50  }
0x9a: {  	[sflag:s6] =	ssyncset.done @!p4 $0x0  }
0x9b: {  	s7 =	simm.s32 @!p4 $0x50;
	[sflag:s6] =	ssyncadd.s32 @!p4 $0xFFFFFFB0;
	s6 =	simm.s32 @!p4 $0x16080  }
0x9c: {  	[tilespmem:s6], [sflag:$0x2] =	stream.indirect.gather @!p4 [hbm4b:s1+s7], $0x80, s23, s7, $0xb8;
	[tilespmem:$0x1DF78] =	vst v63  }
0x9d: {  	_ =	swait.ge [sflag:s17], $0x2800  }
0x9e: {  	[sflag:s17] =	ssyncset.done $0x0  }
0x9f: {  	[sflag:s17] =	ssyncadd.s32 $0xFFFFD800  }
0xa0: {  	_ =	swait.ge [sflag:s22], $0x50  }
0xa1: {  	[sflag:s22] =	ssyncset.done $0x0  }
0xa2: {  	[sflag:s22] =	ssyncadd.s32 $0xFFFFFFB0  }
0xa3: {  	[spmem:s2] =	stream.indirect.scatter.add.f32 [tilespmem:s24], [sflag:$0xD], $0x80, s12, s31, $0xb8;
	[tilespmem:$0x1DF78] =	vst v63  }
0xa4: {  	p5 =	por @p0 $0x0, $0x0;
	s28 =	simm.s32 $0x28;
	_ =	swait.ge [sflag:s19], $0x2800  }
0xa5: {  	s10 =	sadd.s32 $0x140, s11;
	p4 =	por @!p1 $0x1, $0x1;
	[sflag:s19] =	ssyncset.done $0x0  }
0xa6: {  	p4 =	por @!p2 p5, p5;
	p5 =	por @!p0 $0x0, $0x0;
	[sflag:s19] =	ssyncadd.s32 $0xFFFFD800  }
0xa7: {  	[spmem:s3] =	stream.indirect.scatter.add.f32 [tilespmem:s20], [sflag:$0xD], $0x1, s12, s31, $0xb8;
	[tilespmem:$0x1DF78] =	vst v63  }
0xa8: {  	s6 =	simm.s32 $0x50;
	p4 =	por @!p0 p5, p5;
	_ =	swait.ge [sflag:s19], $0x50  }
.LBB2_2:
0xa9: {  	s23 =	rddreg [dreg:$0xa]  }
0xaa: {  	[sflag:s19] =	ssyncset.done $0x0;
	s26 =	rddreg [dreg:$0x9]  }
0xab: {  	s11 =	simm.s32 $0x1DC00;
	[sflag:s19] =	ssyncadd.s32 $0xFFFFFFB0;
	s23 =	sadd.s32 s28, s23  }
0xac: {  	[tilespmem:s11], [sflag:$0xC] =	stream.linear.gather [hbm4b:s23+s4], $0x50, $0x38;
	[tilespmem:$0x1DF78] =	vst v63  }
0xad: {  	s29 =	sadd.s32 s28, s26  }
0xae: {  	[tilespmem:s12], [sflag:$0x8] =	stream.linear.gather [hbm4b:s29+s4], $0x50, $0x38;
	[tilespmem:$0x1DF78] =	vst v63  }
0xaf: {  	_ =	swait.ge [sflag:s13], $0x50  }
0xb0: {  	[sflag:s13] =	ssyncset.done $0x0  }
0xb1: {  	s0 =	simm.s32 $0x1DB80;
	s24 =	simm.s32 $0x18880;
	[sflag:s13] =	ssyncadd.s32 $0xFFFFFFB0  }
0xb2: {  	[tilespmem:s24], [sflag:$0x3] =	stream.indirect.gather [hbm4b:s1+s31], $0x80, s0, s31, $0xb8;
	[tilespmem:$0x1DF78] =	vst v63  }
0xb3: {  	_ =	swait.ge [sflag:s15], $0x2800  }
0xb4: {  	[sflag:s15] =	ssyncset.done $0x0  }
0xb5: {  	[sflag:s15] =	ssyncadd.s32 $0xFFFFD800  }
0xb6: {  	_ =	swait.ge [sflag:s18], $0x50  }
0xb7: {  	[sflag:s18] =	ssyncset.done $0x0  }
0xb8: {  	s25 =	simm.s32 $0x13880;
	s29 =	simm.s32 $0x1D880;
	[sflag:s18] =	ssyncadd.s32 $0xFFFFFFB0  }
0xb9: {  	[spmem:s2] =	stream.indirect.scatter.add.f32 [tilespmem:s25], [sflag:$0xD], $0x80, s29, s31, $0xb8;
	[tilespmem:$0x1DF78] =	vst v63  }
0xba: {  	_ =	swait.ge [sflag:s19], $0x2800  }
0xbb: {  	[sflag:s19] =	ssyncset.done $0x0  }
0xbc: {  	[sflag:s19] =	ssyncadd.s32 $0xFFFFD800  }
0xbd: {  	[spmem:s3] =	stream.indirect.scatter.add.f32 [tilespmem:s20], [sflag:$0xD], $0x1, s29, s31, $0xb8;
	[tilespmem:$0x1DF78] =	vst v63  }
0xbe: {  	s14 =	simm.s32 $0x1DA80;
	_ =	swait.ge [sflag:s19], $0x50  }
0xbf: {  	s23 =	sshrl.u32 s10, $0x3;
	[sflag:s19] =	ssyncset.done $0x0;
	s30 =	rddreg [dreg:$0xb]  }
0xc0: {  	s0 =	sadd.s32 s30, s23;
	[sflag:s19] =	ssyncadd.s32 $0xFFFFFFB0;
	s30 =	rddreg [dreg:$0xc]  }
0xc1: {  	[tilespmem:s14], [sflag:$0x9] =	stream.linear.gather [hbm4b:s0+s4], $0x50, $0x38;
	[tilespmem:$0x1DF78] =	vst v63  }
0xc2: {  	s23 =	sadd.s32 s30, s23  }
0xc3: {  	[tilespmem:s29], [sflag:$0x5] =	stream.linear.gather [hbm4b:s23+s4], $0x50, $0x38;
	[tilespmem:$0x1DF78] =	vst v63  }
0xc4: {  	_ =	swait.ge [sflag:s21], $0x50  }
0xc5: {  	[sflag:s21] =	ssyncset.done $0x0  }
0xc6: {  	s30 =	simm.s32 $0x1B080;
	[sflag:s21] =	ssyncadd.s32 $0xFFFFFFB0  }
0xc7: {  	[tilespmem:s30], [sflag:$0x4] =	stream.indirect.gather [hbm4b:s1+s31], $0x80, s11, s31, $0xb8;
	[tilespmem:$0x1DF78] =	vst v63  }
0xc8: {  	_ =	swait.ge [sflag:s5], $0x2800  }
0xc9: {  	[sflag:s5] =	ssyncset.done $0x0  }
0xca: {  	[sflag:s5] =	ssyncadd.s32 $0xFFFFD800  }
0xcb: {  	_ =	swait.ge [sflag:s9], $0x50  }
0xcc: {  	[sflag:s9] =	ssyncset.done $0x0  }
0xcd: {  	s26 =	simm.s32 $0x1D900;
	s29 =	simm.s32 $0x16080;
	[sflag:s9] =	ssyncadd.s32 $0xFFFFFFB0  }
0xce: {  	[spmem:s2] =	stream.indirect.scatter.add.f32 [tilespmem:s29], [sflag:$0xD], $0x80, s26, s31, $0xb8;
	[tilespmem:$0x1DF78] =	vst v63  }
0xcf: {  	_ =	swait.ge [sflag:s19], $0x2800  }
0xd0: {  	[sflag:s19] =	ssyncset.done $0x0  }
0xd1: {  	[sflag:s19] =	ssyncadd.s32 $0xFFFFD800  }
0xd2: {  	[spmem:s3] =	stream.indirect.scatter.add.f32 [tilespmem:s20], [sflag:$0xD], $0x1, s26, s31, $0xb8;
	[tilespmem:$0x1DF78] =	vst v63  }
0xd3: {  	_ =	swait.ge [sflag:s19], $0x50  }
0xd4: {  	p6 =	seq.s32 s28, $0x4B0;
	s23 =	rddreg [dreg:$0x6]  }
0xd5: {  	s29 =	simm.s32 @!p6 $0x0;
	[sflag:s19] =	ssyncset.done $0x0;
	s26 =	rddreg [dreg:$0x5]  }
0xd6: {  	[sflag:s19] =	ssyncadd.s32 $0xFFFFFFB0;
	s0 =	sadd.s32 @!p6 s28, s23;
	s23 =	simm.s32 @!p6 $0x1DB00  }
0xd7: {  	[tilespmem:s23], [sflag:$0xA] =	stream.linear.gather @!p6 [hbm4b:s0+s29], $0x50, $0x38;
	[tilespmem:$0x1DF78] =	vst v63  }
0xd8: {  	s11 =	simm.s32 @!p6 $0x1D900;
	s0 =	sadd.s32 @!p6 s28, s26  }
0xd9: {  	[tilespmem:s11], [sflag:$0x6] =	stream.linear.gather @!p6 [hbm4b:s0+s29], $0x50, $0x38;
	[tilespmem:$0x1DF78] =	vst v63  }
0xda: {  	s11 =	simm.s32 $0x9  }
0xdb: {  	_ =	swait.ge [sflag:s11], $0x50  }
0xdc: {  	[sflag:s11] =	ssyncset.done $0x0  }
0xdd: {  	[sflag:s11] =	ssyncadd.s32 $0xFFFFFFB0  }
0xde: {  	[tilespmem:s25], [sflag:$0x1] =	stream.indirect.gather [hbm4b:s1+s31], $0x80, s14, s31, $0xb8;
	[tilespmem:$0x1DF78] =	vst v63  }
0xdf: {  	_ =	swait.ge [sflag:s8], $0x2800  }
0xe0: {  	[sflag:s8] =	ssyncset.done $0x0  }
0xe1: {  	[sflag:s8] =	ssyncadd.s32 $0xFFFFD800  }
0xe2: {  	_ =	swait.ge [sflag:s16], $0x50  }
0xe3: {  	[sflag:s16] =	ssyncset.done $0x0  }
0xe4: {  	s26 =	simm.s32 $0x1D980;
	[sflag:s16] =	ssyncadd.s32 $0xFFFFFFB0  }
0xe5: {  	[spmem:s2] =	stream.indirect.scatter.add.f32 [tilespmem:s24], [sflag:$0xD], $0x80, s26, s31, $0xb8;
	[tilespmem:$0x1DF78] =	vst v63  }
0xe6: {  	_ =	swait.ge [sflag:s19], $0x2800  }
0xe7: {  	[sflag:s19] =	ssyncset.done $0x0  }
0xe8: {  	[sflag:s19] =	ssyncadd.s32 $0xFFFFD800  }
0xe9: {  	[spmem:s3] =	stream.indirect.scatter.add.f32 [tilespmem:s20], [sflag:$0xD], $0x1, s26, s31, $0xb8;
	[tilespmem:$0x1DF78] =	vst v63  }
0xea: {  	_ =	swait.ge [sflag:s19], $0x50  }
0xeb: {  	s26 =	simm.s32 @!p6 $0x1DB80;
	s0 =	rddreg [dreg:$0x8];
	[sflag:s19] =	ssyncset.done $0x0  }
0xec: {  	s11 =	rddreg [dreg:$0x7];
	[sflag:s19] =	ssyncadd.s32 $0xFFFFFFB0;
	s0 =	sadd.s32 @!p6 s28, s0  }
0xed: {  	[tilespmem:s26], [sflag:$0xB] =	stream.linear.gather @!p6 [hbm4b:s0+s29], $0x50, $0x38;
	[tilespmem:$0x1DF78] =	vst v63  }
0xee: {  	s14 =	simm.s32 @!p6 $0x1D980;
	s0 =	sadd.s32 @!p6 s28, s11;
	s11 =	simm.s32 @!p6 $0xA  }
0xef: {  	[tilespmem:s14], [sflag:$0x7] =	stream.linear.gather @!p6 [hbm4b:s0+s29], $0x50, $0x38;
	[tilespmem:$0x1DF78] =	vst v63  }
0xf0: {  	s7 =	smov.u32 s6;
	_ =	swait.ge @!p6 [sflag:s11], $0x50  }
0xf1: {  	s28 =	smov.u32 s7;
	[sflag:s11] =	ssyncset.done @!p6 $0x0  }
0xf2: {  	s7 =	simm.s32 @!p6 $0x16080;
	s0 =	simm.s32 @!p6 $0x50;
	[sflag:s11] =	ssyncadd.s32 @!p6 $0xFFFFFFB0  }
0xf3: {  	[tilespmem:s7], [sflag:$0x2] =	stream.indirect.gather @!p6 [hbm4b:s1+s0], $0x80, s23, s0, $0xb8;
	[tilespmem:$0x1DF78] =	vst v63  }
0xf4: {  	_ =	swait.ge [sflag:s17], $0x2800  }
0xf5: {  	[sflag:s17] =	ssyncset.done $0x0  }
0xf6: {  	[sflag:s17] =	ssyncadd.s32 $0xFFFFD800  }
0xf7: {  	_ =	swait.ge [sflag:s22], $0x50  }
0xf8: {  	s6 =	sadd.s32 $0x28, s6;
	[sflag:s22] =	ssyncset.done $0x0  }
0xf9: {  	p5 =	sne.s32 s6, $0x4D8;
	[sflag:s22] =	ssyncadd.s32 $0xFFFFFFB0  }
0xfa: {  	[spmem:s2] =	stream.indirect.scatter.add.f32 [tilespmem:s30], [sflag:$0xD], $0x80, s12, s31, $0xb8;
	[tilespmem:$0x1DF78] =	vst v63  }
.Ltmp0:
0xfb: {  	_ =	swait.ge [sflag:s19], $0x2800;
	(pc) =	sbr.rel @p5 .LBB2_2-.Ltmp0, $4  }
0xfc: {  	[sflag:s19] =	ssyncset.done $0x0  }
0xfd: {  	[sflag:s19] =	ssyncadd.s32 $0xFFFFD800  }
0xfe: {  	[spmem:s3] =	stream.indirect.scatter.add.f32 [tilespmem:s20], [sflag:$0xD], $0x1, s12, s31, $0xb8;
	[tilespmem:$0x1DF78] =	vst v63  }
0xff: {  	s10 =	sadd.s32 $0x140, s10;
	_ =	swait.ge [sflag:s19], $0x50  }
0x100: {  	s0 =	rddreg [dreg:$0xa]  }
0x101: {  	[sflag:s19] =	ssyncset.done $0x0;
	s6 =	rddreg [dreg:$0x9]  }
0x102: {  	s7 =	simm.s32 $0x1DC00;
	[sflag:s19] =	ssyncadd.s32 $0xFFFFFFB0;
	s0 =	sadd.s32 s28, s0  }
0x103: {  	[tilespmem:s7], [sflag:$0xC] =	stream.linear.gather [hbm4b:s0+s4], $0x50, $0x38;
	[tilespmem:$0x1DF78] =	vst v63  }
0x104: {  	s30 =	sadd.s32 s28, s6  }
0x105: {  	[tilespmem:s12], [sflag:$0x8] =	stream.linear.gather [hbm4b:s30+s4], $0x50, $0x38;
	[tilespmem:$0x1DF78] =	vst v63  }
0x106: {  	_ =	swait.ge [sflag:s13], $0x50  }
0x107: {  	[sflag:s13] =	ssyncset.done $0x0  }
0x108: {  	s23 =	simm.s32 $0x18880;
	s6 =	simm.s32 $0x1DB80;
	[sflag:s13] =	ssyncadd.s32 $0xFFFFFFB0  }
0x109: {  	[tilespmem:s23], [sflag:$0x3] =	stream.indirect.gather [hbm4b:s1+s31], $0x80, s6, s31, $0xb8;
	[tilespmem:$0x1DF78] =	vst v63  }
0x10a: {  	_ =	swait.ge [sflag:s15], $0x2800  }
0x10b: {  	[sflag:s15] =	ssyncset.done $0x0  }
0x10c: {  	[sflag:s15] =	ssyncadd.s32 $0xFFFFD800  }
0x10d: {  	_ =	swait.ge [sflag:s18], $0x50  }
0x10e: {  	[sflag:s18] =	ssyncset.done $0x0  }
0x10f: {  	s14 =	simm.s32 $0x13880;
	s24 =	simm.s32 $0x1D880;
	[sflag:s18] =	ssyncadd.s32 $0xFFFFFFB0  }
0x110: {  	[spmem:s2] =	stream.indirect.scatter.add.f32 [tilespmem:s14], [sflag:$0xD], $0x80, s24, s31, $0xb8;
	[tilespmem:$0x1DF78] =	vst v63  }
0x111: {  	_ =	swait.ge [sflag:s19], $0x2800  }
0x112: {  	[sflag:s19] =	ssyncset.done $0x0  }
0x113: {  	[sflag:s19] =	ssyncadd.s32 $0xFFFFD800  }
0x114: {  	[spmem:s3] =	stream.indirect.scatter.add.f32 [tilespmem:s20], [sflag:$0xD], $0x1, s24, s31, $0xb8;
	[tilespmem:$0x1DF78] =	vst v63  }
0x115: {  	s10 =	sshrl.u32 s10, $0x3;
	_ =	swait.ge [sflag:s19], $0x50  }
0x116: {  	s11 =	simm.s32 $0x1DA80;
	[sflag:s19] =	ssyncset.done $0x0;
	s25 =	rddreg [dreg:$0xb]  }
0x117: {  	s26 =	rddreg [dreg:$0xc];
	s6 =	sadd.s32 s25, s10;
	[sflag:s19] =	ssyncadd.s32 $0xFFFFFFB0  }
0x118: {  	[tilespmem:s11], [sflag:$0x9] =	stream.linear.gather [hbm4b:s6+s4], $0x50, $0x38;
	[tilespmem:$0x1DF78] =	vst v63  }
0x119: {  	s0 =	sadd.s32 s26, s10  }
0x11a: {  	[tilespmem:s24], [sflag:$0x5] =	stream.linear.gather [hbm4b:s0+s4], $0x50, $0x38;
	[tilespmem:$0x1DF78] =	vst v63  }
0x11b: {  	_ =	swait.ge [sflag:s21], $0x50  }
0x11c: {  	[sflag:s21] =	ssyncset.done $0x0  }
0x11d: {  	s25 =	simm.s32 $0x1B080;
	[sflag:s21] =	ssyncadd.s32 $0xFFFFFFB0  }
0x11e: {  	[tilespmem:s25], [sflag:$0x4] =	stream.indirect.gather [hbm4b:s1+s31], $0x80, s7, s31, $0xb8;
	[tilespmem:$0x1DF78] =	vst v63  }
0x11f: {  	_ =	swait.ge [sflag:s5], $0x2800  }
0x120: {  	[sflag:s5] =	ssyncset.done $0x0  }
0x121: {  	[sflag:s5] =	ssyncadd.s32 $0xFFFFD800  }
0x122: {  	_ =	swait.ge [sflag:s9], $0x50  }
0x123: {  	[sflag:s9] =	ssyncset.done $0x0  }
0x124: {  	s29 =	simm.s32 $0x1D900;
	s30 =	simm.s32 $0x16080;
	[sflag:s9] =	ssyncadd.s32 $0xFFFFFFB0  }
0x125: {  	[spmem:s2] =	stream.indirect.scatter.add.f32 [tilespmem:s30], [sflag:$0xD], $0x80, s29, s31, $0xb8;
	[tilespmem:$0x1DF78] =	vst v63  }
0x126: {  	_ =	swait.ge [sflag:s19], $0x2800  }
0x127: {  	[sflag:s19] =	ssyncset.done $0x0  }
0x128: {  	p5 =	seq.s32 s28, $0x4B0;
	[sflag:s19] =	ssyncadd.s32 $0xFFFFD800  }
0x129: {  	[spmem:s3] =	stream.indirect.scatter.add.f32 [tilespmem:s20], [sflag:$0xD], $0x1, s29, s31, $0xb8;
	[tilespmem:$0x1DF78] =	vst v63  }
0x12a: {  	s10 =	simm.s32 @!p5 $0x1DB00;
	_ =	swait.ge [sflag:s19], $0x50  }
0x12b: {  	s7 =	simm.s32 @!p5 $0x0;
	s0 =	rddreg [dreg:$0x6];
	[sflag:s19] =	ssyncset.done $0x0  }
0x12c: {  	s6 =	rddreg [dreg:$0x5];
	[sflag:s19] =	ssyncadd.s32 $0xFFFFFFB0;
	s0 =	sadd.s32 @!p5 s28, s0  }
0x12d: {  	[tilespmem:s10], [sflag:$0xA] =	stream.linear.gather @!p5 [hbm4b:s0+s7], $0x50, $0x38;
	[tilespmem:$0x1DF78] =	vst v63  }
0x12e: {  	s6 =	sadd.s32 @!p5 s28, s6;
	s0 =	simm.s32 @!p5 $0x1D900  }
0x12f: {  	[tilespmem:s0], [sflag:$0x6] =	stream.linear.gather @!p5 [hbm4b:s6+s7], $0x50, $0x38;
	[tilespmem:$0x1DF78] =	vst v63  }
0x130: {  	s6 =	simm.s32 $0x9  }
0x131: {  	_ =	swait.ge [sflag:s6], $0x50  }
0x132: {  	[sflag:s6] =	ssyncset.done $0x0  }
0x133: {  	[sflag:s6] =	ssyncadd.s32 $0xFFFFFFB0  }
0x134: {  	[tilespmem:s14], [sflag:$0x1] =	stream.indirect.gather [hbm4b:s1+s31], $0x80, s11, s31, $0xb8;
	[tilespmem:$0x1DF78] =	vst v63  }
0x135: {  	_ =	swait.ge [sflag:s8], $0x2800  }
0x136: {  	[sflag:s8] =	ssyncset.done $0x0  }
0x137: {  	[sflag:s8] =	ssyncadd.s32 $0xFFFFD800  }
0x138: {  	_ =	swait.ge [sflag:s16], $0x50  }
0x139: {  	[sflag:s16] =	ssyncset.done $0x0  }
0x13a: {  	s26 =	simm.s32 $0x1D980;
	[sflag:s16] =	ssyncadd.s32 $0xFFFFFFB0  }
0x13b: {  	[spmem:s2] =	stream.indirect.scatter.add.f32 [tilespmem:s23], [sflag:$0xD], $0x80, s26, s31, $0xb8;
	[tilespmem:$0x1DF78] =	vst v63  }
0x13c: {  	_ =	swait.ge [sflag:s19], $0x2800  }
0x13d: {  	[sflag:s19] =	ssyncset.done $0x0  }
0x13e: {  	[sflag:s19] =	ssyncadd.s32 $0xFFFFD800  }
0x13f: {  	[spmem:s3] =	stream.indirect.scatter.add.f32 [tilespmem:s20], [sflag:$0xD], $0x1, s26, s31, $0xb8;
	[tilespmem:$0x1DF78] =	vst v63  }
0x140: {  	_ =	swait.ge [sflag:s19], $0x50  }
0x141: {  	s11 =	simm.s32 @!p5 $0x1DB80;
	s0 =	rddreg [dreg:$0x8];
	[sflag:s19] =	ssyncset.done $0x0  }
0x142: {  	s6 =	rddreg [dreg:$0x7];
	[sflag:s19] =	ssyncadd.s32 $0xFFFFFFB0;
	s0 =	sadd.s32 @!p5 s28, s0  }
0x143: {  	[tilespmem:s11], [sflag:$0xB] =	stream.linear.gather @!p5 [hbm4b:s0+s7], $0x50, $0x38;
	[tilespmem:$0x1DF78] =	vst v63  }
0x144: {  	s6 =	sadd.s32 @!p5 s28, s6;
	s0 =	simm.s32 @!p5 $0x1D980;
	s11 =	simm.s32 @!p5 $0xA  }
0x145: {  	[tilespmem:s0], [sflag:$0x7] =	stream.linear.gather @!p5 [hbm4b:s6+s7], $0x50, $0x38;
	[tilespmem:$0x1DF78] =	vst v63  }
0x146: {  	_ =	swait.ge @!p5 [sflag:s11], $0x50  }
0x147: {  	[sflag:s11] =	ssyncset.done @!p5 $0x0  }
0x148: {  	s0 =	simm.s32 @!p5 $0x50;
	s6 =	simm.s32 @!p5 $0x16080;
	[sflag:s11] =	ssyncadd.s32 @!p5 $0xFFFFFFB0  }
0x149: {  	[tilespmem:s6], [sflag:$0x2] =	stream.indirect.gather @!p5 [hbm4b:s1+s0], $0x80, s10, s0, $0xb8;
	[tilespmem:$0x1DF78] =	vst v63  }
0x14a: {  	_ =	swait.ge [sflag:s17], $0x2800  }
0x14b: {  	[sflag:s17] =	ssyncset.done $0x0  }
0x14c: {  	[sflag:s17] =	ssyncadd.s32 $0xFFFFD800  }
0x14d: {  	_ =	swait.ge [sflag:s22], $0x50  }
0x14e: {  	[sflag:s22] =	ssyncset.done $0x0  }
0x14f: {  	[sflag:s22] =	ssyncadd.s32 $0xFFFFFFB0  }
0x150: {  	[spmem:s2] =	stream.indirect.scatter.add.f32 [tilespmem:s25], [sflag:$0xD], $0x80, s12, s31, $0xb8;
	[tilespmem:$0x1DF78] =	vst v63  }
0x151: {  	_ =	swait.ge [sflag:s19], $0x2800  }
0x152: {  	[sflag:s19] =	ssyncset.done $0x0  }
0x153: {  	[sflag:s19] =	ssyncadd.s32 $0xFFFFD800  }
0x154: {  	[spmem:s3] =	stream.indirect.scatter.add.f32 [tilespmem:s20], [sflag:$0xD], $0x1, s12, s31, $0xb8;
	[tilespmem:$0x1DF78] =	vst v63  }
0x155: {  	_ =	swait.ge [sflag:s19], $0x50  }
0x156: {  	[sflag:s19] =	ssyncset.done $0x0  }
0x157: {  	[sflag:s19] =	ssyncadd.s32 $0xFFFFFFB0  }
0x158: {  	_ =	swait.ge [sflag:s15], $0x2800  }
0x159: {  	[sflag:s15] =	ssyncset.done $0x0  }
0x15a: {  	[sflag:s15] =	ssyncadd.s32 $0xFFFFD800  }
0x15b: {  	_ =	swait.ge [sflag:s18], $0x50  }
0x15c: {  	[sflag:s18] =	ssyncset.done $0x0  }
0x15d: {  	[sflag:s18] =	ssyncadd.s32 $0xFFFFFFB0  }
0x15e: {  	[spmem:s2] =	stream.indirect.scatter.add.f32 [tilespmem:s14], [sflag:$0xD], $0x80, s24, s31, $0xb8;
	[tilespmem:$0x1DF78] =	vst v63  }
0x15f: {  	_ =	swait.ge [sflag:s19], $0x2800  }
0x160: {  	[sflag:s19] =	ssyncset.done $0x0  }
0x161: {  	[sflag:s19] =	ssyncadd.s32 $0xFFFFD800  }
0x162: {  	[spmem:s3] =	stream.indirect.scatter.add.f32 [tilespmem:s20], [sflag:$0xD], $0x1, s24, s31, $0xb8;
	[tilespmem:$0x1DF78] =	vst v63  }
0x163: {  	_ =	swait.ge [sflag:s19], $0x50  }
0x164: {  	[sflag:s19] =	ssyncset.done $0x0  }
0x165: {  	[sflag:s19] =	ssyncadd.s32 $0xFFFFFFB0  }
0x166: {  	[bflag:$0x0] =	sbarrier.arrive $0xFFFF  }
0x167: {  	s26 =	rddreg [dreg:$0x16]  }
0x168: {  	s6 =	simm.s32 @p3 $0x1FCD;
	s7 =	rddreg [dreg:$0x18];
	s0 =	sshrl.u32 @p3 s26, $0x3  }
0x169: {  	[hbm:s7], [sflag:s6] =	dma.local @p3 [spmem:s0], $0x2800  }
0x16a: {  	s0 =	simm.s32 @p3 $0xD  }
0x16b: {  	_ =	swait.ge @p3 [sflag:s0], $0x2800  }
0x16c: {  	s14 =	stileid.u32;
	s23 =	rddreg [dreg:$0x15]  }
0x16d: {  	s6 =	sshll.u32 @!p3 s14, $0x6;
	[sflag:s0] =	ssyncset.done @p3 $0x0;
	s7 =	rddreg [dreg:$0x17]  }
0x16e: {  	[sflag:s0] =	ssyncadd.s32 @p3 $0xFFFFD800;
	s0 =	sor.u32 @!p3 $0x1C0D, s6;
	s6 =	sshrl.u32 @!p3 s23, $0x3  }
0x16f: {  	[hbm:s7], [sflag:s0] =	dma.local @!p3 [spmem:s6], $0x2700  }
0x170: {  	s11 =	simm.s32 @p4 $0x10;
	s0 =	simm.s32 @!p3 $0xD  }
0x171: {  	s10 =	simm.s32 @p4 $0x20;
	s6 =	sshll.u32 @p4 s14, $0x6;
	_ =	swait.ge @!p3 [sflag:s0], $0x2700  }
0x172: {  	s7 =	simm.s32 @p4 $0x1;
	[sflag:s0] =	ssyncset.done @!p3 $0x0;
	s28 =	rddreg [dreg:$0x19]  }
0x173: {  	[sflag:s0] =	ssyncadd.s32 @!p3 $0xFFFFD900;
	s0 =	sor.u32 @p4 $0x1C0D, s6;
	s6 =	sshrl.u32 @p4 s3, $0x3  }
0x174: {  	[hbm:s28@s10], [sflag:s0] =	dma.strided @p4 [spmem:s6@s11], $0x4F0, s7, $0x10   }
0x175: {  	s0 =	simm.s32 @p4 $0xD  }
0x176: {  	_ =	swait.ge @p4 [sflag:s0], $0x4F0  }
0x177: {  	s29 =	rddreg [dreg:$0x1c]  }
0x178: {  	s30 =	rddreg [dreg:$0x1a];
	s7 =	sadd.s32 $0x1, s29  }
0x179: {  	p5 =	sne.s32 s7, s30  }
.Ltmp1:
0x17a: {  	_ = 	snop;
	(pc) =	sbr.rel @p5 .LBB2_1-.Ltmp1, $3  }
0x17b: {  	_ =	sdelay $0x1  }
0x17c: {  	[sflag:s0] =	ssyncset.done @p4 $0x0  }
0x17d: {  	[sflag:s0] =	ssyncadd.s32 @p4 $0xFFFFFB10  }
0x17e: {  	_ =	sfence.sel $0x180000  }
0x17f: {  	[bflag:$0x0] =	sbarrier.arrive $0xFFFF  }
0x180: {  	_ =	strace $0x90000047  }
0x181: {  	[bflag:$0x2] =	sbarrier.arrive $0xFFFF  }
0x182: {  	p0 =	sne.s32 s14, $0x0;
	s0 =	rddreg [dreg:$0x4]  }
0x183: {  	s0 =	sadd.s32 @!p0 $0x100000, s0  }
0x184: {  	[sflag:s0] =	ssyncadd.tile.s32 @!p0 $0x1;
	_ =	shalt  }
.Lfunc_end2:
_tile_overlayer_lowered:
.L_overlay_start_2:
0x185: {  	(tag) =	ssettag $0x2  }
0x186: {  	s0 =	rddreg [dreg:$0x0];
	s2 =	stileid.u32  }
0x187: {  	s1 =	rddreg [dreg:$0x1];
	p0 =	sne.s32 s2, $0x0  }
0x188: {  	s3 =	rddreg [dreg:$0x2];
	[bflag:$0x3] =	sbarrier.arrive $0xFFFF;
	s2 =	simm.s32 @!p0 $0x1C0D  }
0x189: {  	[timem:s3], [sflag:s2] =	dma.local @!p0 [hbm:s0], s1  }
0x18a: {  	s0 =	simm.s32 @!p0 $0xD  }
0x18b: {  	_ =	swait.ge @!p0 [sflag:s0], s1  }
0x18c: {  	s1 =	ssub.s32 @!p0 $0x0, s1;
	[sflag:s0] =	ssyncset.done @!p0 $0x0  }
0x18d: {  	[sflag:s0] =	ssyncadd.s32 @!p0 s1  }
0x18e: {  	[bflag:$0x3] =	sbarrier.arrive $0xFFFF  }
0x18f: {  	_ =	shalt  }

</sc_bundles>
